<compile_context>
chip_gen: v7x
topology: tpu7x:2x2x1
jax: 0.10.2.dev20260603
libtpu: 0.0.44.dev20260713+nightly
codegen_flags: <defaults>
</compile_context>

<pallas_src>
import dataclasses
import functools

import jax
import jax.numpy as jnp
from jax import lax
from jax.experimental import pallas as pl
from jax.experimental.pallas import tpu as pltpu
from jax.experimental.pallas import tpu_sc as plsc

_N = 10000
_E = 320000
_F = 128
_EF = 16
_NH = 5000
_TBL_DATA = 5120
_TBL_DUMP = 512
_TBL = _TBL_DATA + _TBL_DUMP
_NC, _NS = 2, 16
_NW = _NC * _NS

_mesh = lambda: plsc.VectorSubcoreMesh(core_axis_name="c", subcore_axis_name="s")


def _sc_params():
    cp = pltpu.CompilerParams()
    if "needs_layout_passes" in pltpu.CompilerParams.__dataclass_fields__:
        cp = dataclasses.replace(cp, needs_layout_passes=False)
    return cp


def _sc_gather(nf, src, dst):
    CH = 256
    NCHUNK = _E // CH
    ITERS = (NCHUNK + _NW - 1) // _NW
    out = jax.ShapeDtypeStruct((NCHUNK * 2, 128, _F), nf.dtype)

    @functools.partial(
        pl.kernel, out_type=(out, out), mesh=_mesh(),
        scratch_types=[
            pltpu.VMEM((128,), jnp.int32),
            pltpu.VMEM((128,), jnp.int32),
            pltpu.VMEM((128,), jnp.int32),
            pltpu.VMEM((128,), jnp.int32),
            pltpu.VMEM((128, _F), nf.dtype),
            pltpu.VMEM((128, _F), nf.dtype),
            pltpu.VMEM((128, _F), nf.dtype),
            pltpu.VMEM((128, _F), nf.dtype),
            pltpu.SemaphoreType.DMA,
        ],
    )
    def k(nf_hbm, src_hbm, dst_hbm, os_hbm, od_hbm,
          sa, sb, da, db, ra, rb, rc, rd, sem):
        wid = lax.axis_index("s") * _NC + lax.axis_index("c")

        @pl.loop(0, ITERS)
        def _(i):
            c = wid + _NW * i

            @pl.when(c < NCHUNK)
            def _():
                pltpu.sync_copy(src_hbm.at[pl.ds(c * CH, 128)], sa)
                pltpu.sync_copy(src_hbm.at[pl.ds(c * CH + 128, 128)], sb)
                pltpu.sync_copy(dst_hbm.at[pl.ds(c * CH, 128)], da)
                pltpu.sync_copy(dst_hbm.at[pl.ds(c * CH + 128, 128)], db)
                cps = [pltpu.async_copy(nf_hbm.at[sa], ra, sem),
                       pltpu.async_copy(nf_hbm.at[sb], rb, sem),
                       pltpu.async_copy(nf_hbm.at[da], rc, sem),
                       pltpu.async_copy(nf_hbm.at[db], rd, sem)]
                for cp in cps:
                    cp.wait()
                pltpu.sync_copy(ra, os_hbm.at[c * 2])
                pltpu.sync_copy(rb, os_hbm.at[c * 2 + 1])
                pltpu.sync_copy(rc, od_hbm.at[c * 2])
                pltpu.sync_copy(rd, od_hbm.at[c * 2 + 1])

    o_s, o_d = k(nf, src, dst)
    return o_s.reshape(_E, _F), o_d.reshape(_E, _F)


def _leaky(x):
    return jnp.where(x >= 0, x, 0.2 * x)


def _tc_edge(nfs, nfd, ef, W):
    BE = 2560
    grid = (_E // BE,)
    names = ["A", "B", "C", "b0", "D1", "b1", "D2", "b2", "G", "bG",
             "kv", "ck", "H", "Hn", "bH"]
    ws = [W[n] for n in names]

    def body(nfs_ref, nfd_ref, ef_ref, *refs):
        wr = {n: r for n, r in zip(names, refs[:len(names)])}
        efi_ref, x1_ref, x2_ref = refs[len(names):]
        f32 = jnp.float32
        dot = lambda a, b: jnp.dot(a, b, preferred_element_type=f32)
        nfs_b = nfs_ref[...]
        z = dot(nfs_b, wr["A"][...]) + dot(nfd_ref[...], wr["B"][...]) \
            + dot(ef_ref[...], wr["C"][...]) + wr["b0"][...]
        z = _leaky(z)
        z = _leaky(dot(z, wr["D1"][...]) + wr["b1"][...])
        z = _leaky(dot(z, wr["D2"][...]) + wr["b2"][...])
        y = dot(z, wr["G"][...]) + wr["bG"][...]
        kcol = jax.nn.sigmoid(
            jnp.sum(z * wr["kv"][...], axis=1, keepdims=True) + wr["ck"][...])
        cat3 = jnp.concatenate(
            [y[:, :128], y[:, 128:256] * kcol, y[:, 256:] * kcol], axis=1)
        out3 = dot(cat3, wr["H"][...]) + dot(nfs_b, wr["Hn"][...]) + wr["bH"][...]
        efi_ref[...] = out3[:, :128]
        x1_ref[...] = out3[:, 128:256]
        x2_ref[...] = out3[:, 256:]

    in_specs = [
        pl.BlockSpec((BE, _F), lambda i: (i, 0)),
        pl.BlockSpec((BE, _F), lambda i: (i, 0)),
        pl.BlockSpec((BE, _EF), lambda i: (i, 0)),
    ] + [pl.BlockSpec(w.shape, lambda i: (0,) * w.ndim) for w in ws]
    out_sh = jax.ShapeDtypeStruct((_E, _F), jnp.float32)
    return pl.pallas_call(
        body,
        grid=grid,
        in_specs=in_specs,
        out_specs=[pl.BlockSpec((BE, _F), lambda i: (i, 0))] * 3,
        out_shape=[out_sh] * 3,
    )(nfs, nfd, ef, *ws)


def _sc_reduce(efi3, x13, x2, dst):
    NCH_A = _E // 128
    AITERS = (NCH_A + _NS - 1) // _NS
    ZR = _TBL // _NS
    CHB = 6400
    BCH = _E // CHB
    MR = _TBL_DATA // _NW
    f32 = jnp.float32
    i32 = jnp.int32
    outs = (jax.ShapeDtypeStruct((_NC, _TBL, _F), f32),
            jax.ShapeDtypeStruct((_TBL_DATA, 16), f32),
            jax.ShapeDtypeStruct((_TBL_DATA, _F), f32))

    @functools.partial(
        pl.kernel, out_type=outs, mesh=_mesh(),
        scratch_types=[
            pltpu.VMEM((128, _F), f32),
            pltpu.VMEM((128,), i32),
            pltpu.VMEM((128,), i32),
            pltpu.VMEM((CHB,), i32),
            pltpu.VMEM((CHB,), i32),
            pltpu.VMEM((CHB,), i32),
            pltpu.VMEM((64, _F), f32),
            pltpu.VMEM((MR, 16), f32),
            pltpu.VMEM((MR, _F), f32),
            pltpu.VMEM_SHARED((_TBL, _F), f32),
            pltpu.SemaphoreType.DMA,
        ],
        compiler_params=_sc_params(),
    )
    def k(efi_hbm, x1_hbm, x2_hbm, dst_hbm, o_sum, o_dg, o_mx,
          rowbuf, dbufa, idxr, dbufb, idbuf, ldbuf,
          gbuf, dgt, acc, t_main, sem):
        cid = lax.axis_index("c")
        sid = lax.axis_index("s")
        wid = sid * _NC + cid
        io = lax.iota(i32, 16)

        @pl.loop(0, MR)
        def _(r):
            @pl.loop(0, _F, step=16)
            def _(v):
                acc[r, pl.ds(v, 16)] = jnp.zeros((16,), f32)

        zb = sid * ZR
        pltpu.sync_copy(acc, t_main.at[pl.ds(zb, MR)])
        pltpu.sync_copy(acc, t_main.at[pl.ds(zb + MR, MR)])
        pltpu.sync_copy(acc.at[pl.ds(0, ZR - 2 * MR)],
                        t_main.at[pl.ds(zb + 2 * MR, ZR - 2 * MR)])
        plsc.subcore_barrier()

        dumpb = _TBL_DATA + sid * 32 + io
        cz = cid == 0

        @pl.loop(0, AITERS)
        def _(i):
            c = sid + _NS * i

            @pl.when(c < NCH_A)
            def _():
                pltpu.sync_copy(dst_hbm.at[pl.ds(c * 128, 128)], dbufa)

                @pl.loop(0, 128, step=16)
                def _(v):
                    d = dbufa[pl.ds(v, 16)]
                    dump = dumpb + (v & 16)
                    i0 = jnp.where(d < _NH, d, dump)
                    i1 = jnp.where(d >= _NH, d - _NH, dump)
                    idxr[pl.ds(v, 16)] = jnp.where(cz, i0, i1)

                @pl.when(cid == 0)
                def _():
                    pltpu.sync_copy(efi_hbm.at[c], rowbuf)

                @pl.when(cid == 1)
                def _():
                    pltpu.sync_copy(x1_hbm.at[c], rowbuf)

                pltpu.sync_copy(rowbuf, t_main.at[idxr], add=True)

        plsc.subcore_barrier()
        pltpu.sync_copy(t_main.at[pl.ds(zb, ZR)], o_sum.at[cid, pl.ds(zb, ZR)])

        lo = _NH + wid * MR

        @pl.loop(0, MR)
        def _(r):
            @pl.loop(0, _F, step=16)
            def _(v):
                acc[r, pl.ds(v, 16)] = jnp.full((16,), -3.0e38, f32)
            dgt[r, pl.ds(0, 16)] = jnp.zeros((16,), f32)

        @pl.loop(0, CHB, step=16)
        def _(v):
            idbuf[pl.ds(v, 16)] = jnp.zeros((16,), i32)

        @pl.loop(0, BCH)
        def _(t):
            pltpu.sync_copy(dst_hbm.at[pl.ds(t * CHB, CHB)], dbufb)

            def scan_body(g, cnt):
                ms, locs = [], []
                for kk in range(4):
                    d = dbufb[pl.ds(g * 64 + kk * 16, 16)]
                    loc = d - lo
                    m = (loc >= 0) & (loc < MR)
                    ms.append(m)
                    locs.append(loc)
                anym = jnp.any(ms[0] | ms[1] | ms[2] | ms[3])

                def matched(c):
                    for kk in range(4):
                        eid = t * CHB + g * 64 + kk * 16 + io
                        plsc.store_compressed(
                            idbuf.at[pl.ds(c, 16)], eid, mask=ms[kk])
                        plsc.store_compressed(
                            ldbuf.at[pl.ds(c, 16)], locs[kk], mask=ms[kk])
                        c = c + jnp.sum(ms[kk].astype(i32))
                    return c

                return lax.cond(anym, matched, lambda c: c, cnt)

            cnt = lax.fori_loop(0, CHB // 64, scan_body, jnp.int32(0))

            @pl.loop(0, CHB // 64)
            def _(g):
                @pl.when(cnt > g * 64)
                def _():
                    pltpu.async_copy(
                        x2_hbm.at[idbuf.at[pl.ds(g * 64, 64)]], gbuf,
                        sem).wait()
                    n_g = jnp.minimum(cnt - g * 64, 64)

                    def rmw(j, carry):
                        jj = g * 64 + j
                        base = (jj // 16) * 16
                        grp = ldbuf[pl.ds(base, 16)]
                        d = jnp.sum(jnp.where(io == jj - base, grp, 0))
                        s16 = pl.ds(0, 16)
                        dgt[d, s16] = dgt[d, s16] + jnp.ones((16,), f32)
                        for c8 in range(8):
                            sl = pl.ds(c8 * 16, 16)
                            acc[d, sl] = jnp.maximum(acc[d, sl], gbuf[j, sl])
                        return carry

                    lax.fori_loop(0, n_g, rmw, jnp.int32(0))

        pltpu.sync_copy(acc, o_mx.at[pl.ds(wid * MR, MR)])
        pltpu.sync_copy(dgt, o_dg.at[pl.ds(wid * MR, MR)])

    return k(efi3, x13, x2, dst)


def _tc_node(inputs, weights, nrows, body):
    BN = 1000
    names, ws = zip(*weights.items())

    def kern(*refs):
        n_in = len(inputs)
        in_refs = refs[:n_in]
        wr = {n: r for n, r in zip(names, refs[n_in:n_in + len(names)])}
        out_ref = refs[-1]
        body(in_refs, wr, out_ref)

    in_specs = [pl.BlockSpec((BN, a.shape[1]), lambda i: (i, 0)) for a in inputs]
    in_specs += [pl.BlockSpec(w.shape, lambda i: (0,) * w.ndim) for w in ws]
    return pl.pallas_call(
        kern,
        grid=(nrows // BN,),
        in_specs=in_specs,
        out_specs=pl.BlockSpec((BN, _F), lambda i: (i, 0)),
        out_shape=jax.ShapeDtypeStruct((nrows, _F), jnp.float32),
    )(*inputs, *ws)


def _mlp_tail(z, wr, dot):
    z = _leaky(dot(z, wr["R1"][...]) + wr["rb1"][...])
    z = _leaky(dot(z, wr["R2"][...]) + wr["rb2"][...])
    return dot(z, wr["R3"][...]) + wr["rb3"][...]


def _prep_edge_weights(p):
    mo = p["msg_net_out"]
    mi = p["msg_net_in"]
    fco = p["msg_net_out_fc"]
    fc1 = p["msg_net_in_fc1"]
    fc2 = p["msg_net_in_fc2"]
    cat = jnp.concatenate
    z64 = jnp.zeros((64, 64), jnp.float32)

    W0, V0 = mo[0]["w"], mi[0]["w"]
    A = cat([W0[:128], V0[:128]], 1)
    B = cat([W0[128:256], V0[128:256]], 1)
    C = cat([W0[256:], V0[256:]], 1)
    b0 = cat([mo[0]["b"], mi[0]["b"]]).reshape(1, 128)
    D1 = cat([cat([mo[1]["w"], z64], 1), cat([z64, mi[1]["w"]], 1)], 0)
    b1 = cat([mo[1]["b"], mi[1]["b"]]).reshape(1, 128)
    D2 = cat([cat([mo[2]["w"], z64], 1), cat([z64, mi[2]["w"]], 1)], 0)
    b2 = cat([mo[2]["b"], mi[2]["b"]]).reshape(1, 128)

    W3 = mo[3]["w"]
    V3 = mi[3]["w"]
    z_a = jnp.zeros((64, 256), jnp.float32)
    z_b = jnp.zeros((64, 128), jnp.float32)
    G = cat([cat([W3, z_a], 1), cat([z_b, V3[:, 1:]], 1)], 0)
    bG = cat([mo[3]["b"], mi[3]["b"][1:]]).reshape(1, 384)
    kv = cat([jnp.zeros((64,), jnp.float32), V3[:, 0]]).reshape(1, 128)
    ck = mi[3]["b"][0].reshape(1, 1)

    z128 = jnp.zeros((128, 128), jnp.float32)
    H = cat([cat([fco["w"][:128], z128, z128], 1),
             cat([z128, fc1["w"][:128], z128], 1),
             cat([z128, z128, fc2["w"][:128]], 1)], 0)
    Hn = cat([fco["w"][128:], fc1["w"][128:], fc2["w"][128:]], 1)
    bH = cat([fco["b"], fc1["b"], fc2["b"]]).reshape(1, 384)
    return dict(A=A, B=B, C=C, b0=b0, D1=D1, b1=b1, D2=D2, b2=b2,
                G=G, bG=bG, kv=kv, ck=ck, H=H, Hn=Hn, bH=bH)


def _prep_node_weights(layers, splits):
    w0 = layers[0]["w"]
    d = {}
    off = 0
    for i, s in enumerate(splits):
        d[f"R0{'abc'[i]}"] = w0[off:off + s]
        off += s
    d["rb0"] = layers[0]["b"].reshape(1, -1)
    for i in (1, 2, 3):
        d[f"R{i}"] = layers[i]["w"]
        d[f"rb{i}"] = layers[i]["b"].reshape(1, -1)
    return d


def kernel(nf, ef, params, edge_index):
    src = edge_index[0].reshape(_E)
    dst = edge_index[1].reshape(_E)

    nf_src, nf_dst = _sc_gather(nf, src, dst)
    efi, x1, x2 = _tc_edge(nf_src, nf_dst, ef, _prep_edge_weights(params))
    o_sum, o_dg, mx = _sc_reduce(
        efi.reshape(_E // 128, 128, _F), x1.reshape(_E // 128, 128, _F),
        x2, dst)
    s_efi, s_x1, s_dg = o_sum[0], o_sum[1], o_dg

    dot = lambda a, b: jnp.dot(a, b, preferred_element_type=jnp.float32)

    w_out = _prep_node_weights(params["reduce_net_out"], (128, 128))

    def body_out(in_refs, wr, out_ref):
        nf_r, a_r = in_refs
        z = _leaky(dot(nf_r[...], wr["R0a"][...])
                   + dot(a_r[...], wr["R0b"][...]) + wr["rb0"][...])
        out_ref[...] = _mlp_tail(z, wr, dot)

    out1 = _tc_node((nf[:_NH], s_efi[:_NH]), w_out, _NH, body_out)

    w_in = _prep_node_weights(params["reduce_net_in"], (128, 128, 128))

    def body_in(in_refs, wr, out_ref):
        nf_r, a_r, d_r, mx_r = in_refs
        deg = jnp.sum(d_r[...], axis=1, keepdims=True) * 0.0625
        nfo1 = a_r[...] / jnp.maximum(deg, 1.0)
        nfo2 = jnp.where(deg > 0, mx_r[...], 0.0)
        z = _leaky(dot(nf_r[...], wr["R0a"][...]) + dot(nfo1, wr["R0b"][...])
                   + dot(nfo2, wr["R0c"][...]) + wr["rb0"][...])
        out_ref[...] = _mlp_tail(z, wr, dot)

    out2 = _tc_node((nf[_NH:], s_x1[:_NH], s_dg[:_NH], mx[:_NH]),
                    w_in, _NH, body_in)

    return jnp.concatenate([out1, out2], axis=0)

# --- scband reference (transcript-rebuilt; emitter-appended) ---
"""Pipeline reference for scband-pre-rout-sgat4-74586402062772 (READ-ONLY COPY).

The authoritative reference and input builder live on the scoring server;
editing this copy changes nothing except your own understanding.
"""

import jax, jax.numpy as jnp
import numpy as np

N_NODES = 10000
N_EDGES = 320000
IN_NF = 128
IN_EF = 16
OUT_NF = 128


def _make_linear(key, fin, fout):
    k1, k2 = jax.random.split(key)
    w = jax.random.normal(k1, (fin, fout), dtype=jnp.float32) * (1.0 / np.sqrt(fin))
    b = jnp.zeros((fout,), dtype=jnp.float32)
    return {"w": w, "b": b}


def _make_mlp(key, sizes):
    keys = jax.random.split(key, len(sizes) - 1)
    return [_make_linear(k, sizes[i], sizes[i + 1]) for i, k in enumerate(keys)]


def _linear(l, x):
    return x @ l["w"] + l["b"]


def _mlp(layers, x):
    # MLP(*sizes): Linear layers with LeakyReLU(0.2) between all but the last
    for i, l in enumerate(layers):
        x = _linear(l, x)
        if i < len(layers) - 1:
            x = jax.nn.leaky_relu(x, negative_slope=0.2)
    return x


def setup_inputs(seed: int = 0) -> dict:
    key = jax.random.key(seed)
    ks = jax.random.split(key, 10)
    nf = jax.random.normal(ks[0], (N_NODES, IN_NF), dtype=jnp.float32)
    ef = jax.random.normal(ks[1], (N_EDGES, IN_EF), dtype=jnp.float32)
    edge_index = jax.random.randint(ks[2], (2, N_EDGES), 0, N_NODES, dtype=jnp.int32)
    params = {
        "msg_net_out": _make_mlp(ks[3], [2 * IN_NF + IN_EF, 64, 64, 64, IN_NF]),
        "msg_net_out_fc": _make_linear(ks[4], 2 * IN_NF, OUT_NF),
        "reduce_net_out": _make_mlp(ks[5], [IN_NF + OUT_NF, 64, 64, 64, OUT_NF]),
        "msg_net_in": _make_mlp(ks[6], [2 * IN_NF + IN_EF, 64, 64, 64, 2 * IN_NF + 1]),
        "msg_net_in_fc1": _make_linear(ks[7], 2 * IN_NF, OUT_NF),
        "msg_net_in_fc2": _make_linear(ks[8], 2 * IN_NF, OUT_NF),
        "reduce_net_in": _make_mlp(ks[9], [IN_NF + 2 * OUT_NF, 64, 64, 64, OUT_NF]),
    }
    return {"nf": nf, "ef": ef, "params": params, "edge_index": edge_index}


def reference(nf, ef, params, edge_index):
    src = edge_index[0]
    dst = edge_index[1]
    nf_src = jnp.take(nf, src, axis=0)
    nf_dst = jnp.take(nf, dst, axis=0)

    # --- net_out path: edge_msg_net_out + sum reduce + node_reduce_net_out ---
    x = jnp.concatenate([nf_src, nf_dst, ef], axis=1)
    x = _mlp(params["msg_net_out"], x)
    x = jnp.concatenate([x, nf_src], axis=1)
    efi = _linear(params["msg_net_out_fc"], x)
    nfi = jax.ops.segment_sum(efi, dst, num_segments=N_NODES)
    new_nf_out = _mlp(params["reduce_net_out"], jnp.concatenate([nf, nfi], axis=1))

    # --- net_in path: edge_msg_net_in + mean/max reduce + node_reduce_net_in ---
    y = _mlp(params["msg_net_in"], jnp.concatenate([nf_src, nf_dst, ef], axis=1))
    k = jax.nn.sigmoid(y[:, :1])
    f1 = y[:, 1:1 + IN_NF]
    f2 = y[:, 1 + IN_NF:]
    x1 = _linear(params["msg_net_in_fc1"], jnp.concatenate([f1 * k, nf_src], axis=1))
    x2 = _linear(params["msg_net_in_fc2"], jnp.concatenate([f2 * k, nf_src], axis=1))
    deg = jax.ops.segment_sum(jnp.ones((x1.shape[0],), x1.dtype), dst, num_segments=N_NODES)
    nfo1 = jax.ops.segment_sum(x1, dst, num_segments=N_NODES) / jnp.maximum(deg, 1.0)[:, None]
    nfo2 = jax.ops.segment_max(x2, dst, num_segments=N_NODES)
    nfo2 = jnp.where(deg[:, None] > 0, nfo2, 0.0)
    new_nf_in = _mlp(params["reduce_net_in"], jnp.concatenate([nf, nfo1, nfo2], axis=1))

    # DGL apply_nodes updates disjoint node subsets (input_nodes / output_nodes);
    # model as first half = input_nodes, second half = output_nodes.
    node_ids = jnp.arange(N_NODES)
    new_nf = jnp.where((node_ids < N_NODES // 2)[:, None], new_nf_out, new_nf_in)
    return new_nf

if __name__ == "__main__":
    import jax
    _d = setup_inputs()
    print(jax.jit(kernel)(*tuple(_d.values())))

</pallas_src>

<mosaic_0001>
#map = affine_map<(d0, d1) -> (0, 0, 0)>
#map1 = affine_map<(d0, d1) -> (0, 0)>
#map2 = affine_map<(d0, d1) -> (0)>
module attributes {stable_mosaic.version = 14 : i64} {
  func.func @k(%arg0: i32, %arg1: i32, %arg2: memref<2500x128x128xf32, #tpu.memory_space<hbm>>, %arg3: memref<2500x128x128xf32, #tpu.memory_space<hbm>>, %arg4: memref<320000x128xf32, #tpu.memory_space<hbm>>, %arg5: memref<320000xi32, #tpu.memory_space<hbm>>, %arg6: memref<2x5632x128xf32, #tpu.memory_space<hbm>>, %arg7: memref<5120x16xf32, #tpu.memory_space<hbm>>, %arg8: memref<5120x128xf32, #tpu.memory_space<hbm>>, %arg9: memref<128x128xf32, #tpu.memory_space<vmem>>, %arg10: memref<128xi32, #tpu.memory_space<vmem>>, %arg11: memref<128xi32, #tpu.memory_space<vmem>>, %arg12: memref<6400xi32, #tpu.memory_space<vmem>>, %arg13: memref<6400xi32, #tpu.memory_space<vmem>>, %arg14: memref<6400xi32, #tpu.memory_space<vmem>>, %arg15: memref<64x128xf32, #tpu.memory_space<vmem>>, %arg16: memref<160x16xf32, #tpu.memory_space<vmem>>, %arg17: memref<160x128xf32, #tpu.memory_space<vmem>>, %arg18: memref<5632x128xf32, #tpu.memory_space<vmem_shared>>, %arg19: memref<!tpu.dma_semaphore, #tpu.memory_space<semaphore_mem>>) attributes {dimension_semantics = [#tpu.dimension_semantics<core_parallel>, #tpu.dimension_semantics<subcore_parallel>], iteration_bounds = array<i64: 2, 16>, scalar_prefetch = 0 : i64, scratch_operands = 11 : i64, tpu.core_type = #tpu.core_type<sc_vector_subcore>, window_params = [{transform_indices = #map}, {transform_indices = #map}, {transform_indices = #map1}, {transform_indices = #map2}, {transform_indices = #map}, {transform_indices = #map1}, {transform_indices = #map1}]} {
    %mul3A = arith.constant 2 : i32
    %mul3A_0 = arith.muli %arg1, %mul3A : i32
    %add3A = arith.addi %mul3A_0, %arg0 : i32
    %iota3A = tpu.iota {dimensions = array<i32: 0>} : vector<16xi32>
    %scan3A = arith.constant 0 : i32
    %scan3A_1 = arith.constant 160 : i32
    %scan3A_2 = arith.addi %scan3A, %scan3A_1 : i32
    %scan3A_3 = arith.constant 1 : i32
    scf.for %scan3A_47 = %scan3A to %scan3A_2 step %scan3A_3  : i32 {
      %mul3A_48 = arith.constant 1 : i32
      %mul3A_49 = arith.muli %scan3A_47, %mul3A_48 : i32
      %add3A_50 = arith.constant 0 : i32
      %add3A_51 = arith.addi %add3A_50, %mul3A_49 : i32
      %scan3A_52 = arith.constant 0 : i32
      %scan3A_53 = arith.constant 8 : i32
      %scan3A_54 = arith.addi %scan3A_52, %scan3A_53 : i32
      %scan3A_55 = arith.constant 1 : i32
      scf.for %scan3A_57 = %scan3A_52 to %scan3A_54 step %scan3A_55  : i32 {
        %mul3A_58 = arith.constant 16 : i32
        %mul3A_59 = arith.muli %scan3A_57, %mul3A_58 : i32
        %add3A_60 = arith.constant 0 : i32
        %add3A_61 = arith.addi %add3A_60, %mul3A_59 : i32
        %broadcast_in_dim3A = arith.constant 0.000000e+00 : f32
        %broadcast_in_dim3A_62 = vector.broadcast %broadcast_in_dim3A : f32 to vector<16xf32>
        %swap3A = arith.index_cast %add3A_51 : i32 to index
        %swap3A_63 = arith.index_cast %add3A_61 : i32 to index
        %swap3A_64 = tpu.vector_load %arg17[%swap3A, %swap3A_63] {strides = array<i32>} : memref<160x128xf32, #tpu.memory_space<vmem>>, vector<16xf32>,
        tpu.vector_store %arg17[%swap3A, %swap3A_63], %broadcast_in_dim3A_62 {strides = array<i32>} : memref<160x128xf32, #tpu.memory_space<vmem>>, vector<16xf32>,
      }
      %scan3A_56 = arith.constant 8 : i32
    }
    %scan3A_4 = arith.constant 160 : i32
    %mul3A_5 = arith.constant 352 : i32
    %mul3A_6 = arith.muli %arg1, %mul3A_5 : i32
    "tpu.region"() ({
      %run_scoped3A = tpu.sem_alloc : memref<!tpu.dma_semaphore, #tpu.memory_space<semaphore_mem>>
      %dma_start3A = arith.constant 0 : i32
      %dma_start3A_47 = tpu.memref_slice %arg18[%mul3A_6, %dma_start3A] : memref<5632x128xf32, #tpu.memory_space<vmem_shared>> -> memref<160x128xf32, #tpu.memory_space<vmem_shared>>
      %dma_start3A_48 = arith.constant 0 : i32
      %dma_start3A_49 = tpu.memref_slice %arg18[%mul3A_6, %dma_start3A_48] : memref<5632x128xf32, #tpu.memory_space<vmem_shared>> -> memref<160x128xf32, #tpu.memory_space<vmem_shared>>
      tpu.enqueue_dma source(%arg17 : memref<160x128xf32, #tpu.memory_space<vmem>>) target(%dma_start3A_49 : memref<160x128xf32, #tpu.memory_space<vmem_shared>>) target_semaphore(%run_scoped3A : memref<!tpu.dma_semaphore, #tpu.memory_space<semaphore_mem>>)
      %dma_wait3A = arith.constant 0 : i32
      %dma_wait3A_50 = tpu.memref_slice %arg18[%mul3A_6, %dma_wait3A] : memref<5632x128xf32, #tpu.memory_space<vmem_shared>> -> memref<160x128xf32, #tpu.memory_space<vmem_shared>>
      %dma_wait3A_51 = arith.constant 0 : i32
      %dma_wait3A_52 = tpu.memref_slice %arg18[%mul3A_6, %dma_wait3A_51] : memref<5632x128xf32, #tpu.memory_space<vmem_shared>> -> memref<160x128xf32, #tpu.memory_space<vmem_shared>>
      tpu.wait_dma2 semaphore(%run_scoped3A : memref<!tpu.dma_semaphore, #tpu.memory_space<semaphore_mem>>) src(%arg17 : memref<160x128xf32, #tpu.memory_space<vmem>>) dst(%dma_wait3A_52 : memref<160x128xf32, #tpu.memory_space<vmem_shared>>)
      tpu.yield
    }) : () -> ()
    %add3A_7 = arith.constant 160 : i32
    %add3A_8 = arith.addi %mul3A_6, %add3A_7 : i32
    "tpu.region"() ({
      %run_scoped3A = tpu.sem_alloc : memref<!tpu.dma_semaphore, #tpu.memory_space<semaphore_mem>>
      %dma_start3A = arith.constant 0 : i32
      %dma_start3A_47 = tpu.memref_slice %arg18[%add3A_8, %dma_start3A] : memref<5632x128xf32, #tpu.memory_space<vmem_shared>> -> memref<160x128xf32, #tpu.memory_space<vmem_shared>>
      %dma_start3A_48 = arith.constant 0 : i32
      %dma_start3A_49 = tpu.memref_slice %arg18[%add3A_8, %dma_start3A_48] : memref<5632x128xf32, #tpu.memory_space<vmem_shared>> -> memref<160x128xf32, #tpu.memory_space<vmem_shared>>
      tpu.enqueue_dma source(%arg17 : memref<160x128xf32, #tpu.memory_space<vmem>>) target(%dma_start3A_49 : memref<160x128xf32, #tpu.memory_space<vmem_shared>>) target_semaphore(%run_scoped3A : memref<!tpu.dma_semaphore, #tpu.memory_space<semaphore_mem>>)
      %dma_wait3A = arith.constant 0 : i32
      %dma_wait3A_50 = tpu.memref_slice %arg18[%add3A_8, %dma_wait3A] : memref<5632x128xf32, #tpu.memory_space<vmem_shared>> -> memref<160x128xf32, #tpu.memory_space<vmem_shared>>
      %dma_wait3A_51 = arith.constant 0 : i32
      %dma_wait3A_52 = tpu.memref_slice %arg18[%add3A_8, %dma_wait3A_51] : memref<5632x128xf32, #tpu.memory_space<vmem_shared>> -> memref<160x128xf32, #tpu.memory_space<vmem_shared>>
      tpu.wait_dma2 semaphore(%run_scoped3A : memref<!tpu.dma_semaphore, #tpu.memory_space<semaphore_mem>>) src(%arg17 : memref<160x128xf32, #tpu.memory_space<vmem>>) dst(%dma_wait3A_52 : memref<160x128xf32, #tpu.memory_space<vmem_shared>>)
      tpu.yield
    }) : () -> ()
    %add3A_9 = arith.constant 320 : i32
    %add3A_10 = arith.addi %mul3A_6, %add3A_9 : i32
    "tpu.region"() ({
      %run_scoped3A = tpu.sem_alloc : memref<!tpu.dma_semaphore, #tpu.memory_space<semaphore_mem>>
      %dma_start3A = arith.constant 0 : i32
      %dma_start3A_47 = arith.constant 0 : i32
      %dma_start3A_48 = tpu.memref_slice %arg17[%dma_start3A, %dma_start3A_47] : memref<160x128xf32, #tpu.memory_space<vmem>> -> memref<32x128xf32, #tpu.memory_space<vmem>>
      %dma_start3A_49 = arith.constant 0 : i32
      %dma_start3A_50 = tpu.memref_slice %arg18[%add3A_10, %dma_start3A_49] : memref<5632x128xf32, #tpu.memory_space<vmem_shared>> -> memref<32x128xf32, #tpu.memory_space<vmem_shared>>
      %dma_start3A_51 = arith.constant 0 : i32
      %dma_start3A_52 = tpu.memref_slice %arg18[%add3A_10, %dma_start3A_51] : memref<5632x128xf32, #tpu.memory_space<vmem_shared>> -> memref<32x128xf32, #tpu.memory_space<vmem_shared>>
      %dma_start3A_53 = arith.constant 0 : i32
      %dma_start3A_54 = arith.constant 0 : i32
      %dma_start3A_55 = tpu.memref_slice %arg17[%dma_start3A_53, %dma_start3A_54] : memref<160x128xf32, #tpu.memory_space<vmem>> -> memref<32x128xf32, #tpu.memory_space<vmem>>
      tpu.enqueue_dma source(%dma_start3A_55 : memref<32x128xf32, #tpu.memory_space<vmem>>) target(%dma_start3A_52 : memref<32x128xf32, #tpu.memory_space<vmem_shared>>) target_semaphore(%run_scoped3A : memref<!tpu.dma_semaphore, #tpu.memory_space<semaphore_mem>>)
      %dma_wait3A = arith.constant 0 : i32
      %dma_wait3A_56 = arith.constant 0 : i32
      %dma_wait3A_57 = tpu.memref_slice %arg17[%dma_wait3A, %dma_wait3A_56] : memref<160x128xf32, #tpu.memory_space<vmem>> -> memref<32x128xf32, #tpu.memory_space<vmem>>
      %dma_wait3A_58 = arith.constant 0 : i32
      %dma_wait3A_59 = tpu.memref_slice %arg18[%add3A_10, %dma_wait3A_58] : memref<5632x128xf32, #tpu.memory_space<vmem_shared>> -> memref<32x128xf32, #tpu.memory_space<vmem_shared>>
      %dma_wait3A_60 = arith.constant 0 : i32
      %dma_wait3A_61 = tpu.memref_slice %arg18[%add3A_10, %dma_wait3A_60] : memref<5632x128xf32, #tpu.memory_space<vmem_shared>> -> memref<32x128xf32, #tpu.memory_space<vmem_shared>>
      %dma_wait3A_62 = arith.constant 0 : i32
      %dma_wait3A_63 = arith.constant 0 : i32
      %dma_wait3A_64 = tpu.memref_slice %arg17[%dma_wait3A_62, %dma_wait3A_63] : memref<160x128xf32, #tpu.memory_space<vmem>> -> memref<32x128xf32, #tpu.memory_space<vmem>>
      tpu.wait_dma2 semaphore(%run_scoped3A : memref<!tpu.dma_semaphore, #tpu.memory_space<semaphore_mem>>) src(%dma_wait3A_64 : memref<32x128xf32, #tpu.memory_space<vmem>>) dst(%dma_wait3A_61 : memref<32x128xf32, #tpu.memory_space<vmem_shared>>)
      tpu.yield
    }) : () -> ()
    %barrier3A = arith.constant 0 : index
    tpu.barrier barrier_id(%barrier3A)
    %mul3A_11 = arith.constant 32 : i32
    %mul3A_12 = arith.muli %arg1, %mul3A_11 : i32
    %add3A_13 = arith.constant 5120 : i32
    %add3A_14 = arith.addi %add3A_13, %mul3A_12 : i32
    %add3A_15 = vector.broadcast %add3A_14 : i32 to vector<16xi32>
    %add3A_16 = arith.addi %add3A_15, %iota3A : vector<16xi32>
    %eq3A = arith.constant 0 : i32
    %eq3A_17 = arith.cmpi eq, %arg0, %eq3A : i32
    %scan3A_18 = arith.constant 0 : i32
    %scan3A_19 = arith.constant 157 : i32
    %scan3A_20 = arith.addi %scan3A_18, %scan3A_19 : i32
    %scan3A_21 = arith.constant 1 : i32
    scf.for %scan3A_47 = %scan3A_18 to %scan3A_20 step %scan3A_21  : i32 {
      %mul3A_48 = arith.constant 1 : i32
      %mul3A_49 = arith.muli %scan3A_47, %mul3A_48 : i32
      %add3A_50 = arith.constant 0 : i32
      %add3A_51 = arith.addi %add3A_50, %mul3A_49 : i32
      %mul3A_52 = arith.constant 16 : i32
      %mul3A_53 = arith.muli %mul3A_52, %add3A_51 : i32
      %add3A_54 = arith.addi %arg1, %mul3A_53 : i32
      %lt3A = arith.constant 2500 : i32
      %lt3A_55 = arith.cmpi slt, %add3A_54, %lt3A : i32
      %convert_element_type3A = arith.extui %lt3A_55 : i1 to i32
      %cond3A = arith.constant 0 : i32
      %cond3A_56 = arith.cmpi ne, %convert_element_type3A, %cond3A : i32
      scf.if %cond3A_56 {
        %mul3A_57 = arith.constant 128 : i32
        %mul3A_58 = arith.muli %add3A_54, %mul3A_57 : i32
        "tpu.region"() ({
          %run_scoped3A = tpu.sem_alloc : memref<!tpu.dma_semaphore, #tpu.memory_space<semaphore_mem>>
          %dma_start3A = tpu.memref_slice %arg5[%mul3A_58] : memref<320000xi32, #tpu.memory_space<hbm>> -> memref<128xi32, #tpu.memory_space<hbm>>
          %dma_start3A_74 = tpu.memref_slice %arg5[%mul3A_58] : memref<320000xi32, #tpu.memory_space<hbm>> -> memref<128xi32, #tpu.memory_space<hbm>>
          tpu.enqueue_dma source(%dma_start3A_74 : memref<128xi32, #tpu.memory_space<hbm>>) target(%arg10 : memref<128xi32, #tpu.memory_space<vmem>>) target_semaphore(%run_scoped3A : memref<!tpu.dma_semaphore, #tpu.memory_space<semaphore_mem>>)
          %dma_wait3A = tpu.memref_slice %arg5[%mul3A_58] : memref<320000xi32, #tpu.memory_space<hbm>> -> memref<128xi32, #tpu.memory_space<hbm>>
          %dma_wait3A_75 = tpu.memref_slice %arg5[%mul3A_58] : memref<320000xi32, #tpu.memory_space<hbm>> -> memref<128xi32, #tpu.memory_space<hbm>>
          tpu.wait_dma2 semaphore(%run_scoped3A : memref<!tpu.dma_semaphore, #tpu.memory_space<semaphore_mem>>) src(%dma_wait3A_75 : memref<128xi32, #tpu.memory_space<hbm>>) dst(%arg10 : memref<128xi32, #tpu.memory_space<vmem>>)
          tpu.yield
        }) : () -> ()
        %scan3A_59 = arith.constant 0 : i32
        %scan3A_60 = arith.constant 8 : i32
        %scan3A_61 = arith.addi %scan3A_59, %scan3A_60 : i32
        %scan3A_62 = arith.constant 1 : i32
        scf.for %scan3A_74 = %scan3A_59 to %scan3A_61 step %scan3A_62  : i32 {
          %mul3A_75 = arith.constant 16 : i32
          %mul3A_76 = arith.muli %scan3A_74, %mul3A_75 : i32
          %add3A_77 = arith.constant 0 : i32
          %add3A_78 = arith.addi %add3A_77, %mul3A_76 : i32
          %get3A = arith.index_cast %add3A_78 : i32 to index
          %get3A_79 = tpu.vector_load %arg10[%get3A] {strides = array<i32>} : memref<128xi32, #tpu.memory_space<vmem>>, vector<16xi32>,
          %and3A = arith.constant 16 : i32
          %and3A_80 = arith.andi %add3A_78, %and3A : i32
          %add3A_81 = vector.broadcast %and3A_80 : i32 to vector<16xi32>
          %add3A_82 = arith.addi %add3A_16, %add3A_81 : vector<16xi32>
          %lt3A_83 = arith.constant 5000 : i32
          %lt3A_84 = vector.broadcast %lt3A_83 : i32 to vector<16xi32>
          %lt3A_85 = arith.cmpi slt, %get3A_79, %lt3A_84 : vector<16xi32>
          %select_n3A = arith.select %lt3A_85, %get3A_79, %add3A_82 : vector<16xi1>, vector<16xi32>
          %ge3A = arith.constant 5000 : i32
          %ge3A_86 = vector.broadcast %ge3A : i32 to vector<16xi32>
          %ge3A_87 = arith.cmpi sge, %get3A_79, %ge3A_86 : vector<16xi32>
          %sub3A = arith.constant 5000 : i32
          %sub3A_88 = vector.broadcast %sub3A : i32 to vector<16xi32>
          %sub3A_89 = arith.subi %get3A_79, %sub3A_88 : vector<16xi32>
          %select_n3A_90 = arith.select %ge3A_87, %sub3A_89, %add3A_82 : vector<16xi1>, vector<16xi32>
          %select_n3A_91 = arith.select %eq3A_17, %select_n3A, %select_n3A_90 : vector<16xi32>
          %swap3A = arith.index_cast %add3A_78 : i32 to index
          %swap3A_92 = tpu.vector_load %arg11[%swap3A] {strides = array<i32>} : memref<128xi32, #tpu.memory_space<vmem>>, vector<16xi32>,
          tpu.vector_store %arg11[%swap3A], %select_n3A_91 {strides = array<i32>} : memref<128xi32, #tpu.memory_space<vmem>>, vector<16xi32>,
        }
        %scan3A_63 = arith.constant 8 : i32
        %eq3A_64 = arith.constant 0 : i32
        %eq3A_65 = arith.cmpi eq, %arg0, %eq3A_64 : i32
        %convert_element_type3A_66 = arith.extui %eq3A_65 : i1 to i32
        %cond3A_67 = arith.constant 0 : i32
        %cond3A_68 = arith.cmpi ne, %convert_element_type3A_66, %cond3A_67 : i32
        scf.if %cond3A_68 {
          "tpu.region"() ({
            %run_scoped3A = tpu.sem_alloc : memref<!tpu.dma_semaphore, #tpu.memory_space<semaphore_mem>>
            %dma_start3A = arith.constant 0 : i32
            %dma_start3A_74 = arith.constant 0 : i32
            %dma_start3A_75 = tpu.memref_slice %arg2[%add3A_54, %dma_start3A, %dma_start3A_74] : memref<2500x128x128xf32, #tpu.memory_space<hbm>> -> memref<1x128x128xf32, #tpu.memory_space<hbm>>
            %dma_start3A_76 = tpu.memref_squeeze %dma_start3A_75 : memref<1x128x128xf32, #tpu.memory_space<hbm>> -> memref<128x128xf32, #tpu.memory_space<hbm>>
            %dma_start3A_77 = arith.constant 0 : i32
            %dma_start3A_78 = arith.constant 0 : i32
            %dma_start3A_79 = tpu.memref_slice %arg2[%add3A_54, %dma_start3A_77, %dma_start3A_78] : memref<2500x128x128xf32, #tpu.memory_space<hbm>> -> memref<1x128x128xf32, #tpu.memory_space<hbm>>
            %dma_start3A_80 = tpu.memref_squeeze %dma_start3A_79 : memref<1x128x128xf32, #tpu.memory_space<hbm>> -> memref<128x128xf32, #tpu.memory_space<hbm>>
            tpu.enqueue_dma source(%dma_start3A_80 : memref<128x128xf32, #tpu.memory_space<hbm>>) target(%arg9 : memref<128x128xf32, #tpu.memory_space<vmem>>) target_semaphore(%run_scoped3A : memref<!tpu.dma_semaphore, #tpu.memory_space<semaphore_mem>>)
            %dma_wait3A = arith.constant 0 : i32
            %dma_wait3A_81 = arith.constant 0 : i32
            %dma_wait3A_82 = tpu.memref_slice %arg2[%add3A_54, %dma_wait3A, %dma_wait3A_81] : memref<2500x128x128xf32, #tpu.memory_space<hbm>> -> memref<1x128x128xf32, #tpu.memory_space<hbm>>
            %dma_wait3A_83 = tpu.memref_squeeze %dma_wait3A_82 : memref<1x128x128xf32, #tpu.memory_space<hbm>> -> memref<128x128xf32, #tpu.memory_space<hbm>>
            %dma_wait3A_84 = arith.constant 0 : i32
            %dma_wait3A_85 = arith.constant 0 : i32
            %dma_wait3A_86 = tpu.memref_slice %arg2[%add3A_54, %dma_wait3A_84, %dma_wait3A_85] : memref<2500x128x128xf32, #tpu.memory_space<hbm>> -> memref<1x128x128xf32, #tpu.memory_space<hbm>>
            %dma_wait3A_87 = tpu.memref_squeeze %dma_wait3A_86 : memref<1x128x128xf32, #tpu.memory_space<hbm>> -> memref<128x128xf32, #tpu.memory_space<hbm>>
            tpu.wait_dma2 semaphore(%run_scoped3A : memref<!tpu.dma_semaphore, #tpu.memory_space<semaphore_mem>>) src(%dma_wait3A_87 : memref<128x128xf32, #tpu.memory_space<hbm>>) dst(%arg9 : memref<128x128xf32, #tpu.memory_space<vmem>>)
            tpu.yield
          }) : () -> ()
        } else {
        }
        %eq3A_69 = arith.constant 1 : i32
        %eq3A_70 = arith.cmpi eq, %arg0, %eq3A_69 : i32
        %convert_element_type3A_71 = arith.extui %eq3A_70 : i1 to i32
        %cond3A_72 = arith.constant 0 : i32
        %cond3A_73 = arith.cmpi ne, %convert_element_type3A_71, %cond3A_72 : i32
        scf.if %cond3A_73 {
          "tpu.region"() ({
            %run_scoped3A = tpu.sem_alloc : memref<!tpu.dma_semaphore, #tpu.memory_space<semaphore_mem>>
            %dma_start3A = arith.constant 0 : i32
            %dma_start3A_74 = arith.constant 0 : i32
            %dma_start3A_75 = tpu.memref_slice %arg3[%add3A_54, %dma_start3A, %dma_start3A_74] : memref<2500x128x128xf32, #tpu.memory_space<hbm>> -> memref<1x128x128xf32, #tpu.memory_space<hbm>>
            %dma_start3A_76 = tpu.memref_squeeze %dma_start3A_75 : memref<1x128x128xf32, #tpu.memory_space<hbm>> -> memref<128x128xf32, #tpu.memory_space<hbm>>
            %dma_start3A_77 = arith.constant 0 : i32
            %dma_start3A_78 = arith.constant 0 : i32
            %dma_start3A_79 = tpu.memref_slice %arg3[%add3A_54, %dma_start3A_77, %dma_start3A_78] : memref<2500x128x128xf32, #tpu.memory_space<hbm>> -> memref<1x128x128xf32, #tpu.memory_space<hbm>>
            %dma_start3A_80 = tpu.memref_squeeze %dma_start3A_79 : memref<1x128x128xf32, #tpu.memory_space<hbm>> -> memref<128x128xf32, #tpu.memory_space<hbm>>
            tpu.enqueue_dma source(%dma_start3A_80 : memref<128x128xf32, #tpu.memory_space<hbm>>) target(%arg9 : memref<128x128xf32, #tpu.memory_space<vmem>>) target_semaphore(%run_scoped3A : memref<!tpu.dma_semaphore, #tpu.memory_space<semaphore_mem>>)
            %dma_wait3A = arith.constant 0 : i32
            %dma_wait3A_81 = arith.constant 0 : i32
            %dma_wait3A_82 = tpu.memref_slice %arg3[%add3A_54, %dma_wait3A, %dma_wait3A_81] : memref<2500x128x128xf32, #tpu.memory_space<hbm>> -> memref<1x128x128xf32, #tpu.memory_space<hbm>>
            %dma_wait3A_83 = tpu.memref_squeeze %dma_wait3A_82 : memref<1x128x128xf32, #tpu.memory_space<hbm>> -> memref<128x128xf32, #tpu.memory_space<hbm>>
            %dma_wait3A_84 = arith.constant 0 : i32
            %dma_wait3A_85 = arith.constant 0 : i32
            %dma_wait3A_86 = tpu.memref_slice %arg3[%add3A_54, %dma_wait3A_84, %dma_wait3A_85] : memref<2500x128x128xf32, #tpu.memory_space<hbm>> -> memref<1x128x128xf32, #tpu.memory_space<hbm>>
            %dma_wait3A_87 = tpu.memref_squeeze %dma_wait3A_86 : memref<1x128x128xf32, #tpu.memory_space<hbm>> -> memref<128x128xf32, #tpu.memory_space<hbm>>
            tpu.wait_dma2 semaphore(%run_scoped3A : memref<!tpu.dma_semaphore, #tpu.memory_space<semaphore_mem>>) src(%dma_wait3A_87 : memref<128x128xf32, #tpu.memory_space<hbm>>) dst(%arg9 : memref<128x128xf32, #tpu.memory_space<vmem>>)
            tpu.yield
          }) : () -> ()
        } else {
        }
        "tpu.region"() ({
          %run_scoped3A = tpu.sem_alloc : memref<!tpu.dma_semaphore, #tpu.memory_space<semaphore_mem>>
          %dma_start3A = arith.constant 0 : i32
          %dma_start3A_74 = arith.constant 0 : i32
          %dma_start3A_75 = tpu.memref_slice %arg18[%dma_start3A, %dma_start3A_74] : memref<5632x128xf32, #tpu.memory_space<vmem_shared>> -> memref<5632x128xf32, #tpu.memory_space<vmem_shared>>
          tpu.enqueue_indirect_dma source(%arg9 : memref<128x128xf32, #tpu.memory_space<vmem>>) target(%dma_start3A_75 : memref<5632x128xf32, #tpu.memory_space<vmem_shared>>) offsets(%arg11 : memref<128xi32, #tpu.memory_space<vmem>>) semaphore(%run_scoped3A : memref<!tpu.dma_semaphore, #tpu.memory_space<semaphore_mem>>) {add = true}
          %dma_wait3A = arith.constant 0 : i32
          %dma_wait3A_76 = arith.constant 0 : i32
          %dma_wait3A_77 = tpu.memref_slice %arg18[%dma_wait3A, %dma_wait3A_76] : memref<5632x128xf32, #tpu.memory_space<vmem_shared>> -> memref<5632x128xf32, #tpu.memory_space<vmem_shared>>
          tpu.wait_indirect_dma semaphore(%run_scoped3A : memref<!tpu.dma_semaphore, #tpu.memory_space<semaphore_mem>>) src(%arg9 : memref<128x128xf32, #tpu.memory_space<vmem>>) dst(%dma_wait3A_77 : memref<5632x128xf32, #tpu.memory_space<vmem_shared>>)
          tpu.yield
        }) : () -> ()
      } else {
      }
    }
    %scan3A_22 = arith.constant 157 : i32
    %barrier3A_23 = arith.constant 0 : index
    tpu.barrier barrier_id(%barrier3A_23)
    "tpu.region"() ({
      %run_scoped3A = tpu.sem_alloc : memref<!tpu.dma_semaphore, #tpu.memory_space<semaphore_mem>>
      %dma_start3A = arith.constant 0 : i32
      %dma_start3A_47 = tpu.memref_slice %arg6[%arg0, %mul3A_6, %dma_start3A] : memref<2x5632x128xf32, #tpu.memory_space<hbm>> -> memref<1x352x128xf32, #tpu.memory_space<hbm>>
      %dma_start3A_48 = tpu.memref_squeeze %dma_start3A_47 : memref<1x352x128xf32, #tpu.memory_space<hbm>> -> memref<352x128xf32, #tpu.memory_space<hbm>>
      %dma_start3A_49 = arith.constant 0 : i32
      %dma_start3A_50 = tpu.memref_slice %arg18[%mul3A_6, %dma_start3A_49] : memref<5632x128xf32, #tpu.memory_space<vmem_shared>> -> memref<352x128xf32, #tpu.memory_space<vmem_shared>>
      tpu.enqueue_dma source(%dma_start3A_50 : memref<352x128xf32, #tpu.memory_space<vmem_shared>>) target(%dma_start3A_48 : memref<352x128xf32, #tpu.memory_space<hbm>>) target_semaphore(%run_scoped3A : memref<!tpu.dma_semaphore, #tpu.memory_space<semaphore_mem>>)
      %dma_wait3A = arith.constant 0 : i32
      %dma_wait3A_51 = tpu.memref_slice %arg6[%arg0, %mul3A_6, %dma_wait3A] : memref<2x5632x128xf32, #tpu.memory_space<hbm>> -> memref<1x352x128xf32, #tpu.memory_space<hbm>>
      %dma_wait3A_52 = tpu.memref_squeeze %dma_wait3A_51 : memref<1x352x128xf32, #tpu.memory_space<hbm>> -> memref<352x128xf32, #tpu.memory_space<hbm>>
      %dma_wait3A_53 = arith.constant 0 : i32
      %dma_wait3A_54 = tpu.memref_slice %arg18[%mul3A_6, %dma_wait3A_53] : memref<5632x128xf32, #tpu.memory_space<vmem_shared>> -> memref<352x128xf32, #tpu.memory_space<vmem_shared>>
      tpu.wait_dma2 semaphore(%run_scoped3A : memref<!tpu.dma_semaphore, #tpu.memory_space<semaphore_mem>>) src(%dma_wait3A_54 : memref<352x128xf32, #tpu.memory_space<vmem_shared>>) dst(%dma_wait3A_52 : memref<352x128xf32, #tpu.memory_space<hbm>>)
      tpu.yield
    }) : () -> ()
    %mul3A_24 = arith.constant 160 : i32
    %mul3A_25 = arith.muli %add3A, %mul3A_24 : i32
    %add3A_26 = arith.constant 5000 : i32
    %add3A_27 = arith.addi %add3A_26, %mul3A_25 : i32
    %scan3A_28 = arith.constant 0 : i32
    %scan3A_29 = arith.constant 160 : i32
    %scan3A_30 = arith.addi %scan3A_28, %scan3A_29 : i32
    %scan3A_31 = arith.constant 1 : i32
    scf.for %scan3A_47 = %scan3A_28 to %scan3A_30 step %scan3A_31  : i32 {
      %mul3A_48 = arith.constant 1 : i32
      %mul3A_49 = arith.muli %scan3A_47, %mul3A_48 : i32
      %add3A_50 = arith.constant 0 : i32
      %add3A_51 = arith.addi %add3A_50, %mul3A_49 : i32
      %scan3A_52 = arith.constant 0 : i32
      %scan3A_53 = arith.constant 8 : i32
      %scan3A_54 = arith.addi %scan3A_52, %scan3A_53 : i32
      %scan3A_55 = arith.constant 1 : i32
      scf.for %scan3A_60 = %scan3A_52 to %scan3A_54 step %scan3A_55  : i32 {
        %mul3A_61 = arith.constant 16 : i32
        %mul3A_62 = arith.muli %scan3A_60, %mul3A_61 : i32
        %add3A_63 = arith.constant 0 : i32
        %add3A_64 = arith.addi %add3A_63, %mul3A_62 : i32
        %broadcast_in_dim3A_65 = arith.constant -3.000000e+38 : f32
        %broadcast_in_dim3A_66 = vector.broadcast %broadcast_in_dim3A_65 : f32 to vector<16xf32>
        %swap3A_67 = arith.index_cast %add3A_51 : i32 to index
        %swap3A_68 = arith.index_cast %add3A_64 : i32 to index
        %swap3A_69 = tpu.vector_load %arg17[%swap3A_67, %swap3A_68] {strides = array<i32>} : memref<160x128xf32, #tpu.memory_space<vmem>>, vector<16xf32>,
        tpu.vector_store %arg17[%swap3A_67, %swap3A_68], %broadcast_in_dim3A_66 {strides = array<i32>} : memref<160x128xf32, #tpu.memory_space<vmem>>, vector<16xf32>,
      }
      %scan3A_56 = arith.constant 8 : i32
      %broadcast_in_dim3A = arith.constant 0.000000e+00 : f32
      %broadcast_in_dim3A_57 = vector.broadcast %broadcast_in_dim3A : f32 to vector<16xf32>
      %swap3A = arith.index_cast %add3A_51 : i32 to index
      %swap3A_58 = arith.constant 0 : index
      %swap3A_59 = tpu.vector_load %arg16[%swap3A, %swap3A_58] {strides = array<i32>} : memref<160x16xf32, #tpu.memory_space<vmem>>, vector<16xf32>,
      tpu.vector_store %arg16[%swap3A, %swap3A_58], %broadcast_in_dim3A_57 {strides = array<i32>} : memref<160x16xf32, #tpu.memory_space<vmem>>, vector<16xf32>,
    }
    %scan3A_32 = arith.constant 160 : i32
    %scan3A_33 = arith.constant 0 : i32
    %scan3A_34 = arith.constant 400 : i32
    %scan3A_35 = arith.addi %scan3A_33, %scan3A_34 : i32
    %scan3A_36 = arith.constant 1 : i32
    scf.for %scan3A_47 = %scan3A_33 to %scan3A_35 step %scan3A_36  : i32 {
      %mul3A_48 = arith.constant 16 : i32
      %mul3A_49 = arith.muli %scan3A_47, %mul3A_48 : i32
      %add3A_50 = arith.constant 0 : i32
      %add3A_51 = arith.addi %add3A_50, %mul3A_49 : i32
      %broadcast_in_dim3A = arith.constant 0 : i32
      %broadcast_in_dim3A_52 = vector.broadcast %broadcast_in_dim3A : i32 to vector<16xi32>
      %swap3A = arith.index_cast %add3A_51 : i32 to index
      %swap3A_53 = tpu.vector_load %arg13[%swap3A] {strides = array<i32>} : memref<6400xi32, #tpu.memory_space<vmem>>, vector<16xi32>,
      tpu.vector_store %arg13[%swap3A], %broadcast_in_dim3A_52 {strides = array<i32>} : memref<6400xi32, #tpu.memory_space<vmem>>, vector<16xi32>,
    }
    %scan3A_37 = arith.constant 400 : i32
    %scan3A_38 = arith.constant 0 : i32
    %scan3A_39 = arith.constant 50 : i32
    %scan3A_40 = arith.addi %scan3A_38, %scan3A_39 : i32
    %scan3A_41 = arith.constant 1 : i32
    scf.for %scan3A_47 = %scan3A_38 to %scan3A_40 step %scan3A_41  : i32 {
      %mul3A_48 = arith.constant 1 : i32
      %mul3A_49 = arith.muli %scan3A_47, %mul3A_48 : i32
      %add3A_50 = arith.constant 0 : i32
      %add3A_51 = arith.addi %add3A_50, %mul3A_49 : i32
      %mul3A_52 = arith.constant 6400 : i32
      %mul3A_53 = arith.muli %add3A_51, %mul3A_52 : i32
      "tpu.region"() ({
        %run_scoped3A = tpu.sem_alloc : memref<!tpu.dma_semaphore, #tpu.memory_space<semaphore_mem>>
        %dma_start3A = tpu.memref_slice %arg5[%mul3A_53] : memref<320000xi32, #tpu.memory_space<hbm>> -> memref<6400xi32, #tpu.memory_space<hbm>>
        %dma_start3A_66 = tpu.memref_slice %arg5[%mul3A_53] : memref<320000xi32, #tpu.memory_space<hbm>> -> memref<6400xi32, #tpu.memory_space<hbm>>
        tpu.enqueue_dma source(%dma_start3A_66 : memref<6400xi32, #tpu.memory_space<hbm>>) target(%arg12 : memref<6400xi32, #tpu.memory_space<vmem>>) target_semaphore(%run_scoped3A : memref<!tpu.dma_semaphore, #tpu.memory_space<semaphore_mem>>)
        %dma_wait3A = tpu.memref_slice %arg5[%mul3A_53] : memref<320000xi32, #tpu.memory_space<hbm>> -> memref<6400xi32, #tpu.memory_space<hbm>>
        %dma_wait3A_67 = tpu.memref_slice %arg5[%mul3A_53] : memref<320000xi32, #tpu.memory_space<hbm>> -> memref<6400xi32, #tpu.memory_space<hbm>>
        tpu.wait_dma2 semaphore(%run_scoped3A : memref<!tpu.dma_semaphore, #tpu.memory_space<semaphore_mem>>) src(%dma_wait3A_67 : memref<6400xi32, #tpu.memory_space<hbm>>) dst(%arg12 : memref<6400xi32, #tpu.memory_space<vmem>>)
        tpu.yield
      }) : () -> ()
      %scan3A_54 = arith.constant 0 : i32
      %scan3A_55 = arith.constant 0 : i32
      %scan3A_56 = arith.constant 100 : i32
      %scan3A_57 = arith.addi %scan3A_55, %scan3A_56 : i32
      %scan3A_58 = arith.constant 1 : i32
      %scan3A_59 = scf.for %scan3A_66 = %scan3A_55 to %scan3A_57 step %scan3A_58 iter_args(%scan3A_67 = %scan3A_54) -> (i32)  : i32 {
        %mul3A_68 = arith.constant 64 : i32
        %mul3A_69 = arith.muli %scan3A_66, %mul3A_68 : i32
        %add3A_70 = arith.constant 0 : i32
        %add3A_71 = arith.addi %mul3A_69, %add3A_70 : i32
        %get3A = arith.index_cast %add3A_71 : i32 to index
        %get3A_72 = tpu.vector_load %arg12[%get3A] {strides = array<i32>} : memref<6400xi32, #tpu.memory_space<vmem>>, vector<16xi32>,
        %sub3A = vector.broadcast %add3A_27 : i32 to vector<16xi32>
        %sub3A_73 = arith.subi %get3A_72, %sub3A : vector<16xi32>
        %ge3A = arith.constant 0 : i32
        %ge3A_74 = vector.broadcast %ge3A : i32 to vector<16xi32>
        %ge3A_75 = arith.cmpi sge, %sub3A_73, %ge3A_74 : vector<16xi32>
        %lt3A = arith.constant 160 : i32
        %lt3A_76 = vector.broadcast %lt3A : i32 to vector<16xi32>
        %lt3A_77 = arith.cmpi slt, %sub3A_73, %lt3A_76 : vector<16xi32>
        %and3A = arith.andi %ge3A_75, %lt3A_77 : vector<16xi1>
        %mul3A_78 = arith.constant 64 : i32
        %mul3A_79 = arith.muli %scan3A_66, %mul3A_78 : i32
        %add3A_80 = arith.constant 16 : i32
        %add3A_81 = arith.addi %mul3A_79, %add3A_80 : i32
        %get3A_82 = arith.index_cast %add3A_81 : i32 to index
        %get3A_83 = tpu.vector_load %arg12[%get3A_82] {strides = array<i32>} : memref<6400xi32, #tpu.memory_space<vmem>>, vector<16xi32>,
        %sub3A_84 = vector.broadcast %add3A_27 : i32 to vector<16xi32>
        %sub3A_85 = arith.subi %get3A_83, %sub3A_84 : vector<16xi32>
        %ge3A_86 = arith.constant 0 : i32
        %ge3A_87 = vector.broadcast %ge3A_86 : i32 to vector<16xi32>
        %ge3A_88 = arith.cmpi sge, %sub3A_85, %ge3A_87 : vector<16xi32>
        %lt3A_89 = arith.constant 160 : i32
        %lt3A_90 = vector.broadcast %lt3A_89 : i32 to vector<16xi32>
        %lt3A_91 = arith.cmpi slt, %sub3A_85, %lt3A_90 : vector<16xi32>
        %and3A_92 = arith.andi %ge3A_88, %lt3A_91 : vector<16xi1>
        %mul3A_93 = arith.constant 64 : i32
        %mul3A_94 = arith.muli %scan3A_66, %mul3A_93 : i32
        %add3A_95 = arith.constant 32 : i32
        %add3A_96 = arith.addi %mul3A_94, %add3A_95 : i32
        %get3A_97 = arith.index_cast %add3A_96 : i32 to index
        %get3A_98 = tpu.vector_load %arg12[%get3A_97] {strides = array<i32>} : memref<6400xi32, #tpu.memory_space<vmem>>, vector<16xi32>,
        %sub3A_99 = vector.broadcast %add3A_27 : i32 to vector<16xi32>
        %sub3A_100 = arith.subi %get3A_98, %sub3A_99 : vector<16xi32>
        %ge3A_101 = arith.constant 0 : i32
        %ge3A_102 = vector.broadcast %ge3A_101 : i32 to vector<16xi32>
        %ge3A_103 = arith.cmpi sge, %sub3A_100, %ge3A_102 : vector<16xi32>
        %lt3A_104 = arith.constant 160 : i32
        %lt3A_105 = vector.broadcast %lt3A_104 : i32 to vector<16xi32>
        %lt3A_106 = arith.cmpi slt, %sub3A_100, %lt3A_105 : vector<16xi32>
        %and3A_107 = arith.andi %ge3A_103, %lt3A_106 : vector<16xi1>
        %mul3A_108 = arith.constant 64 : i32
        %mul3A_109 = arith.muli %scan3A_66, %mul3A_108 : i32
        %add3A_110 = arith.constant 48 : i32
        %add3A_111 = arith.addi %mul3A_109, %add3A_110 : i32
        %get3A_112 = arith.index_cast %add3A_111 : i32 to index
        %get3A_113 = tpu.vector_load %arg12[%get3A_112] {strides = array<i32>} : memref<6400xi32, #tpu.memory_space<vmem>>, vector<16xi32>,
        %sub3A_114 = vector.broadcast %add3A_27 : i32 to vector<16xi32>
        %sub3A_115 = arith.subi %get3A_113, %sub3A_114 : vector<16xi32>
        %ge3A_116 = arith.constant 0 : i32
        %ge3A_117 = vector.broadcast %ge3A_116 : i32 to vector<16xi32>
        %ge3A_118 = arith.cmpi sge, %sub3A_115, %ge3A_117 : vector<16xi32>
        %lt3A_119 = arith.constant 160 : i32
        %lt3A_120 = vector.broadcast %lt3A_119 : i32 to vector<16xi32>
        %lt3A_121 = arith.cmpi slt, %sub3A_115, %lt3A_120 : vector<16xi32>
        %and3A_122 = arith.andi %ge3A_118, %lt3A_121 : vector<16xi1>
        %or3A = arith.ori %and3A, %and3A_92 : vector<16xi1>
        %or3A_123 = arith.ori %or3A, %and3A_107 : vector<16xi1>
        %or3A_124 = arith.ori %or3A_123, %and3A_122 : vector<16xi1>
        %reduce_or3A = arith.constant 1.000000e+00 : f32
        %reduce_or3A_125 = arith.constant 0.000000e+00 : f32
        %reduce_or3A_126 = vector.broadcast %reduce_or3A : f32 to vector<16xf32>
        %reduce_or3A_127 = vector.broadcast %reduce_or3A_125 : f32 to vector<16xf32>
        %reduce_or3A_128 = arith.select %or3A_124, %reduce_or3A_126, %reduce_or3A_127 : vector<16xi1>, vector<16xf32>
        %reduce_or3A_129 = arith.constant true
        %reduce_or3A_130 = vector.broadcast %reduce_or3A_129 : i1 to vector<16xi1>
        %reduce_or3A_131 = tpu.scan <max>, %reduce_or3A_128 masked %reduce_or3A_130 : vector<16xf32>, vector<16xi1> -> vector<16xf32>
        %reduce_or3A_132 = vector.extract %reduce_or3A_131[15] : f32 from vector<16xf32>
        %reduce_or3A_133 = arith.constant 0.000000e+00 : f32
        %reduce_or3A_134 = arith.cmpf ogt, %reduce_or3A_132, %reduce_or3A_133 : f32
        %convert_element_type3A = arith.extui %reduce_or3A_134 : i1 to i32
        %cond3A = arith.constant 0 : i32
        %cond3A_135 = arith.cmpi ne, %convert_element_type3A, %cond3A : i32
        %cond3A_136 = scf.if %cond3A_135 -> (i32) {
          %mul3A_137 = arith.constant 6400 : i32
          %mul3A_138 = arith.muli %add3A_51, %mul3A_137 : i32
          %mul3A_139 = arith.constant 64 : i32
          %mul3A_140 = arith.muli %scan3A_66, %mul3A_139 : i32
          %add3A_141 = arith.addi %mul3A_138, %mul3A_140 : i32
          %add3A_142 = arith.constant 0 : i32
          %add3A_143 = arith.addi %add3A_141, %add3A_142 : i32
          %add3A_144 = vector.broadcast %add3A_143 : i32 to vector<16xi32>
          %add3A_145 = arith.addi %add3A_144, %iota3A : vector<16xi32>
          %swap3A = arith.index_cast %scan3A_67 : i32 to index
          %swap3A_146 = tpu.vector_load %arg13[%swap3A] masked %and3A {strides = array<i32>} : memref<6400xi32, #tpu.memory_space<vmem>>, vector<16xi32>, vector<16xi1>
          tpu.vector_store %arg13[%swap3A], %add3A_145 masked %and3A {strides = array<i32>} : memref<6400xi32, #tpu.memory_space<vmem>>, vector<16xi32>, vector<16xi1>
          %swap3A_147 = arith.index_cast %scan3A_67 : i32 to index
          %swap3A_148 = tpu.vector_load %arg14[%swap3A_147] masked %and3A {strides = array<i32>} : memref<6400xi32, #tpu.memory_space<vmem>>, vector<16xi32>, vector<16xi1>
          tpu.vector_store %arg14[%swap3A_147], %sub3A_73 masked %and3A {strides = array<i32>} : memref<6400xi32, #tpu.memory_space<vmem>>, vector<16xi32>, vector<16xi1>
          %convert_element_type3A_149 = arith.extui %and3A : vector<16xi1> to vector<16xi32>
          %reduce_sum3A = arith.constant true
          %reduce_sum3A_150 = vector.broadcast %reduce_sum3A : i1 to vector<16xi1>
          %reduce_sum3A_151 = tpu.scan <sum>, %convert_element_type3A_149 masked %reduce_sum3A_150 : vector<16xi32>, vector<16xi1> -> vector<16xi32>
          %reduce_sum3A_152 = vector.extract %reduce_sum3A_151[15] : i32 from vector<16xi32>
          %add3A_153 = arith.addi %scan3A_67, %reduce_sum3A_152 : i32
          %mul3A_154 = arith.constant 6400 : i32
          %mul3A_155 = arith.muli %add3A_51, %mul3A_154 : i32
          %mul3A_156 = arith.constant 64 : i32
          %mul3A_157 = arith.muli %scan3A_66, %mul3A_156 : i32
          %add3A_158 = arith.addi %mul3A_155, %mul3A_157 : i32
          %add3A_159 = arith.constant 16 : i32
          %add3A_160 = arith.addi %add3A_158, %add3A_159 : i32
          %add3A_161 = vector.broadcast %add3A_160 : i32 to vector<16xi32>
          %add3A_162 = arith.addi %add3A_161, %iota3A : vector<16xi32>
          %swap3A_163 = arith.index_cast %add3A_153 : i32 to index
          %swap3A_164 = tpu.vector_load %arg13[%swap3A_163] masked %and3A_92 {strides = array<i32>} : memref<6400xi32, #tpu.memory_space<vmem>>, vector<16xi32>, vector<16xi1>
          tpu.vector_store %arg13[%swap3A_163], %add3A_162 masked %and3A_92 {strides = array<i32>} : memref<6400xi32, #tpu.memory_space<vmem>>, vector<16xi32>, vector<16xi1>
          %swap3A_165 = arith.index_cast %add3A_153 : i32 to index
          %swap3A_166 = tpu.vector_load %arg14[%swap3A_165] masked %and3A_92 {strides = array<i32>} : memref<6400xi32, #tpu.memory_space<vmem>>, vector<16xi32>, vector<16xi1>
          tpu.vector_store %arg14[%swap3A_165], %sub3A_85 masked %and3A_92 {strides = array<i32>} : memref<6400xi32, #tpu.memory_space<vmem>>, vector<16xi32>, vector<16xi1>
          %convert_element_type3A_167 = arith.extui %and3A_92 : vector<16xi1> to vector<16xi32>
          %reduce_sum3A_168 = arith.constant true
          %reduce_sum3A_169 = vector.broadcast %reduce_sum3A_168 : i1 to vector<16xi1>
          %reduce_sum3A_170 = tpu.scan <sum>, %convert_element_type3A_167 masked %reduce_sum3A_169 : vector<16xi32>, vector<16xi1> -> vector<16xi32>
          %reduce_sum3A_171 = vector.extract %reduce_sum3A_170[15] : i32 from vector<16xi32>
          %add3A_172 = arith.addi %add3A_153, %reduce_sum3A_171 : i32
          %mul3A_173 = arith.constant 6400 : i32
          %mul3A_174 = arith.muli %add3A_51, %mul3A_173 : i32
          %mul3A_175 = arith.constant 64 : i32
          %mul3A_176 = arith.muli %scan3A_66, %mul3A_175 : i32
          %add3A_177 = arith.addi %mul3A_174, %mul3A_176 : i32
          %add3A_178 = arith.constant 32 : i32
          %add3A_179 = arith.addi %add3A_177, %add3A_178 : i32
          %add3A_180 = vector.broadcast %add3A_179 : i32 to vector<16xi32>
          %add3A_181 = arith.addi %add3A_180, %iota3A : vector<16xi32>
          %swap3A_182 = arith.index_cast %add3A_172 : i32 to index
          %swap3A_183 = tpu.vector_load %arg13[%swap3A_182] masked %and3A_107 {strides = array<i32>} : memref<6400xi32, #tpu.memory_space<vmem>>, vector<16xi32>, vector<16xi1>
          tpu.vector_store %arg13[%swap3A_182], %add3A_181 masked %and3A_107 {strides = array<i32>} : memref<6400xi32, #tpu.memory_space<vmem>>, vector<16xi32>, vector<16xi1>
          %swap3A_184 = arith.index_cast %add3A_172 : i32 to index
          %swap3A_185 = tpu.vector_load %arg14[%swap3A_184] masked %and3A_107 {strides = array<i32>} : memref<6400xi32, #tpu.memory_space<vmem>>, vector<16xi32>, vector<16xi1>
          tpu.vector_store %arg14[%swap3A_184], %sub3A_100 masked %and3A_107 {strides = array<i32>} : memref<6400xi32, #tpu.memory_space<vmem>>, vector<16xi32>, vector<16xi1>
          %convert_element_type3A_186 = arith.extui %and3A_107 : vector<16xi1> to vector<16xi32>
          %reduce_sum3A_187 = arith.constant true
          %reduce_sum3A_188 = vector.broadcast %reduce_sum3A_187 : i1 to vector<16xi1>
          %reduce_sum3A_189 = tpu.scan <sum>, %convert_element_type3A_186 masked %reduce_sum3A_188 : vector<16xi32>, vector<16xi1> -> vector<16xi32>
          %reduce_sum3A_190 = vector.extract %reduce_sum3A_189[15] : i32 from vector<16xi32>
          %add3A_191 = arith.addi %add3A_172, %reduce_sum3A_190 : i32
          %mul3A_192 = arith.constant 6400 : i32
          %mul3A_193 = arith.muli %add3A_51, %mul3A_192 : i32
          %mul3A_194 = arith.constant 64 : i32
          %mul3A_195 = arith.muli %scan3A_66, %mul3A_194 : i32
          %add3A_196 = arith.addi %mul3A_193, %mul3A_195 : i32
          %add3A_197 = arith.constant 48 : i32
          %add3A_198 = arith.addi %add3A_196, %add3A_197 : i32
          %add3A_199 = vector.broadcast %add3A_198 : i32 to vector<16xi32>
          %add3A_200 = arith.addi %add3A_199, %iota3A : vector<16xi32>
          %swap3A_201 = arith.index_cast %add3A_191 : i32 to index
          %swap3A_202 = tpu.vector_load %arg13[%swap3A_201] masked %and3A_122 {strides = array<i32>} : memref<6400xi32, #tpu.memory_space<vmem>>, vector<16xi32>, vector<16xi1>
          tpu.vector_store %arg13[%swap3A_201], %add3A_200 masked %and3A_122 {strides = array<i32>} : memref<6400xi32, #tpu.memory_space<vmem>>, vector<16xi32>, vector<16xi1>
          %swap3A_203 = arith.index_cast %add3A_191 : i32 to index
          %swap3A_204 = tpu.vector_load %arg14[%swap3A_203] masked %and3A_122 {strides = array<i32>} : memref<6400xi32, #tpu.memory_space<vmem>>, vector<16xi32>, vector<16xi1>
          tpu.vector_store %arg14[%swap3A_203], %sub3A_115 masked %and3A_122 {strides = array<i32>} : memref<6400xi32, #tpu.memory_space<vmem>>, vector<16xi32>, vector<16xi1>
          %convert_element_type3A_205 = arith.extui %and3A_122 : vector<16xi1> to vector<16xi32>
          %reduce_sum3A_206 = arith.constant true
          %reduce_sum3A_207 = vector.broadcast %reduce_sum3A_206 : i1 to vector<16xi1>
          %reduce_sum3A_208 = tpu.scan <sum>, %convert_element_type3A_205 masked %reduce_sum3A_207 : vector<16xi32>, vector<16xi1> -> vector<16xi32>
          %reduce_sum3A_209 = vector.extract %reduce_sum3A_208[15] : i32 from vector<16xi32>
          %add3A_210 = arith.addi %add3A_191, %reduce_sum3A_209 : i32
          scf.yield %add3A_210 : i32
        } else {
          scf.yield %scan3A_67 : i32
        }
        scf.yield %cond3A_136 : i32
      }
      %scan3A_60 = arith.constant 100 : i32
      %scan3A_61 = arith.constant 0 : i32
      %scan3A_62 = arith.constant 100 : i32
      %scan3A_63 = arith.addi %scan3A_61, %scan3A_62 : i32
      %scan3A_64 = arith.constant 1 : i32
      scf.for %scan3A_66 = %scan3A_61 to %scan3A_63 step %scan3A_64  : i32 {
        %mul3A_67 = arith.constant 1 : i32
        %mul3A_68 = arith.muli %scan3A_66, %mul3A_67 : i32
        %add3A_69 = arith.constant 0 : i32
        %add3A_70 = arith.addi %add3A_69, %mul3A_68 : i32
        %mul3A_71 = arith.constant 64 : i32
        %mul3A_72 = arith.muli %add3A_70, %mul3A_71 : i32
        %gt3A = arith.cmpi sgt, %scan3A_59, %mul3A_72 : i32
        %convert_element_type3A = arith.extui %gt3A : i1 to i32
        %cond3A = arith.constant 0 : i32
        %cond3A_73 = arith.cmpi ne, %convert_element_type3A, %cond3A : i32
        scf.if %cond3A_73 {
          %mul3A_74 = arith.constant 64 : i32
          %mul3A_75 = arith.muli %add3A_70, %mul3A_74 : i32
          %dma_start3A = tpu.memref_slice %arg13[%mul3A_75] : memref<6400xi32, #tpu.memory_space<vmem>> -> memref<64xi32, #tpu.memory_space<vmem>>
          %dma_start3A_76 = arith.constant 0 : i32
          %dma_start3A_77 = arith.constant 0 : i32
          %dma_start3A_78 = tpu.memref_slice %arg4[%dma_start3A_76, %dma_start3A_77] : memref<320000x128xf32, #tpu.memory_space<hbm>> -> memref<320000x128xf32, #tpu.memory_space<hbm>>
          tpu.enqueue_indirect_dma source(%dma_start3A_78 : memref<320000x128xf32, #tpu.memory_space<hbm>>) target(%arg15 : memref<64x128xf32, #tpu.memory_space<vmem>>) offsets(%dma_start3A : memref<64xi32, #tpu.memory_space<vmem>>) semaphore(%arg19 : memref<!tpu.dma_semaphore, #tpu.memory_space<semaphore_mem>>)
          %dma_wait3A = tpu.memref_slice %arg13[%mul3A_75] : memref<6400xi32, #tpu.memory_space<vmem>> -> memref<64xi32, #tpu.memory_space<vmem>>
          %dma_wait3A_79 = arith.constant 0 : i32
          %dma_wait3A_80 = arith.constant 0 : i32
          %dma_wait3A_81 = tpu.memref_slice %arg4[%dma_wait3A_79, %dma_wait3A_80] : memref<320000x128xf32, #tpu.memory_space<hbm>> -> memref<320000x128xf32, #tpu.memory_space<hbm>>
          tpu.wait_indirect_dma semaphore(%arg19 : memref<!tpu.dma_semaphore, #tpu.memory_space<semaphore_mem>>) src(%dma_wait3A_81 : memref<320000x128xf32, #tpu.memory_space<hbm>>) dst(%arg15 : memref<64x128xf32, #tpu.memory_space<vmem>>)
          %mul3A_82 = arith.constant 64 : i32
          %mul3A_83 = arith.muli %add3A_70, %mul3A_82 : i32
          %sub3A = arith.subi %scan3A_59, %mul3A_83 : i32
          %min3A = arith.constant 64 : i32
          %min3A_84 = arith.minsi %sub3A, %min3A : i32
          %while3A = arith.constant 0 : i32
          %while3A_85 = arith.constant 0 : i32
          %while3A_86 = arith.subi %min3A_84, %while3A_85 : i32
          %while3A_87 = arith.addi %while3A_85, %while3A_86 : i32
          %while3A_88 = arith.constant 1 : i32
          %while3A_89 = arith.divsi %while3A_86, %while3A_88 : i32
          %while3A_90 = arith.muli %while3A_89, %while3A_88 : i32
          %while3A_91 = arith.addi %while3A_85, %while3A_90 : i32
          %while3A_92 = arith.constant 1 : i32
          scf.for %while3A_94 = %while3A_85 to %while3A_91 step %while3A_92  : i32 {
            %mul3A_95 = arith.constant 64 : i32
            %mul3A_96 = arith.muli %add3A_70, %mul3A_95 : i32
            %add3A_97 = arith.addi %mul3A_96, %while3A_94 : i32
            %jit3A = arith.constant 16 : i32
            %div3A = arith.divsi %add3A_97, %jit3A : i32
            %sign3A = arith.constant 0 : i32
            %sign3A_98 = arith.cmpi sgt, %add3A_97, %sign3A : i32
            %sign3A_99 = arith.extui %sign3A_98 : i1 to i32
            %sign3A_100 = arith.constant 0 : i32
            %sign3A_101 = arith.cmpi slt, %add3A_97, %sign3A_100 : i32
            %sign3A_102 = arith.extui %sign3A_101 : i1 to i32
            %sign3A_103 = arith.subi %sign3A_99, %sign3A_102 : i32
            %sign3A_104 = arith.constant 0 : i32
            %sign3A_105 = arith.cmpi sgt, %jit3A, %sign3A_104 : i32
            %sign3A_106 = arith.extui %sign3A_105 : i1 to i32
            %sign3A_107 = arith.constant 0 : i32
            %sign3A_108 = arith.cmpi slt, %jit3A, %sign3A_107 : i32
            %sign3A_109 = arith.extui %sign3A_108 : i1 to i32
            %sign3A_110 = arith.subi %sign3A_106, %sign3A_109 : i32
            %ne3A = arith.cmpi ne, %sign3A_103, %sign3A_110 : i32
            %rem3A = arith.remsi %add3A_97, %jit3A : i32
            %ne3A_111 = arith.constant 0 : i32
            %ne3A_112 = arith.cmpi ne, %rem3A, %ne3A_111 : i32
            %and3A = arith.andi %ne3A, %ne3A_112 : i1
            %sub3A_113 = arith.constant 1 : i32
            %sub3A_114 = arith.subi %div3A, %sub3A_113 : i32
            %select_n3A = arith.select %and3A, %sub3A_114, %div3A : i32
            %mul3A_115 = arith.constant 16 : i32
            %mul3A_116 = arith.muli %select_n3A, %mul3A_115 : i32
            %get3A = arith.index_cast %mul3A_116 : i32 to index
            %get3A_117 = tpu.vector_load %arg14[%get3A] {strides = array<i32>} : memref<6400xi32, #tpu.memory_space<vmem>>, vector<16xi32>,
            %sub3A_118 = arith.subi %add3A_97, %mul3A_116 : i32
            %eq3A_119 = vector.broadcast %sub3A_118 : i32 to vector<16xi32>
            %eq3A_120 = arith.cmpi eq, %iota3A, %eq3A_119 : vector<16xi32>
            %jit3A_121 = arith.constant 0 : i32
            %broadcast_in_dim3A = vector.broadcast %jit3A_121 : i32 to vector<16xi32>
            %select_n3A_122 = arith.select %eq3A_120, %get3A_117, %broadcast_in_dim3A : vector<16xi1>, vector<16xi32>
            %reduce_sum3A = arith.constant true
            %reduce_sum3A_123 = vector.broadcast %reduce_sum3A : i1 to vector<16xi1>
            %reduce_sum3A_124 = tpu.scan <sum>, %select_n3A_122 masked %reduce_sum3A_123 : vector<16xi32>, vector<16xi1> -> vector<16xi32>
            %reduce_sum3A_125 = vector.extract %reduce_sum3A_124[15] : i32 from vector<16xi32>
            %get3A_126 = arith.index_cast %reduce_sum3A_125 : i32 to index
            %get3A_127 = arith.constant 0 : index
            %get3A_128 = tpu.vector_load %arg16[%get3A_126, %get3A_127] {strides = array<i32>} : memref<160x16xf32, #tpu.memory_space<vmem>>, vector<16xf32>,
            %broadcast_in_dim3A_129 = arith.constant 1.000000e+00 : f32
            %broadcast_in_dim3A_130 = vector.broadcast %broadcast_in_dim3A_129 : f32 to vector<16xf32>
            %add3A_131 = arith.addf %get3A_128, %broadcast_in_dim3A_130 : vector<16xf32>
            %swap3A = arith.index_cast %reduce_sum3A_125 : i32 to index
            %swap3A_132 = arith.constant 0 : index
            %swap3A_133 = tpu.vector_load %arg16[%swap3A, %swap3A_132] {strides = array<i32>} : memref<160x16xf32, #tpu.memory_space<vmem>>, vector<16xf32>,
            tpu.vector_store %arg16[%swap3A, %swap3A_132], %add3A_131 {strides = array<i32>} : memref<160x16xf32, #tpu.memory_space<vmem>>, vector<16xf32>,
            %get3A_134 = arith.index_cast %reduce_sum3A_125 : i32 to index
            %get3A_135 = arith.constant 0 : index
            %get3A_136 = tpu.vector_load %arg17[%get3A_134, %get3A_135] {strides = array<i32>} : memref<160x128xf32, #tpu.memory_space<vmem>>, vector<16xf32>,
            %get3A_137 = arith.index_cast %while3A_94 : i32 to index
            %get3A_138 = arith.constant 0 : index
            %get3A_139 = tpu.vector_load %arg15[%get3A_137, %get3A_138] {strides = array<i32>} : memref<64x128xf32, #tpu.memory_space<vmem>>, vector<16xf32>,
            %max3A = arith.maximumf %get3A_136, %get3A_139 : vector<16xf32>
            %swap3A_140 = arith.index_cast %reduce_sum3A_125 : i32 to index
            %swap3A_141 = arith.constant 0 : index
            %swap3A_142 = tpu.vector_load %arg17[%swap3A_140, %swap3A_141] {strides = array<i32>} : memref<160x128xf32, #tpu.memory_space<vmem>>, vector<16xf32>,
            tpu.vector_store %arg17[%swap3A_140, %swap3A_141], %max3A {strides = array<i32>} : memref<160x128xf32, #tpu.memory_space<vmem>>, vector<16xf32>,
            %get3A_143 = arith.index_cast %reduce_sum3A_125 : i32 to index
            %get3A_144 = arith.constant 16 : index
            %get3A_145 = tpu.vector_load %arg17[%get3A_143, %get3A_144] {strides = array<i32>} : memref<160x128xf32, #tpu.memory_space<vmem>>, vector<16xf32>,
            %get3A_146 = arith.index_cast %while3A_94 : i32 to index
            %get3A_147 = arith.constant 16 : index
            %get3A_148 = tpu.vector_load %arg15[%get3A_146, %get3A_147] {strides = array<i32>} : memref<64x128xf32, #tpu.memory_space<vmem>>, vector<16xf32>,
            %max3A_149 = arith.maximumf %get3A_145, %get3A_148 : vector<16xf32>
            %swap3A_150 = arith.index_cast %reduce_sum3A_125 : i32 to index
            %swap3A_151 = arith.constant 16 : index
            %swap3A_152 = tpu.vector_load %arg17[%swap3A_150, %swap3A_151] {strides = array<i32>} : memref<160x128xf32, #tpu.memory_space<vmem>>, vector<16xf32>,
            tpu.vector_store %arg17[%swap3A_150, %swap3A_151], %max3A_149 {strides = array<i32>} : memref<160x128xf32, #tpu.memory_space<vmem>>, vector<16xf32>,
            %get3A_153 = arith.index_cast %reduce_sum3A_125 : i32 to index
            %get3A_154 = arith.constant 32 : index
            %get3A_155 = tpu.vector_load %arg17[%get3A_153, %get3A_154] {strides = array<i32>} : memref<160x128xf32, #tpu.memory_space<vmem>>, vector<16xf32>,
            %get3A_156 = arith.index_cast %while3A_94 : i32 to index
            %get3A_157 = arith.constant 32 : index
            %get3A_158 = tpu.vector_load %arg15[%get3A_156, %get3A_157] {strides = array<i32>} : memref<64x128xf32, #tpu.memory_space<vmem>>, vector<16xf32>,
            %max3A_159 = arith.maximumf %get3A_155, %get3A_158 : vector<16xf32>
            %swap3A_160 = arith.index_cast %reduce_sum3A_125 : i32 to index
            %swap3A_161 = arith.constant 32 : index
            %swap3A_162 = tpu.vector_load %arg17[%swap3A_160, %swap3A_161] {strides = array<i32>} : memref<160x128xf32, #tpu.memory_space<vmem>>, vector<16xf32>,
            tpu.vector_store %arg17[%swap3A_160, %swap3A_161], %max3A_159 {strides = array<i32>} : memref<160x128xf32, #tpu.memory_space<vmem>>, vector<16xf32>,
            %get3A_163 = arith.index_cast %reduce_sum3A_125 : i32 to index
            %get3A_164 = arith.constant 48 : index
            %get3A_165 = tpu.vector_load %arg17[%get3A_163, %get3A_164] {strides = array<i32>} : memref<160x128xf32, #tpu.memory_space<vmem>>, vector<16xf32>,
            %get3A_166 = arith.index_cast %while3A_94 : i32 to index
            %get3A_167 = arith.constant 48 : index
            %get3A_168 = tpu.vector_load %arg15[%get3A_166, %get3A_167] {strides = array<i32>} : memref<64x128xf32, #tpu.memory_space<vmem>>, vector<16xf32>,
            %max3A_169 = arith.maximumf %get3A_165, %get3A_168 : vector<16xf32>
            %swap3A_170 = arith.index_cast %reduce_sum3A_125 : i32 to index
            %swap3A_171 = arith.constant 48 : index
            %swap3A_172 = tpu.vector_load %arg17[%swap3A_170, %swap3A_171] {strides = array<i32>} : memref<160x128xf32, #tpu.memory_space<vmem>>, vector<16xf32>,
            tpu.vector_store %arg17[%swap3A_170, %swap3A_171], %max3A_169 {strides = array<i32>} : memref<160x128xf32, #tpu.memory_space<vmem>>, vector<16xf32>,
            %get3A_173 = arith.index_cast %reduce_sum3A_125 : i32 to index
            %get3A_174 = arith.constant 64 : index
            %get3A_175 = tpu.vector_load %arg17[%get3A_173, %get3A_174] {strides = array<i32>} : memref<160x128xf32, #tpu.memory_space<vmem>>, vector<16xf32>,
            %get3A_176 = arith.index_cast %while3A_94 : i32 to index
            %get3A_177 = arith.constant 64 : index
            %get3A_178 = tpu.vector_load %arg15[%get3A_176, %get3A_177] {strides = array<i32>} : memref<64x128xf32, #tpu.memory_space<vmem>>, vector<16xf32>,
            %max3A_179 = arith.maximumf %get3A_175, %get3A_178 : vector<16xf32>
            %swap3A_180 = arith.index_cast %reduce_sum3A_125 : i32 to index
            %swap3A_181 = arith.constant 64 : index
            %swap3A_182 = tpu.vector_load %arg17[%swap3A_180, %swap3A_181] {strides = array<i32>} : memref<160x128xf32, #tpu.memory_space<vmem>>, vector<16xf32>,
            tpu.vector_store %arg17[%swap3A_180, %swap3A_181], %max3A_179 {strides = array<i32>} : memref<160x128xf32, #tpu.memory_space<vmem>>, vector<16xf32>,
            %get3A_183 = arith.index_cast %reduce_sum3A_125 : i32 to index
            %get3A_184 = arith.constant 80 : index
            %get3A_185 = tpu.vector_load %arg17[%get3A_183, %get3A_184] {strides = array<i32>} : memref<160x128xf32, #tpu.memory_space<vmem>>, vector<16xf32>,
            %get3A_186 = arith.index_cast %while3A_94 : i32 to index
            %get3A_187 = arith.constant 80 : index
            %get3A_188 = tpu.vector_load %arg15[%get3A_186, %get3A_187] {strides = array<i32>} : memref<64x128xf32, #tpu.memory_space<vmem>>, vector<16xf32>,
            %max3A_189 = arith.maximumf %get3A_185, %get3A_188 : vector<16xf32>
            %swap3A_190 = arith.index_cast %reduce_sum3A_125 : i32 to index
            %swap3A_191 = arith.constant 80 : index
            %swap3A_192 = tpu.vector_load %arg17[%swap3A_190, %swap3A_191] {strides = array<i32>} : memref<160x128xf32, #tpu.memory_space<vmem>>, vector<16xf32>,
            tpu.vector_store %arg17[%swap3A_190, %swap3A_191], %max3A_189 {strides = array<i32>} : memref<160x128xf32, #tpu.memory_space<vmem>>, vector<16xf32>,
            %get3A_193 = arith.index_cast %reduce_sum3A_125 : i32 to index
            %get3A_194 = arith.constant 96 : index
            %get3A_195 = tpu.vector_load %arg17[%get3A_193, %get3A_194] {strides = array<i32>} : memref<160x128xf32, #tpu.memory_space<vmem>>, vector<16xf32>,
            %get3A_196 = arith.index_cast %while3A_94 : i32 to index
            %get3A_197 = arith.constant 96 : index
            %get3A_198 = tpu.vector_load %arg15[%get3A_196, %get3A_197] {strides = array<i32>} : memref<64x128xf32, #tpu.memory_space<vmem>>, vector<16xf32>,
            %max3A_199 = arith.maximumf %get3A_195, %get3A_198 : vector<16xf32>
            %swap3A_200 = arith.index_cast %reduce_sum3A_125 : i32 to index
            %swap3A_201 = arith.constant 96 : index
            %swap3A_202 = tpu.vector_load %arg17[%swap3A_200, %swap3A_201] {strides = array<i32>} : memref<160x128xf32, #tpu.memory_space<vmem>>, vector<16xf32>,
            tpu.vector_store %arg17[%swap3A_200, %swap3A_201], %max3A_199 {strides = array<i32>} : memref<160x128xf32, #tpu.memory_space<vmem>>, vector<16xf32>,
            %get3A_203 = arith.index_cast %reduce_sum3A_125 : i32 to index
            %get3A_204 = arith.constant 112 : index
            %get3A_205 = tpu.vector_load %arg17[%get3A_203, %get3A_204] {strides = array<i32>} : memref<160x128xf32, #tpu.memory_space<vmem>>, vector<16xf32>,
            %get3A_206 = arith.index_cast %while3A_94 : i32 to index
            %get3A_207 = arith.constant 112 : index
            %get3A_208 = tpu.vector_load %arg15[%get3A_206, %get3A_207] {strides = array<i32>} : memref<64x128xf32, #tpu.memory_space<vmem>>, vector<16xf32>,
            %max3A_209 = arith.maximumf %get3A_205, %get3A_208 : vector<16xf32>
            %swap3A_210 = arith.index_cast %reduce_sum3A_125 : i32 to index
            %swap3A_211 = arith.constant 112 : index
            %swap3A_212 = tpu.vector_load %arg17[%swap3A_210, %swap3A_211] {strides = array<i32>} : memref<160x128xf32, #tpu.memory_space<vmem>>, vector<16xf32>,
            tpu.vector_store %arg17[%swap3A_210, %swap3A_211], %max3A_209 {strides = array<i32>} : memref<160x128xf32, #tpu.memory_space<vmem>>, vector<16xf32>,
          }
          %while3A_93 = arith.constant 1 : i32
          scf.for %while3A_94 = %while3A_91 to %while3A_87 step %while3A_93  : i32 {
            %mul3A_95 = arith.constant 64 : i32
            %mul3A_96 = arith.muli %add3A_70, %mul3A_95 : i32
            %add3A_97 = arith.addi %mul3A_96, %while3A_94 : i32
            %jit3A = arith.constant 16 : i32
            %div3A = arith.divsi %add3A_97, %jit3A : i32
            %sign3A = arith.constant 0 : i32
            %sign3A_98 = arith.cmpi sgt, %add3A_97, %sign3A : i32
            %sign3A_99 = arith.extui %sign3A_98 : i1 to i32
            %sign3A_100 = arith.constant 0 : i32
            %sign3A_101 = arith.cmpi slt, %add3A_97, %sign3A_100 : i32
            %sign3A_102 = arith.extui %sign3A_101 : i1 to i32
            %sign3A_103 = arith.subi %sign3A_99, %sign3A_102 : i32
            %sign3A_104 = arith.constant 0 : i32
            %sign3A_105 = arith.cmpi sgt, %jit3A, %sign3A_104 : i32
            %sign3A_106 = arith.extui %sign3A_105 : i1 to i32
            %sign3A_107 = arith.constant 0 : i32
            %sign3A_108 = arith.cmpi slt, %jit3A, %sign3A_107 : i32
            %sign3A_109 = arith.extui %sign3A_108 : i1 to i32
            %sign3A_110 = arith.subi %sign3A_106, %sign3A_109 : i32
            %ne3A = arith.cmpi ne, %sign3A_103, %sign3A_110 : i32
            %rem3A = arith.remsi %add3A_97, %jit3A : i32
            %ne3A_111 = arith.constant 0 : i32
            %ne3A_112 = arith.cmpi ne, %rem3A, %ne3A_111 : i32
            %and3A = arith.andi %ne3A, %ne3A_112 : i1
            %sub3A_113 = arith.constant 1 : i32
            %sub3A_114 = arith.subi %div3A, %sub3A_113 : i32
            %select_n3A = arith.select %and3A, %sub3A_114, %div3A : i32
            %mul3A_115 = arith.constant 16 : i32
            %mul3A_116 = arith.muli %select_n3A, %mul3A_115 : i32
            %get3A = arith.index_cast %mul3A_116 : i32 to index
            %get3A_117 = tpu.vector_load %arg14[%get3A] {strides = array<i32>} : memref<6400xi32, #tpu.memory_space<vmem>>, vector<16xi32>,
            %sub3A_118 = arith.subi %add3A_97, %mul3A_116 : i32
            %eq3A_119 = vector.broadcast %sub3A_118 : i32 to vector<16xi32>
            %eq3A_120 = arith.cmpi eq, %iota3A, %eq3A_119 : vector<16xi32>
            %jit3A_121 = arith.constant 0 : i32
            %broadcast_in_dim3A = vector.broadcast %jit3A_121 : i32 to vector<16xi32>
            %select_n3A_122 = arith.select %eq3A_120, %get3A_117, %broadcast_in_dim3A : vector<16xi1>, vector<16xi32>
            %reduce_sum3A = arith.constant true
            %reduce_sum3A_123 = vector.broadcast %reduce_sum3A : i1 to vector<16xi1>
            %reduce_sum3A_124 = tpu.scan <sum>, %select_n3A_122 masked %reduce_sum3A_123 : vector<16xi32>, vector<16xi1> -> vector<16xi32>
            %reduce_sum3A_125 = vector.extract %reduce_sum3A_124[15] : i32 from vector<16xi32>
            %get3A_126 = arith.index_cast %reduce_sum3A_125 : i32 to index
            %get3A_127 = arith.constant 0 : index
            %get3A_128 = tpu.vector_load %arg16[%get3A_126, %get3A_127] {strides = array<i32>} : memref<160x16xf32, #tpu.memory_space<vmem>>, vector<16xf32>,
            %broadcast_in_dim3A_129 = arith.constant 1.000000e+00 : f32
            %broadcast_in_dim3A_130 = vector.broadcast %broadcast_in_dim3A_129 : f32 to vector<16xf32>
            %add3A_131 = arith.addf %get3A_128, %broadcast_in_dim3A_130 : vector<16xf32>
            %swap3A = arith.index_cast %reduce_sum3A_125 : i32 to index
            %swap3A_132 = arith.constant 0 : index
            %swap3A_133 = tpu.vector_load %arg16[%swap3A, %swap3A_132] {strides = array<i32>} : memref<160x16xf32, #tpu.memory_space<vmem>>, vector<16xf32>,
            tpu.vector_store %arg16[%swap3A, %swap3A_132], %add3A_131 {strides = array<i32>} : memref<160x16xf32, #tpu.memory_space<vmem>>, vector<16xf32>,
            %get3A_134 = arith.index_cast %reduce_sum3A_125 : i32 to index
            %get3A_135 = arith.constant 0 : index
            %get3A_136 = tpu.vector_load %arg17[%get3A_134, %get3A_135] {strides = array<i32>} : memref<160x128xf32, #tpu.memory_space<vmem>>, vector<16xf32>,
            %get3A_137 = arith.index_cast %while3A_94 : i32 to index
            %get3A_138 = arith.constant 0 : index
            %get3A_139 = tpu.vector_load %arg15[%get3A_137, %get3A_138] {strides = array<i32>} : memref<64x128xf32, #tpu.memory_space<vmem>>, vector<16xf32>,
            %max3A = arith.maximumf %get3A_136, %get3A_139 : vector<16xf32>
            %swap3A_140 = arith.index_cast %reduce_sum3A_125 : i32 to index
            %swap3A_141 = arith.constant 0 : index
            %swap3A_142 = tpu.vector_load %arg17[%swap3A_140, %swap3A_141] {strides = array<i32>} : memref<160x128xf32, #tpu.memory_space<vmem>>, vector<16xf32>,
            tpu.vector_store %arg17[%swap3A_140, %swap3A_141], %max3A {strides = array<i32>} : memref<160x128xf32, #tpu.memory_space<vmem>>, vector<16xf32>,
            %get3A_143 = arith.index_cast %reduce_sum3A_125 : i32 to index
            %get3A_144 = arith.constant 16 : index
            %get3A_145 = tpu.vector_load %arg17[%get3A_143, %get3A_144] {strides = array<i32>} : memref<160x128xf32, #tpu.memory_space<vmem>>, vector<16xf32>,
            %get3A_146 = arith.index_cast %while3A_94 : i32 to index
            %get3A_147 = arith.constant 16 : index
            %get3A_148 = tpu.vector_load %arg15[%get3A_146, %get3A_147] {strides = array<i32>} : memref<64x128xf32, #tpu.memory_space<vmem>>, vector<16xf32>,
            %max3A_149 = arith.maximumf %get3A_145, %get3A_148 : vector<16xf32>
            %swap3A_150 = arith.index_cast %reduce_sum3A_125 : i32 to index
            %swap3A_151 = arith.constant 16 : index
            %swap3A_152 = tpu.vector_load %arg17[%swap3A_150, %swap3A_151] {strides = array<i32>} : memref<160x128xf32, #tpu.memory_space<vmem>>, vector<16xf32>,
            tpu.vector_store %arg17[%swap3A_150, %swap3A_151], %max3A_149 {strides = array<i32>} : memref<160x128xf32, #tpu.memory_space<vmem>>, vector<16xf32>,
            %get3A_153 = arith.index_cast %reduce_sum3A_125 : i32 to index
            %get3A_154 = arith.constant 32 : index
            %get3A_155 = tpu.vector_load %arg17[%get3A_153, %get3A_154] {strides = array<i32>} : memref<160x128xf32, #tpu.memory_space<vmem>>, vector<16xf32>,
            %get3A_156 = arith.index_cast %while3A_94 : i32 to index
            %get3A_157 = arith.constant 32 : index
            %get3A_158 = tpu.vector_load %arg15[%get3A_156, %get3A_157] {strides = array<i32>} : memref<64x128xf32, #tpu.memory_space<vmem>>, vector<16xf32>,
            %max3A_159 = arith.maximumf %get3A_155, %get3A_158 : vector<16xf32>
            %swap3A_160 = arith.index_cast %reduce_sum3A_125 : i32 to index
            %swap3A_161 = arith.constant 32 : index
            %swap3A_162 = tpu.vector_load %arg17[%swap3A_160, %swap3A_161] {strides = array<i32>} : memref<160x128xf32, #tpu.memory_space<vmem>>, vector<16xf32>,
            tpu.vector_store %arg17[%swap3A_160, %swap3A_161], %max3A_159 {strides = array<i32>} : memref<160x128xf32, #tpu.memory_space<vmem>>, vector<16xf32>,
            %get3A_163 = arith.index_cast %reduce_sum3A_125 : i32 to index
            %get3A_164 = arith.constant 48 : index
            %get3A_165 = tpu.vector_load %arg17[%get3A_163, %get3A_164] {strides = array<i32>} : memref<160x128xf32, #tpu.memory_space<vmem>>, vector<16xf32>,
            %get3A_166 = arith.index_cast %while3A_94 : i32 to index
            %get3A_167 = arith.constant 48 : index
            %get3A_168 = tpu.vector_load %arg15[%get3A_166, %get3A_167] {strides = array<i32>} : memref<64x128xf32, #tpu.memory_space<vmem>>, vector<16xf32>,
            %max3A_169 = arith.maximumf %get3A_165, %get3A_168 : vector<16xf32>
            %swap3A_170 = arith.index_cast %reduce_sum3A_125 : i32 to index
            %swap3A_171 = arith.constant 48 : index
            %swap3A_172 = tpu.vector_load %arg17[%swap3A_170, %swap3A_171] {strides = array<i32>} : memref<160x128xf32, #tpu.memory_space<vmem>>, vector<16xf32>,
            tpu.vector_store %arg17[%swap3A_170, %swap3A_171], %max3A_169 {strides = array<i32>} : memref<160x128xf32, #tpu.memory_space<vmem>>, vector<16xf32>,
            %get3A_173 = arith.index_cast %reduce_sum3A_125 : i32 to index
            %get3A_174 = arith.constant 64 : index
            %get3A_175 = tpu.vector_load %arg17[%get3A_173, %get3A_174] {strides = array<i32>} : memref<160x128xf32, #tpu.memory_space<vmem>>, vector<16xf32>,
            %get3A_176 = arith.index_cast %while3A_94 : i32 to index
            %get3A_177 = arith.constant 64 : index
            %get3A_178 = tpu.vector_load %arg15[%get3A_176, %get3A_177] {strides = array<i32>} : memref<64x128xf32, #tpu.memory_space<vmem>>, vector<16xf32>,
            %max3A_179 = arith.maximumf %get3A_175, %get3A_178 : vector<16xf32>
            %swap3A_180 = arith.index_cast %reduce_sum3A_125 : i32 to index
            %swap3A_181 = arith.constant 64 : index
            %swap3A_182 = tpu.vector_load %arg17[%swap3A_180, %swap3A_181] {strides = array<i32>} : memref<160x128xf32, #tpu.memory_space<vmem>>, vector<16xf32>,
            tpu.vector_store %arg17[%swap3A_180, %swap3A_181], %max3A_179 {strides = array<i32>} : memref<160x128xf32, #tpu.memory_space<vmem>>, vector<16xf32>,
            %get3A_183 = arith.index_cast %reduce_sum3A_125 : i32 to index
            %get3A_184 = arith.constant 80 : index
            %get3A_185 = tpu.vector_load %arg17[%get3A_183, %get3A_184] {strides = array<i32>} : memref<160x128xf32, #tpu.memory_space<vmem>>, vector<16xf32>,
            %get3A_186 = arith.index_cast %while3A_94 : i32 to index
            %get3A_187 = arith.constant 80 : index
            %get3A_188 = tpu.vector_load %arg15[%get3A_186, %get3A_187] {strides = array<i32>} : memref<64x128xf32, #tpu.memory_space<vmem>>, vector<16xf32>,
            %max3A_189 = arith.maximumf %get3A_185, %get3A_188 : vector<16xf32>
            %swap3A_190 = arith.index_cast %reduce_sum3A_125 : i32 to index
            %swap3A_191 = arith.constant 80 : index
            %swap3A_192 = tpu.vector_load %arg17[%swap3A_190, %swap3A_191] {strides = array<i32>} : memref<160x128xf32, #tpu.memory_space<vmem>>, vector<16xf32>,
            tpu.vector_store %arg17[%swap3A_190, %swap3A_191], %max3A_189 {strides = array<i32>} : memref<160x128xf32, #tpu.memory_space<vmem>>, vector<16xf32>,
            %get3A_193 = arith.index_cast %reduce_sum3A_125 : i32 to index
            %get3A_194 = arith.constant 96 : index
            %get3A_195 = tpu.vector_load %arg17[%get3A_193, %get3A_194] {strides = array<i32>} : memref<160x128xf32, #tpu.memory_space<vmem>>, vector<16xf32>,
            %get3A_196 = arith.index_cast %while3A_94 : i32 to index
            %get3A_197 = arith.constant 96 : index
            %get3A_198 = tpu.vector_load %arg15[%get3A_196, %get3A_197] {strides = array<i32>} : memref<64x128xf32, #tpu.memory_space<vmem>>, vector<16xf32>,
            %max3A_199 = arith.maximumf %get3A_195, %get3A_198 : vector<16xf32>
            %swap3A_200 = arith.index_cast %reduce_sum3A_125 : i32 to index
            %swap3A_201 = arith.constant 96 : index
            %swap3A_202 = tpu.vector_load %arg17[%swap3A_200, %swap3A_201] {strides = array<i32>} : memref<160x128xf32, #tpu.memory_space<vmem>>, vector<16xf32>,
            tpu.vector_store %arg17[%swap3A_200, %swap3A_201], %max3A_199 {strides = array<i32>} : memref<160x128xf32, #tpu.memory_space<vmem>>, vector<16xf32>,
            %get3A_203 = arith.index_cast %reduce_sum3A_125 : i32 to index
            %get3A_204 = arith.constant 112 : index
            %get3A_205 = tpu.vector_load %arg17[%get3A_203, %get3A_204] {strides = array<i32>} : memref<160x128xf32, #tpu.memory_space<vmem>>, vector<16xf32>,
            %get3A_206 = arith.index_cast %while3A_94 : i32 to index
            %get3A_207 = arith.constant 112 : index
            %get3A_208 = tpu.vector_load %arg15[%get3A_206, %get3A_207] {strides = array<i32>} : memref<64x128xf32, #tpu.memory_space<vmem>>, vector<16xf32>,
            %max3A_209 = arith.maximumf %get3A_205, %get3A_208 : vector<16xf32>
            %swap3A_210 = arith.index_cast %reduce_sum3A_125 : i32 to index
            %swap3A_211 = arith.constant 112 : index
            %swap3A_212 = tpu.vector_load %arg17[%swap3A_210, %swap3A_211] {strides = array<i32>} : memref<160x128xf32, #tpu.memory_space<vmem>>, vector<16xf32>,
            tpu.vector_store %arg17[%swap3A_210, %swap3A_211], %max3A_209 {strides = array<i32>} : memref<160x128xf32, #tpu.memory_space<vmem>>, vector<16xf32>,
          }
        } else {
        }
      }
      %scan3A_65 = arith.constant 100 : i32
    }
    %scan3A_42 = arith.constant 50 : i32
    %mul3A_43 = arith.constant 160 : i32
    %mul3A_44 = arith.muli %add3A, %mul3A_43 : i32
    "tpu.region"() ({
      %run_scoped3A = tpu.sem_alloc : memref<!tpu.dma_semaphore, #tpu.memory_space<semaphore_mem>>
      %dma_start3A = arith.constant 0 : i32
      %dma_start3A_47 = tpu.memref_slice %arg8[%mul3A_44, %dma_start3A] : memref<5120x128xf32, #tpu.memory_space<hbm>> -> memref<160x128xf32, #tpu.memory_space<hbm>>
      %dma_start3A_48 = arith.constant 0 : i32
      %dma_start3A_49 = tpu.memref_slice %arg8[%mul3A_44, %dma_start3A_48] : memref<5120x128xf32, #tpu.memory_space<hbm>> -> memref<160x128xf32, #tpu.memory_space<hbm>>
      tpu.enqueue_dma source(%arg17 : memref<160x128xf32, #tpu.memory_space<vmem>>) target(%dma_start3A_49 : memref<160x128xf32, #tpu.memory_space<hbm>>) target_semaphore(%run_scoped3A : memref<!tpu.dma_semaphore, #tpu.memory_space<semaphore_mem>>)
      %dma_wait3A = arith.constant 0 : i32
      %dma_wait3A_50 = tpu.memref_slice %arg8[%mul3A_44, %dma_wait3A] : memref<5120x128xf32, #tpu.memory_space<hbm>> -> memref<160x128xf32, #tpu.memory_space<hbm>>
      %dma_wait3A_51 = arith.constant 0 : i32
      %dma_wait3A_52 = tpu.memref_slice %arg8[%mul3A_44, %dma_wait3A_51] : memref<5120x128xf32, #tpu.memory_space<hbm>> -> memref<160x128xf32, #tpu.memory_space<hbm>>
      tpu.wait_dma2 semaphore(%run_scoped3A : memref<!tpu.dma_semaphore, #tpu.memory_space<semaphore_mem>>) src(%arg17 : memref<160x128xf32, #tpu.memory_space<vmem>>) dst(%dma_wait3A_52 : memref<160x128xf32, #tpu.memory_space<hbm>>)
      tpu.yield
    }) : () -> ()
    %mul3A_45 = arith.constant 160 : i32
    %mul3A_46 = arith.muli %add3A, %mul3A_45 : i32
    "tpu.region"() ({
      %run_scoped3A = tpu.sem_alloc : memref<!tpu.dma_semaphore, #tpu.memory_space<semaphore_mem>>
      %dma_start3A = arith.constant 0 : i32
      %dma_start3A_47 = tpu.memref_slice %arg7[%mul3A_46, %dma_start3A] : memref<5120x16xf32, #tpu.memory_space<hbm>> -> memref<160x16xf32, #tpu.memory_space<hbm>>
      %dma_start3A_48 = arith.constant 0 : i32
      %dma_start3A_49 = tpu.memref_slice %arg7[%mul3A_46, %dma_start3A_48] : memref<5120x16xf32, #tpu.memory_space<hbm>> -> memref<160x16xf32, #tpu.memory_space<hbm>>
      tpu.enqueue_dma source(%arg16 : memref<160x16xf32, #tpu.memory_space<vmem>>) target(%dma_start3A_49 : memref<160x16xf32, #tpu.memory_space<hbm>>) target_semaphore(%run_scoped3A : memref<!tpu.dma_semaphore, #tpu.memory_space<semaphore_mem>>)
      %dma_wait3A = arith.constant 0 : i32
      %dma_wait3A_50 = tpu.memref_slice %arg7[%mul3A_46, %dma_wait3A] : memref<5120x16xf32, #tpu.memory_space<hbm>> -> memref<160x16xf32, #tpu.memory_space<hbm>>
      %dma_wait3A_51 = arith.constant 0 : i32
      %dma_wait3A_52 = tpu.memref_slice %arg7[%mul3A_46, %dma_wait3A_51] : memref<5120x16xf32, #tpu.memory_space<hbm>> -> memref<160x16xf32, #tpu.memory_space<hbm>>
      tpu.wait_dma2 semaphore(%run_scoped3A : memref<!tpu.dma_semaphore, #tpu.memory_space<semaphore_mem>>) src(%arg16 : memref<160x16xf32, #tpu.memory_space<vmem>>) dst(%dma_wait3A_52 : memref<160x16xf32, #tpu.memory_space<hbm>>)
      tpu.yield
    }) : () -> ()
    return
  }
}

#map = affine_map<(d0, d1) -> (0, 0)>
#map1 = affine_map<(d0, d1) -> (0)>
#map2 = affine_map<(d0, d1) -> (0, 0, 0)>
module attributes {stable_mosaic.version = 14 : i64} {
  func.func @k(%arg0: i32, %arg1: i32, %arg2: memref<10000x128xf32, #tpu.memory_space<hbm>>, %arg3: memref<320000xi32, #tpu.memory_space<hbm>>, %arg4: memref<320000xi32, #tpu.memory_space<hbm>>, %arg5: memref<2500x128x128xf32, #tpu.memory_space<hbm>>, %arg6: memref<2500x128x128xf32, #tpu.memory_space<hbm>>, %arg7: memref<128xi32, #tpu.memory_space<vmem>>, %arg8: memref<128xi32, #tpu.memory_space<vmem>>, %arg9: memref<128xi32, #tpu.memory_space<vmem>>, %arg10: memref<128xi32, #tpu.memory_space<vmem>>, %arg11: memref<128x128xf32, #tpu.memory_space<vmem>>, %arg12: memref<128x128xf32, #tpu.memory_space<vmem>>, %arg13: memref<128x128xf32, #tpu.memory_space<vmem>>, %arg14: memref<128x128xf32, #tpu.memory_space<vmem>>, %arg15: memref<!tpu.dma_semaphore, #tpu.memory_space<semaphore_mem>>) attributes {dimension_semantics = [#tpu.dimension_semantics<core_parallel>, #tpu.dimension_semantics<subcore_parallel>], iteration_bounds = array<i64: 2, 16>, scalar_prefetch = 0 : i64, scratch_operands = 9 : i64, tpu.core_type = #tpu.core_type<sc_vector_subcore>, window_params = [{transform_indices = #map}, {transform_indices = #map1}, {transform_indices = #map1}, {transform_indices = #map2}, {transform_indices = #map2}]} {
    %mul3A = arith.constant 2 : i32
    %mul3A_0 = arith.muli %arg1, %mul3A : i32
    %add3A = arith.addi %mul3A_0, %arg0 : i32
    %scan3A = arith.constant 0 : i32
    %scan3A_1 = arith.constant 40 : i32
    %scan3A_2 = arith.addi %scan3A, %scan3A_1 : i32
    %scan3A_3 = arith.constant 1 : i32
    scf.for %scan3A_5 = %scan3A to %scan3A_2 step %scan3A_3  : i32 {
      %mul3A_6 = arith.constant 1 : i32
      %mul3A_7 = arith.muli %scan3A_5, %mul3A_6 : i32
      %add3A_8 = arith.constant 0 : i32
      %add3A_9 = arith.addi %add3A_8, %mul3A_7 : i32
      %mul3A_10 = arith.constant 32 : i32
      %mul3A_11 = arith.muli %mul3A_10, %add3A_9 : i32
      %add3A_12 = arith.addi %add3A, %mul3A_11 : i32
      %lt3A = arith.constant 1250 : i32
      %lt3A_13 = arith.cmpi slt, %add3A_12, %lt3A : i32
      %convert_element_type3A = arith.extui %lt3A_13 : i1 to i32
      %cond3A = arith.constant 0 : i32
      %cond3A_14 = arith.cmpi ne, %convert_element_type3A, %cond3A : i32
      scf.if %cond3A_14 {
        %mul3A_15 = arith.constant 256 : i32
        %mul3A_16 = arith.muli %add3A_12, %mul3A_15 : i32
        "tpu.region"() ({
          %run_scoped3A = tpu.sem_alloc : memref<!tpu.dma_semaphore, #tpu.memory_space<semaphore_mem>>
          %dma_start3A_61 = tpu.memref_slice %arg3[%mul3A_16] : memref<320000xi32, #tpu.memory_space<hbm>> -> memref<128xi32, #tpu.memory_space<hbm>>
          %dma_start3A_62 = tpu.memref_slice %arg3[%mul3A_16] : memref<320000xi32, #tpu.memory_space<hbm>> -> memref<128xi32, #tpu.memory_space<hbm>>
          tpu.enqueue_dma source(%dma_start3A_62 : memref<128xi32, #tpu.memory_space<hbm>>) target(%arg7 : memref<128xi32, #tpu.memory_space<vmem>>) target_semaphore(%run_scoped3A : memref<!tpu.dma_semaphore, #tpu.memory_space<semaphore_mem>>)
          %dma_wait3A_63 = tpu.memref_slice %arg3[%mul3A_16] : memref<320000xi32, #tpu.memory_space<hbm>> -> memref<128xi32, #tpu.memory_space<hbm>>
          %dma_wait3A_64 = tpu.memref_slice %arg3[%mul3A_16] : memref<320000xi32, #tpu.memory_space<hbm>> -> memref<128xi32, #tpu.memory_space<hbm>>
          tpu.wait_dma2 semaphore(%run_scoped3A : memref<!tpu.dma_semaphore, #tpu.memory_space<semaphore_mem>>) src(%dma_wait3A_64 : memref<128xi32, #tpu.memory_space<hbm>>) dst(%arg7 : memref<128xi32, #tpu.memory_space<vmem>>)
          tpu.yield
        }) : () -> ()
        %mul3A_17 = arith.constant 256 : i32
        %mul3A_18 = arith.muli %add3A_12, %mul3A_17 : i32
        %add3A_19 = arith.constant 128 : i32
        %add3A_20 = arith.addi %mul3A_18, %add3A_19 : i32
        "tpu.region"() ({
          %run_scoped3A = tpu.sem_alloc : memref<!tpu.dma_semaphore, #tpu.memory_space<semaphore_mem>>
          %dma_start3A_61 = tpu.memref_slice %arg3[%add3A_20] : memref<320000xi32, #tpu.memory_space<hbm>> -> memref<128xi32, #tpu.memory_space<hbm>>
          %dma_start3A_62 = tpu.memref_slice %arg3[%add3A_20] : memref<320000xi32, #tpu.memory_space<hbm>> -> memref<128xi32, #tpu.memory_space<hbm>>
          tpu.enqueue_dma source(%dma_start3A_62 : memref<128xi32, #tpu.memory_space<hbm>>) target(%arg8 : memref<128xi32, #tpu.memory_space<vmem>>) target_semaphore(%run_scoped3A : memref<!tpu.dma_semaphore, #tpu.memory_space<semaphore_mem>>)
          %dma_wait3A_63 = tpu.memref_slice %arg3[%add3A_20] : memref<320000xi32, #tpu.memory_space<hbm>> -> memref<128xi32, #tpu.memory_space<hbm>>
          %dma_wait3A_64 = tpu.memref_slice %arg3[%add3A_20] : memref<320000xi32, #tpu.memory_space<hbm>> -> memref<128xi32, #tpu.memory_space<hbm>>
          tpu.wait_dma2 semaphore(%run_scoped3A : memref<!tpu.dma_semaphore, #tpu.memory_space<semaphore_mem>>) src(%dma_wait3A_64 : memref<128xi32, #tpu.memory_space<hbm>>) dst(%arg8 : memref<128xi32, #tpu.memory_space<vmem>>)
          tpu.yield
        }) : () -> ()
        %mul3A_21 = arith.constant 256 : i32
        %mul3A_22 = arith.muli %add3A_12, %mul3A_21 : i32
        "tpu.region"() ({
          %run_scoped3A = tpu.sem_alloc : memref<!tpu.dma_semaphore, #tpu.memory_space<semaphore_mem>>
          %dma_start3A_61 = tpu.memref_slice %arg4[%mul3A_22] : memref<320000xi32, #tpu.memory_space<hbm>> -> memref<128xi32, #tpu.memory_space<hbm>>
          %dma_start3A_62 = tpu.memref_slice %arg4[%mul3A_22] : memref<320000xi32, #tpu.memory_space<hbm>> -> memref<128xi32, #tpu.memory_space<hbm>>
          tpu.enqueue_dma source(%dma_start3A_62 : memref<128xi32, #tpu.memory_space<hbm>>) target(%arg9 : memref<128xi32, #tpu.memory_space<vmem>>) target_semaphore(%run_scoped3A : memref<!tpu.dma_semaphore, #tpu.memory_space<semaphore_mem>>)
          %dma_wait3A_63 = tpu.memref_slice %arg4[%mul3A_22] : memref<320000xi32, #tpu.memory_space<hbm>> -> memref<128xi32, #tpu.memory_space<hbm>>
          %dma_wait3A_64 = tpu.memref_slice %arg4[%mul3A_22] : memref<320000xi32, #tpu.memory_space<hbm>> -> memref<128xi32, #tpu.memory_space<hbm>>
          tpu.wait_dma2 semaphore(%run_scoped3A : memref<!tpu.dma_semaphore, #tpu.memory_space<semaphore_mem>>) src(%dma_wait3A_64 : memref<128xi32, #tpu.memory_space<hbm>>) dst(%arg9 : memref<128xi32, #tpu.memory_space<vmem>>)
          tpu.yield
        }) : () -> ()
        %mul3A_23 = arith.constant 256 : i32
        %mul3A_24 = arith.muli %add3A_12, %mul3A_23 : i32
        %add3A_25 = arith.constant 128 : i32
        %add3A_26 = arith.addi %mul3A_24, %add3A_25 : i32
        "tpu.region"() ({
          %run_scoped3A = tpu.sem_alloc : memref<!tpu.dma_semaphore, #tpu.memory_space<semaphore_mem>>
          %dma_start3A_61 = tpu.memref_slice %arg4[%add3A_26] : memref<320000xi32, #tpu.memory_space<hbm>> -> memref<128xi32, #tpu.memory_space<hbm>>
          %dma_start3A_62 = tpu.memref_slice %arg4[%add3A_26] : memref<320000xi32, #tpu.memory_space<hbm>> -> memref<128xi32, #tpu.memory_space<hbm>>
          tpu.enqueue_dma source(%dma_start3A_62 : memref<128xi32, #tpu.memory_space<hbm>>) target(%arg10 : memref<128xi32, #tpu.memory_space<vmem>>) target_semaphore(%run_scoped3A : memref<!tpu.dma_semaphore, #tpu.memory_space<semaphore_mem>>)
          %dma_wait3A_63 = tpu.memref_slice %arg4[%add3A_26] : memref<320000xi32, #tpu.memory_space<hbm>> -> memref<128xi32, #tpu.memory_space<hbm>>
          %dma_wait3A_64 = tpu.memref_slice %arg4[%add3A_26] : memref<320000xi32, #tpu.memory_space<hbm>> -> memref<128xi32, #tpu.memory_space<hbm>>
          tpu.wait_dma2 semaphore(%run_scoped3A : memref<!tpu.dma_semaphore, #tpu.memory_space<semaphore_mem>>) src(%dma_wait3A_64 : memref<128xi32, #tpu.memory_space<hbm>>) dst(%arg10 : memref<128xi32, #tpu.memory_space<vmem>>)
          tpu.yield
        }) : () -> ()
        %dma_start3A = arith.constant 0 : i32
        %dma_start3A_27 = arith.constant 0 : i32
        %dma_start3A_28 = tpu.memref_slice %arg2[%dma_start3A, %dma_start3A_27] : memref<10000x128xf32, #tpu.memory_space<hbm>> -> memref<10000x128xf32, #tpu.memory_space<hbm>>
        tpu.enqueue_indirect_dma source(%dma_start3A_28 : memref<10000x128xf32, #tpu.memory_space<hbm>>) target(%arg11 : memref<128x128xf32, #tpu.memory_space<vmem>>) offsets(%arg7 : memref<128xi32, #tpu.memory_space<vmem>>) semaphore(%arg15 : memref<!tpu.dma_semaphore, #tpu.memory_space<semaphore_mem>>)
        %dma_start3A_29 = arith.constant 0 : i32
        %dma_start3A_30 = arith.constant 0 : i32
        %dma_start3A_31 = tpu.memref_slice %arg2[%dma_start3A_29, %dma_start3A_30] : memref<10000x128xf32, #tpu.memory_space<hbm>> -> memref<10000x128xf32, #tpu.memory_space<hbm>>
        tpu.enqueue_indirect_dma source(%dma_start3A_31 : memref<10000x128xf32, #tpu.memory_space<hbm>>) target(%arg12 : memref<128x128xf32, #tpu.memory_space<vmem>>) offsets(%arg8 : memref<128xi32, #tpu.memory_space<vmem>>) semaphore(%arg15 : memref<!tpu.dma_semaphore, #tpu.memory_space<semaphore_mem>>)
        %dma_start3A_32 = arith.constant 0 : i32
        %dma_start3A_33 = arith.constant 0 : i32
        %dma_start3A_34 = tpu.memref_slice %arg2[%dma_start3A_32, %dma_start3A_33] : memref<10000x128xf32, #tpu.memory_space<hbm>> -> memref<10000x128xf32, #tpu.memory_space<hbm>>
        tpu.enqueue_indirect_dma source(%dma_start3A_34 : memref<10000x128xf32, #tpu.memory_space<hbm>>) target(%arg13 : memref<128x128xf32, #tpu.memory_space<vmem>>) offsets(%arg9 : memref<128xi32, #tpu.memory_space<vmem>>) semaphore(%arg15 : memref<!tpu.dma_semaphore, #tpu.memory_space<semaphore_mem>>)
        %dma_start3A_35 = arith.constant 0 : i32
        %dma_start3A_36 = arith.constant 0 : i32
        %dma_start3A_37 = tpu.memref_slice %arg2[%dma_start3A_35, %dma_start3A_36] : memref<10000x128xf32, #tpu.memory_space<hbm>> -> memref<10000x128xf32, #tpu.memory_space<hbm>>
        tpu.enqueue_indirect_dma source(%dma_start3A_37 : memref<10000x128xf32, #tpu.memory_space<hbm>>) target(%arg14 : memref<128x128xf32, #tpu.memory_space<vmem>>) offsets(%arg10 : memref<128xi32, #tpu.memory_space<vmem>>) semaphore(%arg15 : memref<!tpu.dma_semaphore, #tpu.memory_space<semaphore_mem>>)
        %dma_wait3A = arith.constant 0 : i32
        %dma_wait3A_38 = arith.constant 0 : i32
        %dma_wait3A_39 = tpu.memref_slice %arg2[%dma_wait3A, %dma_wait3A_38] : memref<10000x128xf32, #tpu.memory_space<hbm>> -> memref<10000x128xf32, #tpu.memory_space<hbm>>
        tpu.wait_indirect_dma semaphore(%arg15 : memref<!tpu.dma_semaphore, #tpu.memory_space<semaphore_mem>>) src(%dma_wait3A_39 : memref<10000x128xf32, #tpu.memory_space<hbm>>) dst(%arg11 : memref<128x128xf32, #tpu.memory_space<vmem>>)
        %dma_wait3A_40 = arith.constant 0 : i32
        %dma_wait3A_41 = arith.constant 0 : i32
        %dma_wait3A_42 = tpu.memref_slice %arg2[%dma_wait3A_40, %dma_wait3A_41] : memref<10000x128xf32, #tpu.memory_space<hbm>> -> memref<10000x128xf32, #tpu.memory_space<hbm>>
        tpu.wait_indirect_dma semaphore(%arg15 : memref<!tpu.dma_semaphore, #tpu.memory_space<semaphore_mem>>) src(%dma_wait3A_42 : memref<10000x128xf32, #tpu.memory_space<hbm>>) dst(%arg12 : memref<128x128xf32, #tpu.memory_space<vmem>>)
        %dma_wait3A_43 = arith.constant 0 : i32
        %dma_wait3A_44 = arith.constant 0 : i32
        %dma_wait3A_45 = tpu.memref_slice %arg2[%dma_wait3A_43, %dma_wait3A_44] : memref<10000x128xf32, #tpu.memory_space<hbm>> -> memref<10000x128xf32, #tpu.memory_space<hbm>>
        tpu.wait_indirect_dma semaphore(%arg15 : memref<!tpu.dma_semaphore, #tpu.memory_space<semaphore_mem>>) src(%dma_wait3A_45 : memref<10000x128xf32, #tpu.memory_space<hbm>>) dst(%arg13 : memref<128x128xf32, #tpu.memory_space<vmem>>)
        %dma_wait3A_46 = arith.constant 0 : i32
        %dma_wait3A_47 = arith.constant 0 : i32
        %dma_wait3A_48 = tpu.memref_slice %arg2[%dma_wait3A_46, %dma_wait3A_47] : memref<10000x128xf32, #tpu.memory_space<hbm>> -> memref<10000x128xf32, #tpu.memory_space<hbm>>
        tpu.wait_indirect_dma semaphore(%arg15 : memref<!tpu.dma_semaphore, #tpu.memory_space<semaphore_mem>>) src(%dma_wait3A_48 : memref<10000x128xf32, #tpu.memory_space<hbm>>) dst(%arg14 : memref<128x128xf32, #tpu.memory_space<vmem>>)
        %mul3A_49 = arith.constant 2 : i32
        %mul3A_50 = arith.muli %add3A_12, %mul3A_49 : i32
        "tpu.region"() ({
          %run_scoped3A = tpu.sem_alloc : memref<!tpu.dma_semaphore, #tpu.memory_space<semaphore_mem>>
          %dma_start3A_61 = arith.constant 0 : i32
          %dma_start3A_62 = arith.constant 0 : i32
          %dma_start3A_63 = tpu.memref_slice %arg5[%mul3A_50, %dma_start3A_61, %dma_start3A_62] : memref<2500x128x128xf32, #tpu.memory_space<hbm>> -> memref<1x128x128xf32, #tpu.memory_space<hbm>>
          %dma_start3A_64 = tpu.memref_squeeze %dma_start3A_63 : memref<1x128x128xf32, #tpu.memory_space<hbm>> -> memref<128x128xf32, #tpu.memory_space<hbm>>
          %dma_start3A_65 = arith.constant 0 : i32
          %dma_start3A_66 = arith.constant 0 : i32
          %dma_start3A_67 = tpu.memref_slice %arg5[%mul3A_50, %dma_start3A_65, %dma_start3A_66] : memref<2500x128x128xf32, #tpu.memory_space<hbm>> -> memref<1x128x128xf32, #tpu.memory_space<hbm>>
          %dma_start3A_68 = tpu.memref_squeeze %dma_start3A_67 : memref<1x128x128xf32, #tpu.memory_space<hbm>> -> memref<128x128xf32, #tpu.memory_space<hbm>>
          tpu.enqueue_dma source(%arg11 : memref<128x128xf32, #tpu.memory_space<vmem>>) target(%dma_start3A_68 : memref<128x128xf32, #tpu.memory_space<hbm>>) target_semaphore(%run_scoped3A : memref<!tpu.dma_semaphore, #tpu.memory_space<semaphore_mem>>)
          %dma_wait3A_69 = arith.constant 0 : i32
          %dma_wait3A_70 = arith.constant 0 : i32
          %dma_wait3A_71 = tpu.memref_slice %arg5[%mul3A_50, %dma_wait3A_69, %dma_wait3A_70] : memref<2500x128x128xf32, #tpu.memory_space<hbm>> -> memref<1x128x128xf32, #tpu.memory_space<hbm>>
          %dma_wait3A_72 = tpu.memref_squeeze %dma_wait3A_71 : memref<1x128x128xf32, #tpu.memory_space<hbm>> -> memref<128x128xf32, #tpu.memory_space<hbm>>
          %dma_wait3A_73 = arith.constant 0 : i32
          %dma_wait3A_74 = arith.constant 0 : i32
          %dma_wait3A_75 = tpu.memref_slice %arg5[%mul3A_50, %dma_wait3A_73, %dma_wait3A_74] : memref<2500x128x128xf32, #tpu.memory_space<hbm>> -> memref<1x128x128xf32, #tpu.memory_space<hbm>>
          %dma_wait3A_76 = tpu.memref_squeeze %dma_wait3A_75 : memref<1x128x128xf32, #tpu.memory_space<hbm>> -> memref<128x128xf32, #tpu.memory_space<hbm>>
          tpu.wait_dma2 semaphore(%run_scoped3A : memref<!tpu.dma_semaphore, #tpu.memory_space<semaphore_mem>>) src(%arg11 : memref<128x128xf32, #tpu.memory_space<vmem>>) dst(%dma_wait3A_76 : memref<128x128xf32, #tpu.memory_space<hbm>>)
          tpu.yield
        }) : () -> ()
        %mul3A_51 = arith.constant 2 : i32
        %mul3A_52 = arith.muli %add3A_12, %mul3A_51 : i32
        %add3A_53 = arith.constant 1 : i32
        %add3A_54 = arith.addi %mul3A_52, %add3A_53 : i32
        "tpu.region"() ({
          %run_scoped3A = tpu.sem_alloc : memref<!tpu.dma_semaphore, #tpu.memory_space<semaphore_mem>>
          %dma_start3A_61 = arith.constant 0 : i32
          %dma_start3A_62 = arith.constant 0 : i32
          %dma_start3A_63 = tpu.memref_slice %arg5[%add3A_54, %dma_start3A_61, %dma_start3A_62] : memref<2500x128x128xf32, #tpu.memory_space<hbm>> -> memref<1x128x128xf32, #tpu.memory_space<hbm>>
          %dma_start3A_64 = tpu.memref_squeeze %dma_start3A_63 : memref<1x128x128xf32, #tpu.memory_space<hbm>> -> memref<128x128xf32, #tpu.memory_space<hbm>>
          %dma_start3A_65 = arith.constant 0 : i32
          %dma_start3A_66 = arith.constant 0 : i32
          %dma_start3A_67 = tpu.memref_slice %arg5[%add3A_54, %dma_start3A_65, %dma_start3A_66] : memref<2500x128x128xf32, #tpu.memory_space<hbm>> -> memref<1x128x128xf32, #tpu.memory_space<hbm>>
          %dma_start3A_68 = tpu.memref_squeeze %dma_start3A_67 : memref<1x128x128xf32, #tpu.memory_space<hbm>> -> memref<128x128xf32, #tpu.memory_space<hbm>>
          tpu.enqueue_dma source(%arg12 : memref<128x128xf32, #tpu.memory_space<vmem>>) target(%dma_start3A_68 : memref<128x128xf32, #tpu.memory_space<hbm>>) target_semaphore(%run_scoped3A : memref<!tpu.dma_semaphore, #tpu.memory_space<semaphore_mem>>)
          %dma_wait3A_69 = arith.constant 0 : i32
          %dma_wait3A_70 = arith.constant 0 : i32
          %dma_wait3A_71 = tpu.memref_slice %arg5[%add3A_54, %dma_wait3A_69, %dma_wait3A_70] : memref<2500x128x128xf32, #tpu.memory_space<hbm>> -> memref<1x128x128xf32, #tpu.memory_space<hbm>>
          %dma_wait3A_72 = tpu.memref_squeeze %dma_wait3A_71 : memref<1x128x128xf32, #tpu.memory_space<hbm>> -> memref<128x128xf32, #tpu.memory_space<hbm>>
          %dma_wait3A_73 = arith.constant 0 : i32
          %dma_wait3A_74 = arith.constant 0 : i32
          %dma_wait3A_75 = tpu.memref_slice %arg5[%add3A_54, %dma_wait3A_73, %dma_wait3A_74] : memref<2500x128x128xf32, #tpu.memory_space<hbm>> -> memref<1x128x128xf32, #tpu.memory_space<hbm>>
          %dma_wait3A_76 = tpu.memref_squeeze %dma_wait3A_75 : memref<1x128x128xf32, #tpu.memory_space<hbm>> -> memref<128x128xf32, #tpu.memory_space<hbm>>
          tpu.wait_dma2 semaphore(%run_scoped3A : memref<!tpu.dma_semaphore, #tpu.memory_space<semaphore_mem>>) src(%arg12 : memref<128x128xf32, #tpu.memory_space<vmem>>) dst(%dma_wait3A_76 : memref<128x128xf32, #tpu.memory_space<hbm>>)
          tpu.yield
        }) : () -> ()
        %mul3A_55 = arith.constant 2 : i32
        %mul3A_56 = arith.muli %add3A_12, %mul3A_55 : i32
        "tpu.region"() ({
          %run_scoped3A = tpu.sem_alloc : memref<!tpu.dma_semaphore, #tpu.memory_space<semaphore_mem>>
          %dma_start3A_61 = arith.constant 0 : i32
          %dma_start3A_62 = arith.constant 0 : i32
          %dma_start3A_63 = tpu.memref_slice %arg6[%mul3A_56, %dma_start3A_61, %dma_start3A_62] : memref<2500x128x128xf32, #tpu.memory_space<hbm>> -> memref<1x128x128xf32, #tpu.memory_space<hbm>>
          %dma_start3A_64 = tpu.memref_squeeze %dma_start3A_63 : memref<1x128x128xf32, #tpu.memory_space<hbm>> -> memref<128x128xf32, #tpu.memory_space<hbm>>
          %dma_start3A_65 = arith.constant 0 : i32
          %dma_start3A_66 = arith.constant 0 : i32
          %dma_start3A_67 = tpu.memref_slice %arg6[%mul3A_56, %dma_start3A_65, %dma_start3A_66] : memref<2500x128x128xf32, #tpu.memory_space<hbm>> -> memref<1x128x128xf32, #tpu.memory_space<hbm>>
          %dma_start3A_68 = tpu.memref_squeeze %dma_start3A_67 : memref<1x128x128xf32, #tpu.memory_space<hbm>> -> memref<128x128xf32, #tpu.memory_space<hbm>>
          tpu.enqueue_dma source(%arg13 : memref<128x128xf32, #tpu.memory_space<vmem>>) target(%dma_start3A_68 : memref<128x128xf32, #tpu.memory_space<hbm>>) target_semaphore(%run_scoped3A : memref<!tpu.dma_semaphore, #tpu.memory_space<semaphore_mem>>)
          %dma_wait3A_69 = arith.constant 0 : i32
          %dma_wait3A_70 = arith.constant 0 : i32
          %dma_wait3A_71 = tpu.memref_slice %arg6[%mul3A_56, %dma_wait3A_69, %dma_wait3A_70] : memref<2500x128x128xf32, #tpu.memory_space<hbm>> -> memref<1x128x128xf32, #tpu.memory_space<hbm>>
          %dma_wait3A_72 = tpu.memref_squeeze %dma_wait3A_71 : memref<1x128x128xf32, #tpu.memory_space<hbm>> -> memref<128x128xf32, #tpu.memory_space<hbm>>
          %dma_wait3A_73 = arith.constant 0 : i32
          %dma_wait3A_74 = arith.constant 0 : i32
          %dma_wait3A_75 = tpu.memref_slice %arg6[%mul3A_56, %dma_wait3A_73, %dma_wait3A_74] : memref<2500x128x128xf32, #tpu.memory_space<hbm>> -> memref<1x128x128xf32, #tpu.memory_space<hbm>>
          %dma_wait3A_76 = tpu.memref_squeeze %dma_wait3A_75 : memref<1x128x128xf32, #tpu.memory_space<hbm>> -> memref<128x128xf32, #tpu.memory_space<hbm>>
          tpu.wait_dma2 semaphore(%run_scoped3A : memref<!tpu.dma_semaphore, #tpu.memory_space<semaphore_mem>>) src(%arg13 : memref<128x128xf32, #tpu.memory_space<vmem>>) dst(%dma_wait3A_76 : memref<128x128xf32, #tpu.memory_space<hbm>>)
          tpu.yield
        }) : () -> ()
        %mul3A_57 = arith.constant 2 : i32
        %mul3A_58 = arith.muli %add3A_12, %mul3A_57 : i32
        %add3A_59 = arith.constant 1 : i32
        %add3A_60 = arith.addi %mul3A_58, %add3A_59 : i32
        "tpu.region"() ({
          %run_scoped3A = tpu.sem_alloc : memref<!tpu.dma_semaphore, #tpu.memory_space<semaphore_mem>>
          %dma_start3A_61 = arith.constant 0 : i32
          %dma_start3A_62 = arith.constant 0 : i32
          %dma_start3A_63 = tpu.memref_slice %arg6[%add3A_60, %dma_start3A_61, %dma_start3A_62] : memref<2500x128x128xf32, #tpu.memory_space<hbm>> -> memref<1x128x128xf32, #tpu.memory_space<hbm>>
          %dma_start3A_64 = tpu.memref_squeeze %dma_start3A_63 : memref<1x128x128xf32, #tpu.memory_space<hbm>> -> memref<128x128xf32, #tpu.memory_space<hbm>>
          %dma_start3A_65 = arith.constant 0 : i32
          %dma_start3A_66 = arith.constant 0 : i32
          %dma_start3A_67 = tpu.memref_slice %arg6[%add3A_60, %dma_start3A_65, %dma_start3A_66] : memref<2500x128x128xf32, #tpu.memory_space<hbm>> -> memref<1x128x128xf32, #tpu.memory_space<hbm>>
          %dma_start3A_68 = tpu.memref_squeeze %dma_start3A_67 : memref<1x128x128xf32, #tpu.memory_space<hbm>> -> memref<128x128xf32, #tpu.memory_space<hbm>>
          tpu.enqueue_dma source(%arg14 : memref<128x128xf32, #tpu.memory_space<vmem>>) target(%dma_start3A_68 : memref<128x128xf32, #tpu.memory_space<hbm>>) target_semaphore(%run_scoped3A : memref<!tpu.dma_semaphore, #tpu.memory_space<semaphore_mem>>)
          %dma_wait3A_69 = arith.constant 0 : i32
          %dma_wait3A_70 = arith.constant 0 : i32
          %dma_wait3A_71 = tpu.memref_slice %arg6[%add3A_60, %dma_wait3A_69, %dma_wait3A_70] : memref<2500x128x128xf32, #tpu.memory_space<hbm>> -> memref<1x128x128xf32, #tpu.memory_space<hbm>>
          %dma_wait3A_72 = tpu.memref_squeeze %dma_wait3A_71 : memref<1x128x128xf32, #tpu.memory_space<hbm>> -> memref<128x128xf32, #tpu.memory_space<hbm>>
          %dma_wait3A_73 = arith.constant 0 : i32
          %dma_wait3A_74 = arith.constant 0 : i32
          %dma_wait3A_75 = tpu.memref_slice %arg6[%add3A_60, %dma_wait3A_73, %dma_wait3A_74] : memref<2500x128x128xf32, #tpu.memory_space<hbm>> -> memref<1x128x128xf32, #tpu.memory_space<hbm>>
          %dma_wait3A_76 = tpu.memref_squeeze %dma_wait3A_75 : memref<1x128x128xf32, #tpu.memory_space<hbm>> -> memref<128x128xf32, #tpu.memory_space<hbm>>
          tpu.wait_dma2 semaphore(%run_scoped3A : memref<!tpu.dma_semaphore, #tpu.memory_space<semaphore_mem>>) src(%arg14 : memref<128x128xf32, #tpu.memory_space<vmem>>) dst(%dma_wait3A_76 : memref<128x128xf32, #tpu.memory_space<hbm>>)
          tpu.yield
        }) : () -> ()
      } else {
      }
    }
    %scan3A_4 = arith.constant 40 : i32
    return
  }
}

module attributes {stable_mosaic.version = 14 : i64} {
  func.func @body(%arg0: i32, %arg1: memref<2560x128xf32, #tpu.memory_space<vmem>>, %arg2: memref<2560x128xf32, #tpu.memory_space<vmem>>, %arg3: memref<2560x16xf32, #tpu.memory_space<vmem>>, %arg4: memref<128x128xf32, #tpu.memory_space<vmem>>, %arg5: memref<128x128xf32, #tpu.memory_space<vmem>>, %arg6: memref<16x128xf32, #tpu.memory_space<vmem>>, %arg7: memref<1x128xf32, #tpu.memory_space<vmem>>, %arg8: memref<128x128xf32, #tpu.memory_space<vmem>>, %arg9: memref<1x128xf32, #tpu.memory_space<vmem>>, %arg10: memref<128x128xf32, #tpu.memory_space<vmem>>, %arg11: memref<1x128xf32, #tpu.memory_space<vmem>>, %arg12: memref<128x384xf32, #tpu.memory_space<vmem>>, %arg13: memref<1x384xf32, #tpu.memory_space<vmem>>, %arg14: memref<1x128xf32, #tpu.memory_space<vmem>>, %arg15: memref<1x1xf32, #tpu.memory_space<vmem>>, %arg16: memref<384x384xf32, #tpu.memory_space<vmem>>, %arg17: memref<128x384xf32, #tpu.memory_space<vmem>>, %arg18: memref<1x384xf32, #tpu.memory_space<vmem>>, %arg19: memref<2560x128xf32, #tpu.memory_space<vmem>>, %arg20: memref<2560x128xf32, #tpu.memory_space<vmem>>, %arg21: memref<2560x128xf32, #tpu.memory_space<vmem>>) attributes {dimension_semantics = [#tpu.dimension_semantics<arbitrary>], iteration_bounds = array<i64: 125>, scalar_prefetch = 0 : i64, scratch_operands = 0 : i64, tpu.core_type = #tpu.core_type<tc>, window_params = [{transform_indices = @transform_0, window_bounds = array<i64: 2560, 128>}, {transform_indices = @transform_1, window_bounds = array<i64: 2560, 128>}, {transform_indices = @transform_2, window_bounds = array<i64: 2560, 16>}, {pipeline_mode = #tpu.pipeline_mode<synchronous>, transform_indices = @transform_3, window_bounds = array<i64: 128, 128>}, {pipeline_mode = #tpu.pipeline_mode<synchronous>, transform_indices = @transform_4, window_bounds = array<i64: 128, 128>}, {pipeline_mode = #tpu.pipeline_mode<synchronous>, transform_indices = @transform_5, window_bounds = array<i64: 16, 128>}, {pipeline_mode = #tpu.pipeline_mode<synchronous>, transform_indices = @transform_6, window_bounds = array<i64: 1, 128>}, {pipeline_mode = #tpu.pipeline_mode<synchronous>, transform_indices = @transform_7, window_bounds = array<i64: 128, 128>}, {pipeline_mode = #tpu.pipeline_mode<synchronous>, transform_indices = @transform_8, window_bounds = array<i64: 1, 128>}, {pipeline_mode = #tpu.pipeline_mode<synchronous>, transform_indices = @transform_9, window_bounds = array<i64: 128, 128>}, {pipeline_mode = #tpu.pipeline_mode<synchronous>, transform_indices = @transform_10, window_bounds = array<i64: 1, 128>}, {pipeline_mode = #tpu.pipeline_mode<synchronous>, transform_indices = @transform_11, window_bounds = array<i64: 128, 384>}, {pipeline_mode = #tpu.pipeline_mode<synchronous>, transform_indices = @transform_12, window_bounds = array<i64: 1, 384>}, {pipeline_mode = #tpu.pipeline_mode<synchronous>, transform_indices = @transform_13, window_bounds = array<i64: 1, 128>}, {pipeline_mode = #tpu.pipeline_mode<synchronous>, transform_indices = @transform_14, window_bounds = array<i64: 1, 1>}, {pipeline_mode = #tpu.pipeline_mode<synchronous>, transform_indices = @transform_15, window_bounds = array<i64: 384, 384>}, {pipeline_mode = #tpu.pipeline_mode<synchronous>, transform_indices = @transform_16, window_bounds = array<i64: 128, 384>}, {pipeline_mode = #tpu.pipeline_mode<synchronous>, transform_indices = @transform_17, window_bounds = array<i64: 1, 384>}, {transform_indices = @transform_18, window_bounds = array<i64: 2560, 128>}, {transform_indices = @transform_19, window_bounds = array<i64: 2560, 128>}, {transform_indices = @transform_20, window_bounds = array<i64: 2560, 128>}]} {
    %get3A = arith.constant 0 : index
    %get3A_0 = arith.constant 0 : index
    %get3A_1 = vector.load %arg1[%get3A, %get3A_0] : memref<2560x128xf32, #tpu.memory_space<vmem>>, vector<2560x128xf32>
    %get3A_2 = arith.constant 0 : index
    %get3A_3 = arith.constant 0 : index
    %get3A_4 = vector.load %arg4[%get3A_2, %get3A_3] : memref<128x128xf32, #tpu.memory_space<vmem>>, vector<128x128xf32>
    %dot_general3A = arith.constant dense<0.000000e+00> : vector<2560x128xf32>
    %dot_general3A_5 = tpu.matmul %get3A_1, %get3A_4, %dot_general3A {dimension_numbers = #tpu.dot_dimension_numbers<[1], [0], [0], [1], [0, 0, 1, 1], [], []>, transpose_lhs_hint = false} : vector<2560x128xf32>, vector<128x128xf32>, vector<2560x128xf32> -> vector<2560x128xf32>
    %get3A_6 = arith.constant 0 : index
    %get3A_7 = arith.constant 0 : index
    %get3A_8 = vector.load %arg2[%get3A_6, %get3A_7] : memref<2560x128xf32, #tpu.memory_space<vmem>>, vector<2560x128xf32>
    %get3A_9 = arith.constant 0 : index
    %get3A_10 = arith.constant 0 : index
    %get3A_11 = vector.load %arg5[%get3A_9, %get3A_10] : memref<128x128xf32, #tpu.memory_space<vmem>>, vector<128x128xf32>
    %dot_general3A_12 = arith.constant dense<0.000000e+00> : vector<2560x128xf32>
    %dot_general3A_13 = tpu.matmul %get3A_8, %get3A_11, %dot_general3A_12 {dimension_numbers = #tpu.dot_dimension_numbers<[1], [0], [0], [1], [0, 0, 1, 1], [], []>, transpose_lhs_hint = false} : vector<2560x128xf32>, vector<128x128xf32>, vector<2560x128xf32> -> vector<2560x128xf32>
    %add3A = arith.addf %dot_general3A_5, %dot_general3A_13 : vector<2560x128xf32>
    %get3A_14 = arith.constant 0 : index
    %get3A_15 = arith.constant 0 : index
    %get3A_16 = vector.load %arg3[%get3A_14, %get3A_15] : memref<2560x16xf32, #tpu.memory_space<vmem>>, vector<2560x16xf32>
    %get3A_17 = arith.constant 0 : index
    %get3A_18 = arith.constant 0 : index
    %get3A_19 = vector.load %arg6[%get3A_17, %get3A_18] : memref<16x128xf32, #tpu.memory_space<vmem>>, vector<16x128xf32>
    %dot_general3A_20 = arith.constant dense<0.000000e+00> : vector<2560x128xf32>
    %dot_general3A_21 = tpu.matmul %get3A_16, %get3A_19, %dot_general3A_20 {dimension_numbers = #tpu.dot_dimension_numbers<[1], [0], [0], [1], [0, 0, 1, 1], [], []>, transpose_lhs_hint = false} : vector<2560x16xf32>, vector<16x128xf32>, vector<2560x128xf32> -> vector<2560x128xf32>
    %add3A_22 = arith.addf %add3A, %dot_general3A_21 : vector<2560x128xf32>
    %get3A_23 = arith.constant 0 : index
    %get3A_24 = arith.constant 0 : index
    %get3A_25 = vector.load %arg7[%get3A_23, %get3A_24] : memref<1x128xf32, #tpu.memory_space<vmem>>, vector<1x128xf32>
    %add3A_26 = vector.broadcast %get3A_25 : vector<1x128xf32> to vector<2560x128xf32>
    %add3A_27 = arith.addf %add3A_22, %add3A_26 : vector<2560x128xf32>
    %ge3A = arith.constant 0.000000e+00 : f32
    %ge3A_28 = vector.broadcast %ge3A : f32 to vector<2560x128xf32>
    %ge3A_29 = arith.cmpf oge, %add3A_27, %ge3A_28 : vector<2560x128xf32>
    %mul3A = arith.constant 2.000000e-01 : f32
    %mul3A_30 = vector.broadcast %mul3A : f32 to vector<2560x128xf32>
    %mul3A_31 = arith.mulf %mul3A_30, %add3A_27 : vector<2560x128xf32>
    %select_n3A = arith.select %ge3A_29, %add3A_27, %mul3A_31 : vector<2560x128xi1>, vector<2560x128xf32>
    %get3A_32 = arith.constant 0 : index
    %get3A_33 = arith.constant 0 : index
    %get3A_34 = vector.load %arg8[%get3A_32, %get3A_33] : memref<128x128xf32, #tpu.memory_space<vmem>>, vector<128x128xf32>
    %dot_general3A_35 = arith.constant dense<0.000000e+00> : vector<2560x128xf32>
    %dot_general3A_36 = tpu.matmul %select_n3A, %get3A_34, %dot_general3A_35 {dimension_numbers = #tpu.dot_dimension_numbers<[1], [0], [0], [1], [0, 0, 1, 1], [], []>, transpose_lhs_hint = false} : vector<2560x128xf32>, vector<128x128xf32>, vector<2560x128xf32> -> vector<2560x128xf32>
    %get3A_37 = arith.constant 0 : index
    %get3A_38 = arith.constant 0 : index
    %get3A_39 = vector.load %arg9[%get3A_37, %get3A_38] : memref<1x128xf32, #tpu.memory_space<vmem>>, vector<1x128xf32>
    %add3A_40 = vector.broadcast %get3A_39 : vector<1x128xf32> to vector<2560x128xf32>
    %add3A_41 = arith.addf %dot_general3A_36, %add3A_40 : vector<2560x128xf32>
    %ge3A_42 = arith.constant 0.000000e+00 : f32
    %ge3A_43 = vector.broadcast %ge3A_42 : f32 to vector<2560x128xf32>
    %ge3A_44 = arith.cmpf oge, %add3A_41, %ge3A_43 : vector<2560x128xf32>
    %mul3A_45 = arith.constant 2.000000e-01 : f32
    %mul3A_46 = vector.broadcast %mul3A_45 : f32 to vector<2560x128xf32>
    %mul3A_47 = arith.mulf %mul3A_46, %add3A_41 : vector<2560x128xf32>
    %select_n3A_48 = arith.select %ge3A_44, %add3A_41, %mul3A_47 : vector<2560x128xi1>, vector<2560x128xf32>
    %get3A_49 = arith.constant 0 : index
    %get3A_50 = arith.constant 0 : index
    %get3A_51 = vector.load %arg10[%get3A_49, %get3A_50] : memref<128x128xf32, #tpu.memory_space<vmem>>, vector<128x128xf32>
    %dot_general3A_52 = arith.constant dense<0.000000e+00> : vector<2560x128xf32>
    %dot_general3A_53 = tpu.matmul %select_n3A_48, %get3A_51, %dot_general3A_52 {dimension_numbers = #tpu.dot_dimension_numbers<[1], [0], [0], [1], [0, 0, 1, 1], [], []>, transpose_lhs_hint = false} : vector<2560x128xf32>, vector<128x128xf32>, vector<2560x128xf32> -> vector<2560x128xf32>
    %get3A_54 = arith.constant 0 : index
    %get3A_55 = arith.constant 0 : index
    %get3A_56 = vector.load %arg11[%get3A_54, %get3A_55] : memref<1x128xf32, #tpu.memory_space<vmem>>, vector<1x128xf32>
    %add3A_57 = vector.broadcast %get3A_56 : vector<1x128xf32> to vector<2560x128xf32>
    %add3A_58 = arith.addf %dot_general3A_53, %add3A_57 : vector<2560x128xf32>
    %ge3A_59 = arith.constant 0.000000e+00 : f32
    %ge3A_60 = vector.broadcast %ge3A_59 : f32 to vector<2560x128xf32>
    %ge3A_61 = arith.cmpf oge, %add3A_58, %ge3A_60 : vector<2560x128xf32>
    %mul3A_62 = arith.constant 2.000000e-01 : f32
    %mul3A_63 = vector.broadcast %mul3A_62 : f32 to vector<2560x128xf32>
    %mul3A_64 = arith.mulf %mul3A_63, %add3A_58 : vector<2560x128xf32>
    %select_n3A_65 = arith.select %ge3A_61, %add3A_58, %mul3A_64 : vector<2560x128xi1>, vector<2560x128xf32>
    %get3A_66 = arith.constant 0 : index
    %get3A_67 = arith.constant 0 : index
    %get3A_68 = vector.load %arg12[%get3A_66, %get3A_67] : memref<128x384xf32, #tpu.memory_space<vmem>>, vector<128x384xf32>
    %dot_general3A_69 = arith.constant dense<0.000000e+00> : vector<2560x384xf32>
    %dot_general3A_70 = tpu.matmul %select_n3A_65, %get3A_68, %dot_general3A_69 {dimension_numbers = #tpu.dot_dimension_numbers<[1], [0], [0], [1], [0, 0, 1, 1], [], []>, transpose_lhs_hint = false} : vector<2560x128xf32>, vector<128x384xf32>, vector<2560x384xf32> -> vector<2560x384xf32>
    %get3A_71 = arith.constant 0 : index
    %get3A_72 = arith.constant 0 : index
    %get3A_73 = vector.load %arg13[%get3A_71, %get3A_72] : memref<1x384xf32, #tpu.memory_space<vmem>>, vector<1x384xf32>
    %add3A_74 = vector.broadcast %get3A_73 : vector<1x384xf32> to vector<2560x384xf32>
    %add3A_75 = arith.addf %dot_general3A_70, %add3A_74 : vector<2560x384xf32>
    %get3A_76 = arith.constant 0 : index
    %get3A_77 = arith.constant 0 : index
    %get3A_78 = vector.load %arg14[%get3A_76, %get3A_77] : memref<1x128xf32, #tpu.memory_space<vmem>>, vector<1x128xf32>
    %mul3A_79 = vector.broadcast %get3A_78 : vector<1x128xf32> to vector<2560x128xf32>
    %mul3A_80 = arith.mulf %select_n3A_65, %mul3A_79 : vector<2560x128xf32>
    %reduce_sum3A = arith.constant dense<0.000000e+00> : vector<2560xf32>
    %reduce_sum3A_81 = vector.multi_reduction <add>, %mul3A_80, %reduce_sum3A [1] : vector<2560x128xf32> to vector<2560xf32>
    %broadcast_in_dim3A = vector.shape_cast %reduce_sum3A_81 : vector<2560xf32> to vector<2560x1xf32>
    %get3A_82 = arith.constant 0 : index
    %get3A_83 = arith.constant 0 : index
    %get3A_84 = vector.load %arg15[%get3A_82, %get3A_83] : memref<1x1xf32, #tpu.memory_space<vmem>>, vector<1x1xf32>
    %add3A_85 = vector.broadcast %get3A_84 : vector<1x1xf32> to vector<2560x1xf32>
    %add3A_86 = arith.addf %broadcast_in_dim3A, %add3A_85 : vector<2560x1xf32>
    %logistic3A = arith.negf %add3A_86 : vector<2560x1xf32>
    %logistic3A_87 = math.exp %logistic3A : vector<2560x1xf32>
    %logistic3A_88 = arith.constant 1.000000e+00 : f32
    %logistic3A_89 = vector.broadcast %logistic3A_88 : f32 to vector<2560x1xf32>
    %logistic3A_90 = arith.addf %logistic3A_89, %logistic3A_87 : vector<2560x1xf32>
    %logistic3A_91 = arith.divf %logistic3A_89, %logistic3A_90 : vector<2560x1xf32>
    %slice3A = vector.extract_strided_slice %add3A_75 {offsets = [0, 0], sizes = [2560, 128], strides = [1, 1]} : vector<2560x384xf32> to vector<2560x128xf32>
    %slice3A_92 = vector.extract_strided_slice %add3A_75 {offsets = [0, 128], sizes = [2560, 128], strides = [1, 1]} : vector<2560x384xf32> to vector<2560x128xf32>
    %mul3A_93 = vector.broadcast %logistic3A_91 : vector<2560x1xf32> to vector<2560x128xf32>
    %mul3A_94 = arith.mulf %slice3A_92, %mul3A_93 : vector<2560x128xf32>
    %slice3A_95 = vector.extract_strided_slice %add3A_75 {offsets = [0, 256], sizes = [2560, 128], strides = [1, 1]} : vector<2560x384xf32> to vector<2560x128xf32>
    %mul3A_96 = vector.broadcast %logistic3A_91 : vector<2560x1xf32> to vector<2560x128xf32>
    %mul3A_97 = arith.mulf %slice3A_95, %mul3A_96 : vector<2560x128xf32>
    %concatenate3A = tpu.concatenate %slice3A, %mul3A_94, %mul3A_97 in 1 : vector<2560x128xf32>, vector<2560x128xf32>, vector<2560x128xf32> -> vector<2560x384xf32>
    %get3A_98 = arith.constant 0 : index
    %get3A_99 = arith.constant 0 : index
    %get3A_100 = vector.load %arg16[%get3A_98, %get3A_99] : memref<384x384xf32, #tpu.memory_space<vmem>>, vector<384x384xf32>
    %dot_general3A_101 = arith.constant dense<0.000000e+00> : vector<2560x384xf32>
    %dot_general3A_102 = tpu.matmul %concatenate3A, %get3A_100, %dot_general3A_101 {dimension_numbers = #tpu.dot_dimension_numbers<[1], [0], [0], [1], [0, 0, 1, 1], [], []>, transpose_lhs_hint = false} : vector<2560x384xf32>, vector<384x384xf32>, vector<2560x384xf32> -> vector<2560x384xf32>
    %get3A_103 = arith.constant 0 : index
    %get3A_104 = arith.constant 0 : index
    %get3A_105 = vector.load %arg17[%get3A_103, %get3A_104] : memref<128x384xf32, #tpu.memory_space<vmem>>, vector<128x384xf32>
    %dot_general3A_106 = arith.constant dense<0.000000e+00> : vector<2560x384xf32>
    %dot_general3A_107 = tpu.matmul %get3A_1, %get3A_105, %dot_general3A_106 {dimension_numbers = #tpu.dot_dimension_numbers<[1], [0], [0], [1], [0, 0, 1, 1], [], []>, transpose_lhs_hint = false} : vector<2560x128xf32>, vector<128x384xf32>, vector<2560x384xf32> -> vector<2560x384xf32>
    %add3A_108 = arith.addf %dot_general3A_102, %dot_general3A_107 : vector<2560x384xf32>
    %get3A_109 = arith.constant 0 : index
    %get3A_110 = arith.constant 0 : index
    %get3A_111 = vector.load %arg18[%get3A_109, %get3A_110] : memref<1x384xf32, #tpu.memory_space<vmem>>, vector<1x384xf32>
    %add3A_112 = vector.broadcast %get3A_111 : vector<1x384xf32> to vector<2560x384xf32>
    %add3A_113 = arith.addf %add3A_108, %add3A_112 : vector<2560x384xf32>
    %slice3A_114 = vector.extract_strided_slice %add3A_113 {offsets = [0, 0], sizes = [2560, 128], strides = [1, 1]} : vector<2560x384xf32> to vector<2560x128xf32>
    %swap3A = arith.constant 0 : index
    %swap3A_115 = arith.constant 0 : index
    %swap3A_116 = vector.load %arg19[%swap3A, %swap3A_115] : memref<2560x128xf32, #tpu.memory_space<vmem>>, vector<2560x128xf32>
    tpu.vector_store %arg19[%swap3A, %swap3A_115], %slice3A_114 {strides = array<i32>} : memref<2560x128xf32, #tpu.memory_space<vmem>>, vector<2560x128xf32>,
    %slice3A_117 = vector.extract_strided_slice %add3A_113 {offsets = [0, 128], sizes = [2560, 128], strides = [1, 1]} : vector<2560x384xf32> to vector<2560x128xf32>
    %swap3A_118 = arith.constant 0 : index
    %swap3A_119 = arith.constant 0 : index
    %swap3A_120 = vector.load %arg20[%swap3A_118, %swap3A_119] : memref<2560x128xf32, #tpu.memory_space<vmem>>, vector<2560x128xf32>
    tpu.vector_store %arg20[%swap3A_118, %swap3A_119], %slice3A_117 {strides = array<i32>} : memref<2560x128xf32, #tpu.memory_space<vmem>>, vector<2560x128xf32>,
    %slice3A_121 = vector.extract_strided_slice %add3A_113 {offsets = [0, 256], sizes = [2560, 128], strides = [1, 1]} : vector<2560x384xf32> to vector<2560x128xf32>
    %swap3A_122 = arith.constant 0 : index
    %swap3A_123 = arith.constant 0 : index
    %swap3A_124 = vector.load %arg21[%swap3A_122, %swap3A_123] : memref<2560x128xf32, #tpu.memory_space<vmem>>, vector<2560x128xf32>
    tpu.vector_store %arg21[%swap3A_122, %swap3A_123], %slice3A_121 {strides = array<i32>} : memref<2560x128xf32, #tpu.memory_space<vmem>>, vector<2560x128xf32>,
    return
  }
  func.func @transform_0(%arg0: i32) -> (i32, i32) {
    %c0_i32 = arith.constant 0 : i32
    %c0_i32_0 = arith.constant 0 : i32
    return %arg0, %c0_i32 : i32, i32
  }
  func.func @transform_1(%arg0: i32) -> (i32, i32) {
    %c0_i32 = arith.constant 0 : i32
    %c0_i32_0 = arith.constant 0 : i32
    return %arg0, %c0_i32 : i32, i32
  }
  func.func @transform_2(%arg0: i32) -> (i32, i32) {
    %c0_i32 = arith.constant 0 : i32
    %c0_i32_0 = arith.constant 0 : i32
    return %arg0, %c0_i32 : i32, i32
  }
  func.func @transform_3(%arg0: i32) -> (i32, i32) {
    %c0_i32 = arith.constant 0 : i32
    %c0_i32_0 = arith.constant 0 : i32
    %c0_i32_1 = arith.constant 0 : i32
    return %c0_i32, %c0_i32_0 : i32, i32
  }
  func.func @transform_4(%arg0: i32) -> (i32, i32) {
    %c0_i32 = arith.constant 0 : i32
    %c0_i32_0 = arith.constant 0 : i32
    %c0_i32_1 = arith.constant 0 : i32
    return %c0_i32, %c0_i32_0 : i32, i32
  }
  func.func @transform_5(%arg0: i32) -> (i32, i32) {
    %c0_i32 = arith.constant 0 : i32
    %c0_i32_0 = arith.constant 0 : i32
    %c0_i32_1 = arith.constant 0 : i32
    return %c0_i32, %c0_i32_0 : i32, i32
  }
  func.func @transform_6(%arg0: i32) -> (i32, i32) {
    %c0_i32 = arith.constant 0 : i32
    %c0_i32_0 = arith.constant 0 : i32
    %c0_i32_1 = arith.constant 0 : i32
    return %c0_i32, %c0_i32_0 : i32, i32
  }
  func.func @transform_7(%arg0: i32) -> (i32, i32) {
    %c0_i32 = arith.constant 0 : i32
    %c0_i32_0 = arith.constant 0 : i32
    %c0_i32_1 = arith.constant 0 : i32
    return %c0_i32, %c0_i32_0 : i32, i32
  }
  func.func @transform_8(%arg0: i32) -> (i32, i32) {
    %c0_i32 = arith.constant 0 : i32
    %c0_i32_0 = arith.constant 0 : i32
    %c0_i32_1 = arith.constant 0 : i32
    return %c0_i32, %c0_i32_0 : i32, i32
  }
  func.func @transform_9(%arg0: i32) -> (i32, i32) {
    %c0_i32 = arith.constant 0 : i32
    %c0_i32_0 = arith.constant 0 : i32
    %c0_i32_1 = arith.constant 0 : i32
    return %c0_i32, %c0_i32_0 : i32, i32
  }
  func.func @transform_10(%arg0: i32) -> (i32, i32) {
    %c0_i32 = arith.constant 0 : i32
    %c0_i32_0 = arith.constant 0 : i32
    %c0_i32_1 = arith.constant 0 : i32
    return %c0_i32, %c0_i32_0 : i32, i32
  }
  func.func @transform_11(%arg0: i32) -> (i32, i32) {
    %c0_i32 = arith.constant 0 : i32
    %c0_i32_0 = arith.constant 0 : i32
    %c0_i32_1 = arith.constant 0 : i32
    return %c0_i32, %c0_i32_0 : i32, i32
  }
  func.func @transform_12(%arg0: i32) -> (i32, i32) {
    %c0_i32 = arith.constant 0 : i32
    %c0_i32_0 = arith.constant 0 : i32
    %c0_i32_1 = arith.constant 0 : i32
    return %c0_i32, %c0_i32_0 : i32, i32
  }
  func.func @transform_13(%arg0: i32) -> (i32, i32) {
    %c0_i32 = arith.constant 0 : i32
    %c0_i32_0 = arith.constant 0 : i32
    %c0_i32_1 = arith.constant 0 : i32
    return %c0_i32, %c0_i32_0 : i32, i32
  }
  func.func @transform_14(%arg0: i32) -> (i32, i32) {
    %c0_i32 = arith.constant 0 : i32
    %c0_i32_0 = arith.constant 0 : i32
    %c0_i32_1 = arith.constant 0 : i32
    return %c0_i32, %c0_i32_0 : i32, i32
  }
  func.func @transform_15(%arg0: i32) -> (i32, i32) {
    %c0_i32 = arith.constant 0 : i32
    %c0_i32_0 = arith.constant 0 : i32
    %c0_i32_1 = arith.constant 0 : i32
    return %c0_i32, %c0_i32_0 : i32, i32
  }
  func.func @transform_16(%arg0: i32) -> (i32, i32) {
    %c0_i32 = arith.constant 0 : i32
    %c0_i32_0 = arith.constant 0 : i32
    %c0_i32_1 = arith.constant 0 : i32
    return %c0_i32, %c0_i32_0 : i32, i32
  }
  func.func @transform_17(%arg0: i32) -> (i32, i32) {
    %c0_i32 = arith.constant 0 : i32
    %c0_i32_0 = arith.constant 0 : i32
    %c0_i32_1 = arith.constant 0 : i32
    return %c0_i32, %c0_i32_0 : i32, i32
  }
  func.func @transform_18(%arg0: i32) -> (i32, i32) {
    %c0_i32 = arith.constant 0 : i32
    %c0_i32_0 = arith.constant 0 : i32
    return %arg0, %c0_i32 : i32, i32
  }
  func.func @transform_19(%arg0: i32) -> (i32, i32) {
    %c0_i32 = arith.constant 0 : i32
    %c0_i32_0 = arith.constant 0 : i32
    return %arg0, %c0_i32 : i32, i32
  }
  func.func @transform_20(%arg0: i32) -> (i32, i32) {
    %c0_i32 = arith.constant 0 : i32
    %c0_i32_0 = arith.constant 0 : i32
    return %arg0, %c0_i32 : i32, i32
  }
}

module attributes {stable_mosaic.version = 14 : i64} {
  func.func @kern(%arg0: i32, %arg1: memref<1000x128xf32, #tpu.memory_space<vmem>>, %arg2: memref<1000x128xf32, #tpu.memory_space<vmem>>, %arg3: memref<128x64xf32, #tpu.memory_space<vmem>>, %arg4: memref<128x64xf32, #tpu.memory_space<vmem>>, %arg5: memref<1x64xf32, #tpu.memory_space<vmem>>, %arg6: memref<64x64xf32, #tpu.memory_space<vmem>>, %arg7: memref<1x64xf32, #tpu.memory_space<vmem>>, %arg8: memref<64x64xf32, #tpu.memory_space<vmem>>, %arg9: memref<1x64xf32, #tpu.memory_space<vmem>>, %arg10: memref<64x128xf32, #tpu.memory_space<vmem>>, %arg11: memref<1x128xf32, #tpu.memory_space<vmem>>, %arg12: memref<1000x128xf32, #tpu.memory_space<vmem>>) attributes {dimension_semantics = [#tpu.dimension_semantics<arbitrary>], iteration_bounds = array<i64: 5>, scalar_prefetch = 0 : i64, scratch_operands = 0 : i64, tpu.core_type = #tpu.core_type<tc>, window_params = [{transform_indices = @transform_0, window_bounds = array<i64: 1000, 128>}, {transform_indices = @transform_1, window_bounds = array<i64: 1000, 128>}, {pipeline_mode = #tpu.pipeline_mode<synchronous>, transform_indices = @transform_2, window_bounds = array<i64: 128, 64>}, {pipeline_mode = #tpu.pipeline_mode<synchronous>, transform_indices = @transform_3, window_bounds = array<i64: 128, 64>}, {pipeline_mode = #tpu.pipeline_mode<synchronous>, transform_indices = @transform_4, window_bounds = array<i64: 1, 64>}, {pipeline_mode = #tpu.pipeline_mode<synchronous>, transform_indices = @transform_5, window_bounds = array<i64: 64, 64>}, {pipeline_mode = #tpu.pipeline_mode<synchronous>, transform_indices = @transform_6, window_bounds = array<i64: 1, 64>}, {pipeline_mode = #tpu.pipeline_mode<synchronous>, transform_indices = @transform_7, window_bounds = array<i64: 64, 64>}, {pipeline_mode = #tpu.pipeline_mode<synchronous>, transform_indices = @transform_8, window_bounds = array<i64: 1, 64>}, {pipeline_mode = #tpu.pipeline_mode<synchronous>, transform_indices = @transform_9, window_bounds = array<i64: 64, 128>}, {pipeline_mode = #tpu.pipeline_mode<synchronous>, transform_indices = @transform_10, window_bounds = array<i64: 1, 128>}, {transform_indices = @transform_11, window_bounds = array<i64: 1000, 128>}]} {
    %get3A = arith.constant 0 : index
    %get3A_0 = arith.constant 0 : index
    %get3A_1 = vector.load %arg1[%get3A, %get3A_0] : memref<1000x128xf32, #tpu.memory_space<vmem>>, vector<1000x128xf32>
    %get3A_2 = arith.constant 0 : index
    %get3A_3 = arith.constant 0 : index
    %get3A_4 = vector.load %arg3[%get3A_2, %get3A_3] : memref<128x64xf32, #tpu.memory_space<vmem>>, vector<128x64xf32>
    %dot_general3A = arith.constant dense<0.000000e+00> : vector<1000x64xf32>
    %dot_general3A_5 = tpu.matmul %get3A_1, %get3A_4, %dot_general3A {dimension_numbers = #tpu.dot_dimension_numbers<[1], [0], [0], [1], [0, 0, 1, 1], [], []>, transpose_lhs_hint = false} : vector<1000x128xf32>, vector<128x64xf32>, vector<1000x64xf32> -> vector<1000x64xf32>
    %get3A_6 = arith.constant 0 : index
    %get3A_7 = arith.constant 0 : index
    %get3A_8 = vector.load %arg2[%get3A_6, %get3A_7] : memref<1000x128xf32, #tpu.memory_space<vmem>>, vector<1000x128xf32>
    %get3A_9 = arith.constant 0 : index
    %get3A_10 = arith.constant 0 : index
    %get3A_11 = vector.load %arg4[%get3A_9, %get3A_10] : memref<128x64xf32, #tpu.memory_space<vmem>>, vector<128x64xf32>
    %dot_general3A_12 = arith.constant dense<0.000000e+00> : vector<1000x64xf32>
    %dot_general3A_13 = tpu.matmul %get3A_8, %get3A_11, %dot_general3A_12 {dimension_numbers = #tpu.dot_dimension_numbers<[1], [0], [0], [1], [0, 0, 1, 1], [], []>, transpose_lhs_hint = false} : vector<1000x128xf32>, vector<128x64xf32>, vector<1000x64xf32> -> vector<1000x64xf32>
    %add3A = arith.addf %dot_general3A_5, %dot_general3A_13 : vector<1000x64xf32>
    %get3A_14 = arith.constant 0 : index
    %get3A_15 = arith.constant 0 : index
    %get3A_16 = vector.load %arg5[%get3A_14, %get3A_15] : memref<1x64xf32, #tpu.memory_space<vmem>>, vector<1x64xf32>
    %add3A_17 = vector.broadcast %get3A_16 : vector<1x64xf32> to vector<1000x64xf32>
    %add3A_18 = arith.addf %add3A, %add3A_17 : vector<1000x64xf32>
    %ge3A = arith.constant 0.000000e+00 : f32
    %ge3A_19 = vector.broadcast %ge3A : f32 to vector<1000x64xf32>
    %ge3A_20 = arith.cmpf oge, %add3A_18, %ge3A_19 : vector<1000x64xf32>
    %mul3A = arith.constant 2.000000e-01 : f32
    %mul3A_21 = vector.broadcast %mul3A : f32 to vector<1000x64xf32>
    %mul3A_22 = arith.mulf %mul3A_21, %add3A_18 : vector<1000x64xf32>
    %select_n3A = arith.select %ge3A_20, %add3A_18, %mul3A_22 : vector<1000x64xi1>, vector<1000x64xf32>
    %get3A_23 = arith.constant 0 : index
    %get3A_24 = arith.constant 0 : index
    %get3A_25 = vector.load %arg6[%get3A_23, %get3A_24] : memref<64x64xf32, #tpu.memory_space<vmem>>, vector<64x64xf32>
    %dot_general3A_26 = arith.constant dense<0.000000e+00> : vector<1000x64xf32>
    %dot_general3A_27 = tpu.matmul %select_n3A, %get3A_25, %dot_general3A_26 {dimension_numbers = #tpu.dot_dimension_numbers<[1], [0], [0], [1], [0, 0, 1, 1], [], []>, transpose_lhs_hint = false} : vector<1000x64xf32>, vector<64x64xf32>, vector<1000x64xf32> -> vector<1000x64xf32>
    %get3A_28 = arith.constant 0 : index
    %get3A_29 = arith.constant 0 : index
    %get3A_30 = vector.load %arg7[%get3A_28, %get3A_29] : memref<1x64xf32, #tpu.memory_space<vmem>>, vector<1x64xf32>
    %add3A_31 = vector.broadcast %get3A_30 : vector<1x64xf32> to vector<1000x64xf32>
    %add3A_32 = arith.addf %dot_general3A_27, %add3A_31 : vector<1000x64xf32>
    %ge3A_33 = arith.constant 0.000000e+00 : f32
    %ge3A_34 = vector.broadcast %ge3A_33 : f32 to vector<1000x64xf32>
    %ge3A_35 = arith.cmpf oge, %add3A_32, %ge3A_34 : vector<1000x64xf32>
    %mul3A_36 = arith.constant 2.000000e-01 : f32
    %mul3A_37 = vector.broadcast %mul3A_36 : f32 to vector<1000x64xf32>
    %mul3A_38 = arith.mulf %mul3A_37, %add3A_32 : vector<1000x64xf32>
    %select_n3A_39 = arith.select %ge3A_35, %add3A_32, %mul3A_38 : vector<1000x64xi1>, vector<1000x64xf32>
    %get3A_40 = arith.constant 0 : index
    %get3A_41 = arith.constant 0 : index
    %get3A_42 = vector.load %arg8[%get3A_40, %get3A_41] : memref<64x64xf32, #tpu.memory_space<vmem>>, vector<64x64xf32>
    %dot_general3A_43 = arith.constant dense<0.000000e+00> : vector<1000x64xf32>
    %dot_general3A_44 = tpu.matmul %select_n3A_39, %get3A_42, %dot_general3A_43 {dimension_numbers = #tpu.dot_dimension_numbers<[1], [0], [0], [1], [0, 0, 1, 1], [], []>, transpose_lhs_hint = false} : vector<1000x64xf32>, vector<64x64xf32>, vector<1000x64xf32> -> vector<1000x64xf32>
    %get3A_45 = arith.constant 0 : index
    %get3A_46 = arith.constant 0 : index
    %get3A_47 = vector.load %arg9[%get3A_45, %get3A_46] : memref<1x64xf32, #tpu.memory_space<vmem>>, vector<1x64xf32>
    %add3A_48 = vector.broadcast %get3A_47 : vector<1x64xf32> to vector<1000x64xf32>
    %add3A_49 = arith.addf %dot_general3A_44, %add3A_48 : vector<1000x64xf32>
    %ge3A_50 = arith.constant 0.000000e+00 : f32
    %ge3A_51 = vector.broadcast %ge3A_50 : f32 to vector<1000x64xf32>
    %ge3A_52 = arith.cmpf oge, %add3A_49, %ge3A_51 : vector<1000x64xf32>
    %mul3A_53 = arith.constant 2.000000e-01 : f32
    %mul3A_54 = vector.broadcast %mul3A_53 : f32 to vector<1000x64xf32>
    %mul3A_55 = arith.mulf %mul3A_54, %add3A_49 : vector<1000x64xf32>
    %select_n3A_56 = arith.select %ge3A_52, %add3A_49, %mul3A_55 : vector<1000x64xi1>, vector<1000x64xf32>
    %get3A_57 = arith.constant 0 : index
    %get3A_58 = arith.constant 0 : index
    %get3A_59 = vector.load %arg10[%get3A_57, %get3A_58] : memref<64x128xf32, #tpu.memory_space<vmem>>, vector<64x128xf32>
    %dot_general3A_60 = arith.constant dense<0.000000e+00> : vector<1000x128xf32>
    %dot_general3A_61 = tpu.matmul %select_n3A_56, %get3A_59, %dot_general3A_60 {dimension_numbers = #tpu.dot_dimension_numbers<[1], [0], [0], [1], [0, 0, 1, 1], [], []>, transpose_lhs_hint = false} : vector<1000x64xf32>, vector<64x128xf32>, vector<1000x128xf32> -> vector<1000x128xf32>
    %get3A_62 = arith.constant 0 : index
    %get3A_63 = arith.constant 0 : index
    %get3A_64 = vector.load %arg11[%get3A_62, %get3A_63] : memref<1x128xf32, #tpu.memory_space<vmem>>, vector<1x128xf32>
    %add3A_65 = vector.broadcast %get3A_64 : vector<1x128xf32> to vector<1000x128xf32>
    %add3A_66 = arith.addf %dot_general3A_61, %add3A_65 : vector<1000x128xf32>
    %swap3A = arith.constant 0 : index
    %swap3A_67 = arith.constant 0 : index
    %swap3A_68 = vector.load %arg12[%swap3A, %swap3A_67] : memref<1000x128xf32, #tpu.memory_space<vmem>>, vector<1000x128xf32>
    tpu.vector_store %arg12[%swap3A, %swap3A_67], %add3A_66 {strides = array<i32>} : memref<1000x128xf32, #tpu.memory_space<vmem>>, vector<1000x128xf32>,
    return
  }
  func.func @transform_0(%arg0: i32) -> (i32, i32) {
    %c0_i32 = arith.constant 0 : i32
    %c0_i32_0 = arith.constant 0 : i32
    return %arg0, %c0_i32 : i32, i32
  }
  func.func @transform_1(%arg0: i32) -> (i32, i32) {
    %c0_i32 = arith.constant 0 : i32
    %c0_i32_0 = arith.constant 0 : i32
    return %arg0, %c0_i32 : i32, i32
  }
  func.func @transform_2(%arg0: i32) -> (i32, i32) {
    %c0_i32 = arith.constant 0 : i32
    %c0_i32_0 = arith.constant 0 : i32
    %c0_i32_1 = arith.constant 0 : i32
    return %c0_i32, %c0_i32_0 : i32, i32
  }
  func.func @transform_3(%arg0: i32) -> (i32, i32) {
    %c0_i32 = arith.constant 0 : i32
    %c0_i32_0 = arith.constant 0 : i32
    %c0_i32_1 = arith.constant 0 : i32
    return %c0_i32, %c0_i32_0 : i32, i32
  }
  func.func @transform_4(%arg0: i32) -> (i32, i32) {
    %c0_i32 = arith.constant 0 : i32
    %c0_i32_0 = arith.constant 0 : i32
    %c0_i32_1 = arith.constant 0 : i32
    return %c0_i32, %c0_i32_0 : i32, i32
  }
  func.func @transform_5(%arg0: i32) -> (i32, i32) {
    %c0_i32 = arith.constant 0 : i32
    %c0_i32_0 = arith.constant 0 : i32
    %c0_i32_1 = arith.constant 0 : i32
    return %c0_i32, %c0_i32_0 : i32, i32
  }
  func.func @transform_6(%arg0: i32) -> (i32, i32) {
    %c0_i32 = arith.constant 0 : i32
    %c0_i32_0 = arith.constant 0 : i32
    %c0_i32_1 = arith.constant 0 : i32
    return %c0_i32, %c0_i32_0 : i32, i32
  }
  func.func @transform_7(%arg0: i32) -> (i32, i32) {
    %c0_i32 = arith.constant 0 : i32
    %c0_i32_0 = arith.constant 0 : i32
    %c0_i32_1 = arith.constant 0 : i32
    return %c0_i32, %c0_i32_0 : i32, i32
  }
  func.func @transform_8(%arg0: i32) -> (i32, i32) {
    %c0_i32 = arith.constant 0 : i32
    %c0_i32_0 = arith.constant 0 : i32
    %c0_i32_1 = arith.constant 0 : i32
    return %c0_i32, %c0_i32_0 : i32, i32
  }
  func.func @transform_9(%arg0: i32) -> (i32, i32) {
    %c0_i32 = arith.constant 0 : i32
    %c0_i32_0 = arith.constant 0 : i32
    %c0_i32_1 = arith.constant 0 : i32
    return %c0_i32, %c0_i32_0 : i32, i32
  }
  func.func @transform_10(%arg0: i32) -> (i32, i32) {
    %c0_i32 = arith.constant 0 : i32
    %c0_i32_0 = arith.constant 0 : i32
    %c0_i32_1 = arith.constant 0 : i32
    return %c0_i32, %c0_i32_0 : i32, i32
  }
  func.func @transform_11(%arg0: i32) -> (i32, i32) {
    %c0_i32 = arith.constant 0 : i32
    %c0_i32_0 = arith.constant 0 : i32
    return %arg0, %c0_i32 : i32, i32
  }
}

module attributes {stable_mosaic.version = 14 : i64} {
  func.func @kern(%arg0: i32, %arg1: memref<1000x128xf32, #tpu.memory_space<vmem>>, %arg2: memref<1000x128xf32, #tpu.memory_space<vmem>>, %arg3: memref<1000x16xf32, #tpu.memory_space<vmem>>, %arg4: memref<1000x128xf32, #tpu.memory_space<vmem>>, %arg5: memref<128x64xf32, #tpu.memory_space<vmem>>, %arg6: memref<128x64xf32, #tpu.memory_space<vmem>>, %arg7: memref<128x64xf32, #tpu.memory_space<vmem>>, %arg8: memref<1x64xf32, #tpu.memory_space<vmem>>, %arg9: memref<64x64xf32, #tpu.memory_space<vmem>>, %arg10: memref<1x64xf32, #tpu.memory_space<vmem>>, %arg11: memref<64x64xf32, #tpu.memory_space<vmem>>, %arg12: memref<1x64xf32, #tpu.memory_space<vmem>>, %arg13: memref<64x128xf32, #tpu.memory_space<vmem>>, %arg14: memref<1x128xf32, #tpu.memory_space<vmem>>, %arg15: memref<1000x128xf32, #tpu.memory_space<vmem>>) attributes {dimension_semantics = [#tpu.dimension_semantics<arbitrary>], iteration_bounds = array<i64: 5>, scalar_prefetch = 0 : i64, scratch_operands = 0 : i64, tpu.core_type = #tpu.core_type<tc>, window_params = [{transform_indices = @transform_0, window_bounds = array<i64: 1000, 128>}, {transform_indices = @transform_1, window_bounds = array<i64: 1000, 128>}, {transform_indices = @transform_2, window_bounds = array<i64: 1000, 16>}, {transform_indices = @transform_3, window_bounds = array<i64: 1000, 128>}, {pipeline_mode = #tpu.pipeline_mode<synchronous>, transform_indices = @transform_4, window_bounds = array<i64: 128, 64>}, {pipeline_mode = #tpu.pipeline_mode<synchronous>, transform_indices = @transform_5, window_bounds = array<i64: 128, 64>}, {pipeline_mode = #tpu.pipeline_mode<synchronous>, transform_indices = @transform_6, window_bounds = array<i64: 128, 64>}, {pipeline_mode = #tpu.pipeline_mode<synchronous>, transform_indices = @transform_7, window_bounds = array<i64: 1, 64>}, {pipeline_mode = #tpu.pipeline_mode<synchronous>, transform_indices = @transform_8, window_bounds = array<i64: 64, 64>}, {pipeline_mode = #tpu.pipeline_mode<synchronous>, transform_indices = @transform_9, window_bounds = array<i64: 1, 64>}, {pipeline_mode = #tpu.pipeline_mode<synchronous>, transform_indices = @transform_10, window_bounds = array<i64: 64, 64>}, {pipeline_mode = #tpu.pipeline_mode<synchronous>, transform_indices = @transform_11, window_bounds = array<i64: 1, 64>}, {pipeline_mode = #tpu.pipeline_mode<synchronous>, transform_indices = @transform_12, window_bounds = array<i64: 64, 128>}, {pipeline_mode = #tpu.pipeline_mode<synchronous>, transform_indices = @transform_13, window_bounds = array<i64: 1, 128>}, {transform_indices = @transform_14, window_bounds = array<i64: 1000, 128>}]} {
    %get3A = arith.constant 0 : index
    %get3A_0 = arith.constant 0 : index
    %get3A_1 = vector.load %arg3[%get3A, %get3A_0] : memref<1000x16xf32, #tpu.memory_space<vmem>>, vector<1000x16xf32>
    %reduce_sum3A = arith.constant dense<0.000000e+00> : vector<1000xf32>
    %reduce_sum3A_2 = vector.multi_reduction <add>, %get3A_1, %reduce_sum3A [1] : vector<1000x16xf32> to vector<1000xf32>
    %broadcast_in_dim3A = vector.shape_cast %reduce_sum3A_2 : vector<1000xf32> to vector<1000x1xf32>
    %mul3A = arith.constant 6.250000e-02 : f32
    %mul3A_3 = vector.broadcast %mul3A : f32 to vector<1000x1xf32>
    %mul3A_4 = arith.mulf %broadcast_in_dim3A, %mul3A_3 : vector<1000x1xf32>
    %get3A_5 = arith.constant 0 : index
    %get3A_6 = arith.constant 0 : index
    %get3A_7 = vector.load %arg2[%get3A_5, %get3A_6] : memref<1000x128xf32, #tpu.memory_space<vmem>>, vector<1000x128xf32>
    %max3A = arith.constant 1.000000e+00 : f32
    %max3A_8 = vector.broadcast %max3A : f32 to vector<1000x1xf32>
    %max3A_9 = arith.maximumf %mul3A_4, %max3A_8 : vector<1000x1xf32>
    %div3A = vector.broadcast %max3A_9 : vector<1000x1xf32> to vector<1000x128xf32>
    %div3A_10 = arith.divf %get3A_7, %div3A : vector<1000x128xf32>
    %gt3A = arith.constant 0.000000e+00 : f32
    %gt3A_11 = vector.broadcast %gt3A : f32 to vector<1000x1xf32>
    %gt3A_12 = arith.cmpf ogt, %mul3A_4, %gt3A_11 : vector<1000x1xf32>
    %get3A_13 = arith.constant 0 : index
    %get3A_14 = arith.constant 0 : index
    %get3A_15 = vector.load %arg4[%get3A_13, %get3A_14] : memref<1000x128xf32, #tpu.memory_space<vmem>>, vector<1000x128xf32>
    %jit3A = arith.constant 0.000000e+00 : f32
    %broadcast_in_dim3A_16 = vector.shape_cast %gt3A_12 : vector<1000x1xi1> to vector<1000x1xi1>
    %broadcast_in_dim3A_17 = vector.broadcast %broadcast_in_dim3A_16 : vector<1000x1xi1> to vector<1000x128xi1>
    %broadcast_in_dim3A_18 = vector.broadcast %jit3A : f32 to vector<1000x128xf32>
    %select_n3A = arith.select %broadcast_in_dim3A_17, %get3A_15, %broadcast_in_dim3A_18 : vector<1000x128xi1>, vector<1000x128xf32>
    %get3A_19 = arith.constant 0 : index
    %get3A_20 = arith.constant 0 : index
    %get3A_21 = vector.load %arg1[%get3A_19, %get3A_20] : memref<1000x128xf32, #tpu.memory_space<vmem>>, vector<1000x128xf32>
    %get3A_22 = arith.constant 0 : index
    %get3A_23 = arith.constant 0 : index
    %get3A_24 = vector.load %arg5[%get3A_22, %get3A_23] : memref<128x64xf32, #tpu.memory_space<vmem>>, vector<128x64xf32>
    %dot_general3A = arith.constant dense<0.000000e+00> : vector<1000x64xf32>
    %dot_general3A_25 = tpu.matmul %get3A_21, %get3A_24, %dot_general3A {dimension_numbers = #tpu.dot_dimension_numbers<[1], [0], [0], [1], [0, 0, 1, 1], [], []>, transpose_lhs_hint = false} : vector<1000x128xf32>, vector<128x64xf32>, vector<1000x64xf32> -> vector<1000x64xf32>
    %get3A_26 = arith.constant 0 : index
    %get3A_27 = arith.constant 0 : index
    %get3A_28 = vector.load %arg6[%get3A_26, %get3A_27] : memref<128x64xf32, #tpu.memory_space<vmem>>, vector<128x64xf32>
    %dot_general3A_29 = arith.constant dense<0.000000e+00> : vector<1000x64xf32>
    %dot_general3A_30 = tpu.matmul %div3A_10, %get3A_28, %dot_general3A_29 {dimension_numbers = #tpu.dot_dimension_numbers<[1], [0], [0], [1], [0, 0, 1, 1], [], []>, transpose_lhs_hint = false} : vector<1000x128xf32>, vector<128x64xf32>, vector<1000x64xf32> -> vector<1000x64xf32>
    %add3A = arith.addf %dot_general3A_25, %dot_general3A_30 : vector<1000x64xf32>
    %get3A_31 = arith.constant 0 : index
    %get3A_32 = arith.constant 0 : index
    %get3A_33 = vector.load %arg7[%get3A_31, %get3A_32] : memref<128x64xf32, #tpu.memory_space<vmem>>, vector<128x64xf32>
    %dot_general3A_34 = arith.constant dense<0.000000e+00> : vector<1000x64xf32>
    %dot_general3A_35 = tpu.matmul %select_n3A, %get3A_33, %dot_general3A_34 {dimension_numbers = #tpu.dot_dimension_numbers<[1], [0], [0], [1], [0, 0, 1, 1], [], []>, transpose_lhs_hint = false} : vector<1000x128xf32>, vector<128x64xf32>, vector<1000x64xf32> -> vector<1000x64xf32>
    %add3A_36 = arith.addf %add3A, %dot_general3A_35 : vector<1000x64xf32>
    %get3A_37 = arith.constant 0 : index
    %get3A_38 = arith.constant 0 : index
    %get3A_39 = vector.load %arg8[%get3A_37, %get3A_38] : memref<1x64xf32, #tpu.memory_space<vmem>>, vector<1x64xf32>
    %add3A_40 = vector.broadcast %get3A_39 : vector<1x64xf32> to vector<1000x64xf32>
    %add3A_41 = arith.addf %add3A_36, %add3A_40 : vector<1000x64xf32>
    %ge3A = arith.constant 0.000000e+00 : f32
    %ge3A_42 = vector.broadcast %ge3A : f32 to vector<1000x64xf32>
    %ge3A_43 = arith.cmpf oge, %add3A_41, %ge3A_42 : vector<1000x64xf32>
    %mul3A_44 = arith.constant 2.000000e-01 : f32
    %mul3A_45 = vector.broadcast %mul3A_44 : f32 to vector<1000x64xf32>
    %mul3A_46 = arith.mulf %mul3A_45, %add3A_41 : vector<1000x64xf32>
    %select_n3A_47 = arith.select %ge3A_43, %add3A_41, %mul3A_46 : vector<1000x64xi1>, vector<1000x64xf32>
    %get3A_48 = arith.constant 0 : index
    %get3A_49 = arith.constant 0 : index
    %get3A_50 = vector.load %arg9[%get3A_48, %get3A_49] : memref<64x64xf32, #tpu.memory_space<vmem>>, vector<64x64xf32>
    %dot_general3A_51 = arith.constant dense<0.000000e+00> : vector<1000x64xf32>
    %dot_general3A_52 = tpu.matmul %select_n3A_47, %get3A_50, %dot_general3A_51 {dimension_numbers = #tpu.dot_dimension_numbers<[1], [0], [0], [1], [0, 0, 1, 1], [], []>, transpose_lhs_hint = false} : vector<1000x64xf32>, vector<64x64xf32>, vector<1000x64xf32> -> vector<1000x64xf32>
    %get3A_53 = arith.constant 0 : index
    %get3A_54 = arith.constant 0 : index
    %get3A_55 = vector.load %arg10[%get3A_53, %get3A_54] : memref<1x64xf32, #tpu.memory_space<vmem>>, vector<1x64xf32>
    %add3A_56 = vector.broadcast %get3A_55 : vector<1x64xf32> to vector<1000x64xf32>
    %add3A_57 = arith.addf %dot_general3A_52, %add3A_56 : vector<1000x64xf32>
    %ge3A_58 = arith.constant 0.000000e+00 : f32
    %ge3A_59 = vector.broadcast %ge3A_58 : f32 to vector<1000x64xf32>
    %ge3A_60 = arith.cmpf oge, %add3A_57, %ge3A_59 : vector<1000x64xf32>
    %mul3A_61 = arith.constant 2.000000e-01 : f32
    %mul3A_62 = vector.broadcast %mul3A_61 : f32 to vector<1000x64xf32>
    %mul3A_63 = arith.mulf %mul3A_62, %add3A_57 : vector<1000x64xf32>
    %select_n3A_64 = arith.select %ge3A_60, %add3A_57, %mul3A_63 : vector<1000x64xi1>, vector<1000x64xf32>
    %get3A_65 = arith.constant 0 : index
    %get3A_66 = arith.constant 0 : index
    %get3A_67 = vector.load %arg11[%get3A_65, %get3A_66] : memref<64x64xf32, #tpu.memory_space<vmem>>, vector<64x64xf32>
    %dot_general3A_68 = arith.constant dense<0.000000e+00> : vector<1000x64xf32>
    %dot_general3A_69 = tpu.matmul %select_n3A_64, %get3A_67, %dot_general3A_68 {dimension_numbers = #tpu.dot_dimension_numbers<[1], [0], [0], [1], [0, 0, 1, 1], [], []>, transpose_lhs_hint = false} : vector<1000x64xf32>, vector<64x64xf32>, vector<1000x64xf32> -> vector<1000x64xf32>
    %get3A_70 = arith.constant 0 : index
    %get3A_71 = arith.constant 0 : index
    %get3A_72 = vector.load %arg12[%get3A_70, %get3A_71] : memref<1x64xf32, #tpu.memory_space<vmem>>, vector<1x64xf32>
    %add3A_73 = vector.broadcast %get3A_72 : vector<1x64xf32> to vector<1000x64xf32>
    %add3A_74 = arith.addf %dot_general3A_69, %add3A_73 : vector<1000x64xf32>
    %ge3A_75 = arith.constant 0.000000e+00 : f32
    %ge3A_76 = vector.broadcast %ge3A_75 : f32 to vector<1000x64xf32>
    %ge3A_77 = arith.cmpf oge, %add3A_74, %ge3A_76 : vector<1000x64xf32>
    %mul3A_78 = arith.constant 2.000000e-01 : f32
    %mul3A_79 = vector.broadcast %mul3A_78 : f32 to vector<1000x64xf32>
    %mul3A_80 = arith.mulf %mul3A_79, %add3A_74 : vector<1000x64xf32>
    %select_n3A_81 = arith.select %ge3A_77, %add3A_74, %mul3A_80 : vector<1000x64xi1>, vector<1000x64xf32>
    %get3A_82 = arith.constant 0 : index
    %get3A_83 = arith.constant 0 : index
    %get3A_84 = vector.load %arg13[%get3A_82, %get3A_83] : memref<64x128xf32, #tpu.memory_space<vmem>>, vector<64x128xf32>
    %dot_general3A_85 = arith.constant dense<0.000000e+00> : vector<1000x128xf32>
    %dot_general3A_86 = tpu.matmul %select_n3A_81, %get3A_84, %dot_general3A_85 {dimension_numbers = #tpu.dot_dimension_numbers<[1], [0], [0], [1], [0, 0, 1, 1], [], []>, transpose_lhs_hint = false} : vector<1000x64xf32>, vector<64x128xf32>, vector<1000x128xf32> -> vector<1000x128xf32>
    %get3A_87 = arith.constant 0 : index
    %get3A_88 = arith.constant 0 : index
    %get3A_89 = vector.load %arg14[%get3A_87, %get3A_88] : memref<1x128xf32, #tpu.memory_space<vmem>>, vector<1x128xf32>
    %add3A_90 = vector.broadcast %get3A_89 : vector<1x128xf32> to vector<1000x128xf32>
    %add3A_91 = arith.addf %dot_general3A_86, %add3A_90 : vector<1000x128xf32>
    %swap3A = arith.constant 0 : index
    %swap3A_92 = arith.constant 0 : index
    %swap3A_93 = vector.load %arg15[%swap3A, %swap3A_92] : memref<1000x128xf32, #tpu.memory_space<vmem>>, vector<1000x128xf32>
    tpu.vector_store %arg15[%swap3A, %swap3A_92], %add3A_91 {strides = array<i32>} : memref<1000x128xf32, #tpu.memory_space<vmem>>, vector<1000x128xf32>,
    return
  }
  func.func @transform_0(%arg0: i32) -> (i32, i32) {
    %c0_i32 = arith.constant 0 : i32
    %c0_i32_0 = arith.constant 0 : i32
    return %arg0, %c0_i32 : i32, i32
  }
  func.func @transform_1(%arg0: i32) -> (i32, i32) {
    %c0_i32 = arith.constant 0 : i32
    %c0_i32_0 = arith.constant 0 : i32
    return %arg0, %c0_i32 : i32, i32
  }
  func.func @transform_2(%arg0: i32) -> (i32, i32) {
    %c0_i32 = arith.constant 0 : i32
    %c0_i32_0 = arith.constant 0 : i32
    return %arg0, %c0_i32 : i32, i32
  }
  func.func @transform_3(%arg0: i32) -> (i32, i32) {
    %c0_i32 = arith.constant 0 : i32
    %c0_i32_0 = arith.constant 0 : i32
    return %arg0, %c0_i32 : i32, i32
  }
  func.func @transform_4(%arg0: i32) -> (i32, i32) {
    %c0_i32 = arith.constant 0 : i32
    %c0_i32_0 = arith.constant 0 : i32
    %c0_i32_1 = arith.constant 0 : i32
    return %c0_i32, %c0_i32_0 : i32, i32
  }
  func.func @transform_5(%arg0: i32) -> (i32, i32) {
    %c0_i32 = arith.constant 0 : i32
    %c0_i32_0 = arith.constant 0 : i32
    %c0_i32_1 = arith.constant 0 : i32
    return %c0_i32, %c0_i32_0 : i32, i32
  }
  func.func @transform_6(%arg0: i32) -> (i32, i32) {
    %c0_i32 = arith.constant 0 : i32
    %c0_i32_0 = arith.constant 0 : i32
    %c0_i32_1 = arith.constant 0 : i32
    return %c0_i32, %c0_i32_0 : i32, i32
  }
  func.func @transform_7(%arg0: i32) -> (i32, i32) {
    %c0_i32 = arith.constant 0 : i32
    %c0_i32_0 = arith.constant 0 : i32
    %c0_i32_1 = arith.constant 0 : i32
    return %c0_i32, %c0_i32_0 : i32, i32
  }
  func.func @transform_8(%arg0: i32) -> (i32, i32) {
    %c0_i32 = arith.constant 0 : i32
    %c0_i32_0 = arith.constant 0 : i32
    %c0_i32_1 = arith.constant 0 : i32
    return %c0_i32, %c0_i32_0 : i32, i32
  }
  func.func @transform_9(%arg0: i32) -> (i32, i32) {
    %c0_i32 = arith.constant 0 : i32
    %c0_i32_0 = arith.constant 0 : i32
    %c0_i32_1 = arith.constant 0 : i32
    return %c0_i32, %c0_i32_0 : i32, i32
  }
  func.func @transform_10(%arg0: i32) -> (i32, i32) {
    %c0_i32 = arith.constant 0 : i32
    %c0_i32_0 = arith.constant 0 : i32
    %c0_i32_1 = arith.constant 0 : i32
    return %c0_i32, %c0_i32_0 : i32, i32
  }
  func.func @transform_11(%arg0: i32) -> (i32, i32) {
    %c0_i32 = arith.constant 0 : i32
    %c0_i32_0 = arith.constant 0 : i32
    %c0_i32_1 = arith.constant 0 : i32
    return %c0_i32, %c0_i32_0 : i32, i32
  }
  func.func @transform_12(%arg0: i32) -> (i32, i32) {
    %c0_i32 = arith.constant 0 : i32
    %c0_i32_0 = arith.constant 0 : i32
    %c0_i32_1 = arith.constant 0 : i32
    return %c0_i32, %c0_i32_0 : i32, i32
  }
  func.func @transform_13(%arg0: i32) -> (i32, i32) {
    %c0_i32 = arith.constant 0 : i32
    %c0_i32_0 = arith.constant 0 : i32
    %c0_i32_1 = arith.constant 0 : i32
    return %c0_i32, %c0_i32_0 : i32, i32
  }
  func.func @transform_14(%arg0: i32) -> (i32, i32) {
    %c0_i32 = arith.constant 0 : i32
    %c0_i32_0 = arith.constant 0 : i32
    return %arg0, %c0_i32 : i32, i32
  }
}

</mosaic_0001>

<sc_bundles>
// kernel: kernel.10.cloned.1.call-start
scs
__scs_entry_jumppad:
0x0: {  	(pc) =	sbr.rel $0x88, $3  }
0x1: {  	(tag) =	ssettag $0x0;
	lr =	simm.s32 $0x1  }
0x2: {  	[smem:$0x3F78] =	sst lr;
	_ =	strace $0xD0000000  }
0x3: {  	_ = 	snop  }
0x4: {  	_ = 	snop  }
0x5: {  	_ = 	snop  }
0x6: {  	_ = 	snop  }
0x7: {  	_ = 	snop  }
__scs_overlays_trampoline_lowered:
0x8: {  	[smem:$0x3F87] =	sst s0  }
0x9: {  	[smem:$0x3F88] =	sst s1  }
0xa: {  	[smem:$0x3F89] =	sst s2  }
0xb: {  	[smem:$0x3F8A] =	sst s3  }
0xc: {  	[smem:$0x3F8B] =	sst s4  }
0xd: {  	[smem:$0x3F8C] =	sst s5  }
0xe: {  	[smem:$0x3F8D] =	sst s6  }
0xf: {  	[smem:$0x3F8E] =	sst s7  }
0x10: {  	[smem:$0x3F8F] =	sst s8  }
0x11: {  	[smem:$0x3F90] =	sst s9;
	s0 =	simm.s32 @!p0 $0x0  }
0x12: {  	s1 =	sld [smem:$0x3F76];
	s0 =	simm.s32 @p0 $0x1  }
0x13: {  	[smem:$0x3F91] =	sst s0;
	s0 =	simm.s32 @!p1 $0x0  }
0x14: {  	s2 =	sld [smem:$0x3F75];
	s0 =	simm.s32 @p1 $0x1  }
0x15: {  	[smem:$0x3F92] =	sst s0;
	s0 =	simm.s32 @!p2 $0x0  }
0x16: {  	s3 =	sld [smem:$0x3FDB];
	s0 =	simm.s32 @p2 $0x1  }
0x17: {  	s4 =	simm.s32 $0x1BF5;
	[smem:$0x3F94] =	sst s0  }
0x18: {  	s0 =	sld [smem:$0x3F77];
	_ =	swait.ge [sflag:s4], $0x0  }
0x19: {  	s7 =	sld [smem:$0x3F78]  }
0x1a: {  	s8 =	sadd.s32 $0xFFFFE003, lr  }
0x1b: {  	s9 =	sadd.s32 $0xFFFFFEF7, lr;
	s5 =	simm.s32 $0xFFFFFFFF;
	p2 =	slt.u32 s8, $0xFFFFF086  }
0x1c: {  	p1 =	slt.u32 s9, $0xF7A;
	s5 =	simm.s32 @!p2 $0x0  }
0x1d: {  	s5 =	simm.s32 @p1 $0x1;
	p0 =	seq.s32 s7, s2  }
0x1e: {  	s7 =	smul.u32 @!p0 $0xF7A, s2;
	p2 =	seq.s32 @!p0 s5, $0x0  }
0x1f: {  	s9 =	smul.u32 $0xF7A, s1;
	s8 =	simm.s32 @!p0 $0x1BF5;
	p2 =	por !p2, p0  }
0x20: {  	[sflag:s8] =	ssyncset.s32 @!p0 $0xFFFFF086;
	s6 =	sadd.s32 @!p0 s3, s7;
	s7 =	simm.s32 @!p0 $0x108  }
0x21: {  	s3 =	sadd.s32 s3, s9;
	s6 =	sadd.s32 @!p0 $0x88, s6;
	s7 =	simm.s32 @p2 $0x1082  }
0x22: {  	[simem:s7], [sflag:s8] =	dma.local @!p0 [hbm:s6], $0xF7A  }
0x23: {  	s9 =	sor.u32 $0xD0000000, s2;
	s6 =	simm.s32 $0x108;
	_ =	swait.ge @!p0 [sflag:s8], $0x0  }
0x24: {  	s3 =	sadd.s32 $0x88, s3;
	s6 =	simm.s32 @!p1 $0x1082;
	[sflag:s4] =	ssyncset.s32 $0xFFFFF086  }
0x25: {  	[simem:s6], [sflag:s4] =	dma.local [hbm:s3], $0xF7A  }
0x26: {  	[smem:$0x3F78] =	sst s1;
	(tag) =	ssettag s2;
	_ =	strace s9  }
0x27: {  	s1 =	sld [smem:$0x3F88]  }
0x28: {  	s2 =	sld [smem:$0x3F89]  }
0x29: {  	s4 =	sld [smem:$0x3F8B]  }
0x2a: {  	p0 =	seq.s32 s5, $0x0;
	s5 =	sld [smem:$0x3F8C]  }
0x2b: {  	s6 =	sld [smem:$0x3F8D]  }
0x2c: {  	s7 =	sld [smem:$0x3F8E]  }
0x2d: {  	s3 =	simm.s32 $0x108;
	s8 =	sld [smem:$0x3F8F]  }
0x2e: {  	s3 =	simm.s32 @!p0 $0x1082;
	s9 =	sld [smem:$0x3F90]  }
0x2f: {  	lr =	sadd.s32 s0, s3;
	s0 =	sld [smem:$0x3F87]  }
0x30: {  	s3 =	sld [smem:$0x3F8A]  }
0x31: {  	[smem:$0x3F93] =	sst s10  }
0x32: {  	s10 =	sld [smem:$0x3F91];
	_ =	sdelay $0x3  }
0x33: {  	p0 =	seq.s32 s10, $0x1;
	s10 =	sld [smem:$0x3F93];
	_ =	sdelay $0x3  }
0x34: {  	[smem:$0x3F93] =	sst s10  }
0x35: {  	s10 =	sld [smem:$0x3F92];
	_ =	sdelay $0x3  }
0x36: {  	p1 =	seq.s32 s10, $0x1;
	s10 =	sld [smem:$0x3F93];
	_ =	sdelay $0x3  }
0x37: {  	[smem:$0x3F93] =	sst s10  }
0x38: {  	s10 =	sld [smem:$0x3F94]  }
0x39: {  	_ = 	snop;
	(pc) =	sbr.ind lr, $3  }
0x3a: {  	_ = 	snop  }
0x3b: {  	_ = 	snop  }
0x3c: {  	p2 =	seq.s32 s10, $0x1;
	s10 =	sld [smem:$0x3F93]  }
0x3d: {  	_ =	shalt  }
0x3e: {  	_ =	shalt  }
0x3f: {  	_ =	shalt  }
0x40: {  	_ =	shalt  }
0x41: {  	_ =	shalt  }
0x42: {  	_ =	shalt  }
0x43: {  	_ =	shalt  }
0x44: {  	_ =	shalt  }
0x45: {  	_ =	shalt  }
0x46: {  	_ =	shalt  }
0x47: {  	_ =	shalt  }
0x48: {  	_ =	shalt  }
0x49: {  	_ =	shalt  }
0x4a: {  	_ =	shalt  }
0x4b: {  	_ =	shalt  }
0x4c: {  	_ =	shalt  }
0x4d: {  	_ =	shalt  }
0x4e: {  	_ =	shalt  }
0x4f: {  	_ =	shalt  }
0x50: {  	_ =	shalt  }
0x51: {  	_ =	shalt  }
0x52: {  	_ =	shalt  }
0x53: {  	_ =	shalt  }
0x54: {  	_ =	shalt  }
0x55: {  	_ =	shalt  }
0x56: {  	_ =	shalt  }
0x57: {  	_ =	shalt  }
0x58: {  	_ =	shalt  }
0x59: {  	_ =	shalt  }
0x5a: {  	_ =	shalt  }
0x5b: {  	_ =	shalt  }
0x5c: {  	_ =	shalt  }
0x5d: {  	_ =	shalt  }
0x5e: {  	_ =	shalt  }
0x5f: {  	_ =	shalt  }
0x60: {  	_ =	shalt  }
0x61: {  	_ =	shalt  }
0x62: {  	_ =	shalt  }
0x63: {  	_ =	shalt  }
0x64: {  	_ =	shalt  }
0x65: {  	_ =	shalt  }
0x66: {  	_ =	shalt  }
0x67: {  	_ =	shalt  }
0x68: {  	_ =	shalt  }
0x69: {  	_ =	shalt  }
0x6a: {  	_ =	shalt  }
0x6b: {  	_ =	shalt  }
0x6c: {  	_ =	shalt  }
0x6d: {  	_ =	shalt  }
0x6e: {  	_ =	shalt  }
0x6f: {  	_ =	shalt  }
0x70: {  	_ =	shalt  }
0x71: {  	_ =	shalt  }
0x72: {  	_ =	shalt  }
0x73: {  	_ =	shalt  }
0x74: {  	_ =	shalt  }
0x75: {  	_ =	shalt  }
0x76: {  	_ =	shalt  }
0x77: {  	_ =	shalt  }
0x78: {  	_ =	shalt  }
0x79: {  	_ =	shalt  }
0x7a: {  	_ =	shalt  }
0x7b: {  	_ =	shalt  }
0x7c: {  	_ =	shalt  }
0x7d: {  	_ =	shalt  }
0x7e: {  	_ =	shalt  }
0x7f: {  	_ =	shalt  }
0x80: {  	_ =	shalt  }
0x81: {  	_ =	shalt  }
0x82: {  	_ =	shalt  }
0x83: {  	_ =	shalt  }
0x84: {  	_ =	shalt  }
0x85: {  	_ =	shalt  }
0x86: {  	_ =	shalt  }
0x87: {  	_ =	shalt  }
.Lfunc_end0:
.L_simem_size_0:
called_computation.1_lowered:
.L_overlay_start_0:
0x88: {  	s2 =	sld [smem:$0x3FD9]  }
0x89: {  	s3 =	sld [smem:$0x3FFE];
	_ =	sdelay $0x1  }
0x8a: {  	s1 =	srdreg.scid  }
0x8b: {  	s0 =	sand.u32 $0x1, s1  }
0x8c: {  	s17 =	sshll.u32 s0, $0xA;
	s2 =	sadd.s32 s3, s2  }
0x8d: {  	s2 =	sadd.s32 s2, s17  }
0x8e: {  	[smem:$0x3F9F] =	sst s2  }
0x8f: {  	_ = 	snop  }
0x90: {  	s2 =	sld [smem:$0x3FD0];
	(tm) =	ssettm $0x1  }
0x91: {  	s18 =	sld [smem:$0x3FFB];
	_ =	sdelay $0x3  }
0x92: {  	_ =	strace s18  }
0x93: {  	s3 =	sld [smem:$0x3FFC];
	_ =	sdelay $0x3  }
0x94: {  	_ =	strace s3  }
0x95: {  	s3 =	sld [smem:$0x3FFD];
	_ =	sdelay $0x3  }
0x96: {  	_ =	strace s3  }
0x97: {  	_ =	strace $0x8FFFFFFF  }
0x98: {  	s19 =	sld [smem:$0x3FDB];
	_ =	sdelay $0x1  }
0x99: {  	s4 =	simm.s32 $_scs_section_size  }
0x9a: {  	s5 =	simm.s32 $_size__tile_overlayer_lowered;
	s6 =	simm.s32 $_tile_overlayer_lowered  }
0x9b: {  	s22 =	simm.s32 $0x1BFF;
	s21 =	sshll.u32 s6, $0x1;
	s3 =	sadd.s32 s4, s19  }
0x9c: {  	s7 =	simm.s32 $0x0;
	s20 =	sshll.u32 s5, $0x1;
	s5 =	sadd.s32 s21, s3  }
0x9d: {  	[timem:s7], [sflag:s22] =	dma.local [hbm:s5], s20  }
0x9e: {  	_ =	swait.ge [sflag:s22], s20  }
0x9f: {  	s4 =	ssub.s32 $0x0, s20;
	[sflag:s22] =	ssyncset.done $0x0  }
0xa0: {  	[sflag:s22] =	ssyncadd.s32 s4;
	_ =	sdelay $0x1  }
0xa1: {  	s23 =	simm.s32 $0x1B8B  }
0xa2: {  	_ =	swait.ge [sflag:s23], $0x1  }
0xa3: {  	[sflag:s23] =	ssyncset.done $0x0  }
0xa4: {  	s25 =	simm.s32 $0x1B8E;
	s24 =	sld [smem:$0x3FFE];
	[sflag:s23] =	ssyncadd.s32 $0xFFFFFFFF  }
0xa5: {  	s26 =	simm.s32 $execute0_lowered;
	[smem:$0x3FD2] =	sst s25  }
0xa6: {  	s5 =	sshll.u32 s26, $0x1;
	_ =	strace $0x80000049;
	[dreg:$0x1] =	wrdreg $0xFFFFFFFF  }
0xa7: {  	s28 =	simm.s32 $_size_execute0_lowered;
	s3 =	sadd.s32 s3, s5;
	[dreg:$0x0] =	wrdreg $0x0  }
0xa8: {  	s5 =	sshll.u32 s28, $0x1;
	[dreg:$0x2] =	wrdreg s3  }
0xa9: {  	[dreg:$0x3] =	wrdreg s5  }
0xaa: {  	[dreg:$0x4] =	wrdreg $0xC0  }
0xab: {  	_ =	task [dreg:s7], $0x5FFFF  }
0xac: {  	[dreg:$0x1] =	wrdreg $0xFFFFFFFF  }
0xad: {  	[dreg:$0x0] =	wrdreg $0x60  }
0xae: {  	[dreg:$0x2] =	wrdreg s24  }
0xaf: {  	[dreg:$0x3] =	wrdreg s2  }
0xb0: {  	[dreg:$0x4] =	wrdreg $0x14C000  }
0xb1: {  	[dreg:$0x5] =	wrdreg $0x9  }
0xb2: {  	_ =	task.clear_ibuf [dreg:s7], $0x6FFFF;
	_ =	strace $0x90000049  }
0xb3: {  	s29 =	simm.s32 $0x9;
	_ =	strace $0x8000004B  }
0xb4: {  	_ =	swait.ge [sflag:s29], $0x1  }
0xb5: {  	[sflag:s29] =	ssyncadd.s32 $0xFFFFFFFF  }
0xb6: {  	_ =	strace $0x9000004B  }
0xb7: {  	_ =	sfence  }
0xb8: {  	s30 =	sld [smem:$0x0];
	_ =	sdelay $0x2  }
0xb9: {  	s31 =	sshll.u32 s1, $0xD;
	s1 =	sshrl.u32 s1, $0x2  }
0xba: {  	s3 =	sand.u32 $0x4000, s31;
	s1 =	sadd.s32 s1, s30  }
0xbb: {  	s0 =	sor.u32 s3, s0;
	s1 =	sshll.u32 s1, $0x11  }
0xbc: {  	s0 =	sor.u32 s1, s0  }
0xbd: {  	s0 =	sadd.s32 $0x8F2B, s0  }
0xbe: {  	[sflag:s0] =	ssyncadd.remote.s32 $0x1  }
0xbf: {  	_ =	sfence.sel $0xFFFF  }
0xc0: {  	[dreg:$0x0] =	wrdreg $0xFFFFFFFF;
	(pc) =	sbr.abs _section_cstart, $3  }
0xc1: {  	[dreg:$0x1] =	wrdreg $0xFFFFFFFF  }
0xc2: {  	_ =	task.clear_ibuf [dreg:s7], $0x2FFFF;
	_ =	strace $0x9FFFFFFF  }
0xc3: {  	(tm) =	ssettm $0x7FFFFFFF  }
tec
execute0_lowered:
.L_overlay_start_1:
0x0: {  	(tag) =	ssettag $0x1  }
0x1: {  	s0 =	rddreg [dreg:$0x0]  }
0x2: {  	s7 =	rddreg [dreg:$0x1]  }
0x3: {  	s1 =	rddreg [dreg:$0x2];
	s2 =	srdreg.scid;
	s3 =	simm.s32 $0x0  }
0x4: {  	s16 =	simm.s32 $0x2;
	s17 =	simm.s32 $0x3;
	s18 =	simm.s32 $0x80  }
0x5: {  	s19 =	simm.s32 $0x4080;
	s20 =	simm.s32 $0x4100;
	s21 =	simm.s32 $0x40  }
0x6: {  	s22 =	simm.s32 $0x8C00;
	s8 =	sand.u32 $0x1, s2;
	s2 =	stileid.u32  }
0x7: {  	[smem:$0x7FF] =	sst s3;
	s4 =	sadd.s32 $0x187B600, s0;
	s5 =	smul.u32 $0xB0000, s8  }
0x8: {  	s23 =	simm.s32 $0x1;
	s6 =	smul.u32 $0xB000, s2;
	_ =	strace $0x8000004A  }
0x9: {  	s9 =	sshll.u32 s2, $0x1;
	s10 =	smul.u32 $0x2C000, s2;
	s12 =	ssub.s32 $0x2, s8  }
0xa: {  	s28 =	sshll.u32 s2, $0x5;
	p0 =	seq.s32 s8, $0x0;
	s9 =	sor.u32 s8, s9  }
0xb: {  	s14 =	sshrl.u32 s12, $0x1;
	s6 =	sadd.s32 s6, s5;
	s5 =	sadd.s32 $0x7600, s0  }
0xc: {  	s11 =	smul.u32 $0xA00, s9;
	s10 =	sshrl.u32 s10, $0x2;
	s12 =	ssub.s32 s12, s14  }
0xd: {  	s15 =	smul.u32 $0xA0, s9;
	s9 =	sor.u32 $0x1400, s28;
	s31 =	smax.u32 s12, $0x1  }
0xe: {  	s6 =	sshrl.u32 s6, $0x3;
	s7 =	sadd.s32 s7, s11;
	[dreg:$0xa] =	wrdreg s31  }
0xf: {  	s13 =	sadd.s32 s6, s0;
	s6 =	sadd.s32 s10, s1;
	[dreg:$0x9] =	wrdreg s7  }
0x10: {  	s24 =	sadd.s32 s11, s0;
	s25 =	sadd.s32 $0x5000, s6;
	[dreg:$0x4] =	wrdreg s6  }
.Ltmp0:
0x11: {  	s26 =	sadd.s32 $0xA000, s6;
	[dreg:$0x5] =	wrdreg s25;
	(pc) =	sbr.rel .LBB2_1-.Ltmp0, $4  }
0x12: {  	s30 =	sadd.s32 $0x1388, s15;
	s10 =	sadd.s32 $0x3D400, s24;
	[dreg:$0x6] =	wrdreg s26  }
0x13: {  	s29 =	sadd.s32 $0x11400, s13;
	[dreg:$0x8] =	wrdreg s10;
	s10 =	simm.s32 $0xEB7600  }
0x14: {  	v1 =	vimm.f32 $0.0e+00;
	v2 =	vlaneseq.u32;
	[dreg:$0x7] =	wrdreg s29;
	s25 =	simm.s32 $0x0;
	s10 =	simm.s32 @!p0 $0x1399600  }
0x15: {  	v3 =	vimm.f32 $-3.000000010e+38;
	v4 =	vimm.s32 $0x0;
	v0 =	vmov s30;
	s26 =	simm.s32 $0x0;
	s14 =	sadd.s32 s10, s0;
	s10 =	simm.s32 $0xFC00  }
.LBB2_23:
0x16: {  	s0 =	rddreg [dreg:$0x8];
	s10 =	simm.s32 $0xFC00  }
0x17: {  	[hbm4b:s0+s3] =	stream.linear.scatter [tilespmem:s10], [sflag:$0x2], $0x5000, $0x38;
	[tilespmem:$0x1FC00] =	vst v63  }
0x18: {  	_ =	swait.ge [sflag:s16], $0x5000  }
0x19: {  	[sflag:s16] =	ssyncset.done $0x0  }
0x1a: {  	s6 =	simm.s32 $0xAC00;
	s30 =	rddreg [dreg:$0x9];
	[sflag:s16] =	ssyncadd.s32 $0xFFFFB000  }
0x1b: {  	[hbm4b:s30+s3] =	stream.linear.scatter [tilespmem:s6], [sflag:$0x2], $0x5000, $0x38;
	[tilespmem:$0x1FC00] =	vst v63  }
0x1c: {  	_ =	swait.ge [sflag:s16], $0x5000  }
0x1d: {  	s25 =	sadd.s32 $0x1, s25;
	s31 =	rddreg [dreg:$0xa]  }
0x1e: {  	p1 =	sne.s32 s25, s31  }
.Ltmp1:
0x1f: {  	_ = 	snop;
	(pc) =	sbr.rel @!p1 .LBB2_24-.Ltmp1, $3  }
0x20: {  	_ =	sdelay $0x1  }
0x21: {  	[sflag:s16] =	ssyncset.done $0x0  }
0x22: {  	s6 =	rddreg [dreg:$0x4];
	[sflag:s16] =	ssyncadd.s32 $0xFFFFB000  }
.LBB2_1:
0x23: {  	s0 =	simm.s32 $0x70;
	s7 =	simm.s32 $0x3C0  }
.LBB2_2:
0x24: {  	p1 =	sne.s32 s7, $0x13FC0;
	[tilespmem:s0+$0xFC00] =	vst v1  }
0x25: {  	[tilespmem:s0+$0xFB90] =	vst v1  }
0x26: {  	[tilespmem:s0+$0xFBA0] =	vst v1  }
.Ltmp2:
0x27: {  	[tilespmem:s0+$0xFBB0] =	vst v1;
	(pc) =	sbr.rel @p1 .LBB2_2-.Ltmp2, $4  }
0x28: {  	[tilespmem:s0+$0xFBC0] =	vst v1  }
0x29: {  	[tilespmem:s0+$0xFBD0] =	vst v1  }
0x2a: {  	[tilespmem:s0+$0xFBE0] =	vst v1  }
0x2b: {  	[tilespmem:s0+$0xFBF0] =	vst v1;
	s0 =	sshra.s32 s7, $0x2;
	s7 =	sadd.s32 $0x200, s7  }
0x2c: {  	[tilespmem:s0+$0xFC00] =	vst v1  }
0x2d: {  	[tilespmem:s0+$0xFB90] =	vst v1  }
0x2e: {  	[tilespmem:s0+$0xFBA0] =	vst v1  }
0x2f: {  	[tilespmem:s0+$0xFBB0] =	vst v1  }
0x30: {  	[tilespmem:s0+$0xFBC0] =	vst v1  }
0x31: {  	[tilespmem:s0+$0xFBD0] =	vst v1  }
0x32: {  	[tilespmem:s0+$0xFBE0] =	vst v1  }
0x33: {  	[tilespmem:s0+$0xFBF0] =	vst v1  }
0x34: {  	[spmem:s6] =	stream.linear.scatter [tilespmem:s10], [sflag:$0x2], $0x5000, $0x38;
	[tilespmem:$0x1FC00] =	vst v63  }
0x35: {  	_ =	swait.ge [sflag:s16], $0x5000  }
0x36: {  	[sflag:s16] =	ssyncset.done $0x0  }
0x37: {  	s30 =	rddreg [dreg:$0x5];
	[sflag:s16] =	ssyncadd.s32 $0xFFFFB000  }
0x38: {  	[spmem:s30] =	stream.linear.scatter [tilespmem:s10], [sflag:$0x2], $0x5000, $0x38;
	[tilespmem:$0x1FC00] =	vst v63  }
0x39: {  	_ =	swait.ge [sflag:s16], $0x5000  }
0x3a: {  	[sflag:s16] =	ssyncset.done $0x0  }
0x3b: {  	s31 =	rddreg [dreg:$0x6];
	[sflag:s16] =	ssyncadd.s32 $0xFFFFB000  }
0x3c: {  	[spmem:s31] =	stream.linear.scatter [tilespmem:s10], [sflag:$0x2], $0x1000, $0x38;
	[tilespmem:$0x1FC00] =	vst v63  }
.Ltmp3:
0x3d: {  	_ =	swait.ge [sflag:s16], $0x1000;
	(pc) =	sbr.rel .LBB2_4-.Ltmp3, $4  }
0x3e: {  	[sflag:s16] =	ssyncset.done $0x0  }
0x3f: {  	[sflag:s16] =	ssyncadd.s32 $0xFFFFF000  }
0x40: {  	[bflag:$0x0] =	sbarrier.arrive $0xFFFF  }
0x41: {  	s0 =	simm.s32 $0x0  }
.LBB2_8:
0x42: {  	s0 =	sadd.s32 $0x1, s0  }
0x43: {  	p1 =	sne.s32 s0, $0x9D  }
.Ltmp4:
0x44: {  	_ = 	snop;
	(pc) =	sbr.rel @!p1 .LBB2_9-.Ltmp4, $1  }
0x45: {  	_ =	sdelay $0x3  }
.LBB2_4:
0x46: {  	s7 =	sshll.u32 s0, $0x4  }
0x47: {  	s7 =	sor.u32 s2, s7  }
0x48: {  	p1 =	sgt.u32 s7, $0x9C3  }
.Ltmp5:
0x49: {  	_ = 	snop;
	(pc) =	sbr.rel @p1 .LBB2_8-.Ltmp5, $1  }
0x4a: {  	_ =	sdelay $0x3  }
0x4b: {  	s8 =	sshll.u32 s7, $0x4  }
0x4c: {  	s10 =	simm.s32 $0x0;
	s11 =	simm.s32 $0x4000;
	s8 =	sadd.s32 s5, s8  }
0x4d: {  	[tilespmem:s11], [sflag:$0x3] =	stream.linear.gather [hbm4b:s8+s10], $0x80, $0x38;
	[tilespmem:$0x1FC00] =	vst v63  }
0x4e: {  	_ =	swait.ge [sflag:s17], $0x80  }
0x4f: {  	[sflag:s17] =	ssyncset.done $0x0  }
0x50: {  	[sflag:s17] =	ssyncadd.s32 $0xFFFFFF80  }
0x51: {  	v5 =	vld [tilespmem:s11+$0x0];
	_ =	sdelay $0x1  }
0x52: {  	s31 =	sand.u32 $0x10, s10  }
0x53: {  	s8 =	sor.u32 s9, s31  }
0x54: {  	v6 =	vor.u32 s8, v2  }
0x55: {  	vm0 =	vlt.s32 v5, $0x1388;
	vm1 =	vgt.s32 v5, $0x1387;
	v7 =	vadd.s32 $0xFFFFEC78, v5  }
0x56: {  	v5 =	vsel vm0, v5, v6;
	v6 =	vsel vm1, v7, v6  }
0x57: {  	s8 =	simm.s32 $0x4080;
	v5 =	vpsel p0, v5, v6  }
0x58: {  	s10 =	simm.s32 $0x4010;
	[tilespmem:s8+$0x0] =	vst v5  }
0x59: {  	s12 =	simm.s32 $0x20;
	s11 =	simm.s32 $0x10;
	v5 =	vld [tilespmem:s10+$0x0]  }
.LBB2_6:
0x5a: {  	p1 =	sne.s32 s12, $0x70  }
0x5b: {  	s24 =	sand.u32 $0x10, s11;
	s11 =	smov.u32 s12  }
0x5c: {  	s24 =	sor.u32 s9, s24  }
0x5d: {  	v6 =	vor.u32 s24, v2  }
.Ltmp6:
0x5e: {  	vm0 =	vlt.s32 v5, $0x1388;
	vm1 =	vgt.s32 v5, $0x1387;
	v7 =	vadd.s32 $0xFFFFEC78, v5;
	(pc) =	sbr.rel @p1 .LBB2_6-.Ltmp6, $4  }
0x5f: {  	v5 =	vsel vm0, v5, v6;
	v6 =	vsel vm1, v7, v6  }
0x60: {  	s8 =	sadd.s32 $0x10, s8;
	v5 =	vpsel p0, v5, v6  }
0x61: {  	s10 =	sadd.s32 $0x10, s10;
	[tilespmem:s8+$0x0] =	vst v5  }
0x62: {  	s12 =	sadd.s32 $0x10, s12;
	v5 =	vld [tilespmem:s10+$0x0]  }
0x63: {  	_ = 	snop  }
0x64: {  	s10 =	sand.u32 $0x10, s11  }
0x65: {  	s10 =	sor.u32 s9, s10  }
0x66: {  	v6 =	vor.u32 s10, v2  }
0x67: {  	vm0 =	vlt.s32 v5, $0x1388;
	vm1 =	vgt.s32 v5, $0x1387;
	v7 =	vadd.s32 $0xFFFFEC78, v5  }
0x68: {  	v5 =	vsel vm0, v5, v6;
	v6 =	vsel vm1, v7, v6  }
0x69: {  	s8 =	sadd.s32 $0x10, s8;
	s7 =	sshll.u32 s7, $0xB;
	v5 =	vpsel p0, v5, v6  }
0x6a: {  	s7 =	sadd.s32 s14, s7;
	[tilespmem:s8+$0x0] =	vst v5  }
0x6b: {  	[tilespmem:s3], [sflag:$0x3] =	stream.linear.gather [hbm4b:s7+s3], $0x4000, $0x38;
	[tilespmem:$0x1FC00] =	vst v63  }
0x6c: {  	_ =	swait.ge [sflag:s17], $0x4000  }
0x6d: {  	[sflag:s17] =	ssyncset.done $0x0  }
.Ltmp7:
0x6e: {  	[sflag:s17] =	ssyncadd.s32 $0xFFFFC000;
	(pc) =	sbr.rel .LBB2_8-.Ltmp7, $4  }
0x6f: {  	[spmem:s1] =	stream.indirect.scatter.add.f32 [tilespmem:s3], [sflag:$0x2], $0x80, s19, s18, $0xb8;
	[tilespmem:$0x1FC00] =	vst v63  }
0x70: {  	_ =	swait.ge [sflag:s16], $0x4000  }
0x71: {  	[sflag:s16] =	ssyncset.done $0x0  }
0x72: {  	[sflag:s16] =	ssyncadd.s32 $0xFFFFC000  }
.LBB2_9:
0x73: {  	s0 =	sshll.u32 s2, $0x6;
	[bflag:$0x0] =	sbarrier.arrive $0xFFFF  }
0x74: {  	s7 =	sshrl.u32 s6, $0x3;
	s0 =	sor.u32 $0x1C02, s0;
	s8 =	rddreg [dreg:$0x7]  }
0x75: {  	[hbm:s8], [sflag:s0] =	dma.local [spmem:s7], $0x1600  }
0x76: {  	_ =	swait.ge [sflag:s16], $0x1600  }
0x77: {  	[sflag:s16] =	ssyncset.done $0x0  }
0x78: {  	s0 =	simm.s32 $0x0;
	s7 =	simm.s32 $0x200;
	[sflag:s16] =	ssyncadd.s32 $0xFFFFEA00  }
.LBB2_10:
0x79: {  	p1 =	sne.s32 s7, $0x13E00;
	[tilespmem:s0+$0xAC00] =	vst v1  }
0x7a: {  	[tilespmem:s0+$0xFC00] =	vst v3  }
0x7b: {  	[tilespmem:s0+$0xFC10] =	vst v3  }
0x7c: {  	[tilespmem:s0+$0xFC20] =	vst v3  }
.Ltmp8:
0x7d: {  	[tilespmem:s0+$0xFC30] =	vst v3;
	(pc) =	sbr.rel @p1 .LBB2_10-.Ltmp8, $4  }
0x7e: {  	[tilespmem:s0+$0xFC40] =	vst v3  }
0x7f: {  	[tilespmem:s0+$0xFC50] =	vst v3  }
0x80: {  	[tilespmem:s0+$0xFC60] =	vst v3  }
0x81: {  	[tilespmem:s0+$0xFC70] =	vst v3;
	s0 =	sshra.s32 s7, $0x2;
	s7 =	sadd.s32 $0x200, s7  }
0x82: {  	[tilespmem:s0+$0xAC00] =	vst v1  }
0x83: {  	[tilespmem:s0+$0xFC00] =	vst v3  }
0x84: {  	[tilespmem:s0+$0xFC10] =	vst v3  }
0x85: {  	[tilespmem:s0+$0xFC20] =	vst v3  }
0x86: {  	[tilespmem:s0+$0xFC30] =	vst v3  }
0x87: {  	[tilespmem:s0+$0xFC40] =	vst v3  }
0x88: {  	[tilespmem:s0+$0xFC50] =	vst v3  }
0x89: {  	[tilespmem:s0+$0xFC60] =	vst v3  }
0x8a: {  	[tilespmem:s0+$0xFC70] =	vst v3;
	s0 =	simm.s32 $0x40;
	s7 =	simm.s32 $0x0  }
.LBB2_12:
0x8b: {  	p1 =	sne.s32 s0, $0x63C0;
	[tilespmem:s7+$0x5A00] =	vst v4;
	s7 =	smov.u32 s0;
	s0 =	sadd.s32 $0x40, s0  }
.Ltmp9:
0x8c: {  	(pc) =	sbr.rel @p1 .LBB2_12-.Ltmp9, $2  }
0x8d: {  	_ =	sdelay $0x2  }
0x8e: {  	s7 =	sshra.s32 s7, $0x2  }
.Ltmp10:
0x8f: {  	(pc) =	sbr.rel .LBB2_14-.Ltmp10, $2  }
0x90: {  	_ =	sdelay $0x2  }
0x91: {  	[tilespmem:s7+$0x5A00] =	vst v4;
	s28 =	simm.s32 $0x0;
	s29 =	simm.s32 $0x0  }
.LBB2_22:
0x92: {  	s29 =	sadd.s32 $0x1, s29  }
0x93: {  	p1 =	sne.s32 s29, $0x32  }
.Ltmp11:
0x94: {  	_ = 	snop;
	(pc) =	sbr.rel @!p1 .LBB2_23-.Ltmp11, $2  }
0x95: {  	_ =	sdelay $0x2  }
0x96: {  	s28 =	sadd.s32 $0x1900, s28  }
.LBB2_14:
0x97: {  	s0 =	smul.u32 $0x1900, s29;
	_ =	sdelay $0x1  }
0x98: {  	s0 =	sshrl.u32 s0, $0x3  }
0x99: {  	s0 =	sadd.s32 s5, s0  }
0x9a: {  	[tilespmem:s20], [sflag:$0x2] =	stream.linear.gather [hbm4b:s0+s26], $0x1900, $0x38;
	[tilespmem:$0x1FC00] =	vst v63  }
0x9b: {  	_ =	swait.ge [sflag:s16], $0x1900  }
0x9c: {  	[sflag:s16] =	ssyncset.done $0x0  }
0x9d: {  	s0 =	simm.s32 $0x4120;
	[sflag:s16] =	ssyncadd.s32 $0xFFFFE700  }
0x9e: {  	v5 =	vld [tilespmem:s0+$0xFFFFFFE0]  }
0x9f: {  	v6 =	vld [tilespmem:s0+$0xFFFFFFF0]  }
0xa0: {  	v7 =	vld [tilespmem:s0+$0x0]  }
0xa1: {  	v8 =	vld [tilespmem:s0+$0x10];
	_ =	sdelay $0x2  }
0xa2: {  	v9 =	vsub.s32 v5, v0;
	v6 =	vsub.s32 v6, v0  }
0xa3: {  	v7 =	vsub.s32 v7, v0;
	vm0 =	vlt.u32 v9, $0xA0;
	vm1 =	vlt.u32 v6, $0xA0  }
0xa4: {  	v5 =	vsub.s32 v8, v0;
	vm2 =	vlt.u32 v7, $0xA0;
	vm0 =	vmor vm0, vm1  }
0xa5: {  	vm1 =	vlt.u32 v5, $0xA0;
	vm0 =	vmor vm0, vm2  }
0xa6: {  	vm0 =	vmor vm0, vm1  }
0xa7: {  	v63 =	vsel vm0, $0x3F800000, v1  }
0xa8: {  	(xrf0) =	vmax.scan.msk.f32 $0xffff, v63;
	_ =	sdelay $0x5  }
0xa9: {  	v8, _, _ =	vpop (xrf0)  }
0xaa: {  	(v2sf) =	vpush v8, $0xF;
	_ =	sdelay $0xe  }
0xab: {  	s7 =	spop (v2sf)  }
0xac: {  	p2 =	sgt.f32 s7, $0.0e+00;
	_ =	sdelay $0x1  }
0xad: {  	vm2 =	vlt.u32 @p2 v9, $0xA0;
	v8 =	vimm.s32 @p2 $0x0  }
0xae: {  	v10 =	vsel @p2 vm2, $0x1, v8  }
0xaf: {  	vm3 =	vlt.u32 @p2 v6, $0xA0;
	(xrf0) =	vadd.scan.msk.s32 @p2 $0xffff, v10  }
0xb0: {  	vm1 =	vlt.u32 @p2 v7, $0xA0;
	v10 =	vsel @p2 vm3, $0x1, v8  }
0xb1: {  	vm0 =	vlt.u32 @p2 v5, $0xA0;
	v11 =	vsel @p2 vm1, $0x1, v8;
	(xrf0) =	vadd.scan.msk.s32 @p2 $0xffff, v10  }
0xb2: {  	v8 =	vsel @p2 vm0, $0x1, v8;
	(xrf0) =	vadd.scan.msk.s32 @p2 $0xffff, v11  }
0xb3: {  	(xrf0) =	vadd.scan.msk.s32 @p2 $0xffff, v8;
	_ =	sdelay $0x1  }
0xb4: {  	v8, _, _ =	vpop @p2 (xrf0)  }
0xb5: {  	(v2sf) =	vpush @p2 v8, $0xF  }
0xb6: {  	v8, _, _ =	vpop @p2 (xrf0)  }
0xb7: {  	(v2sf) =	vpush @p2 v8, $0xF;
	v8, _, _ =	vpop @p2 (xrf0)  }
0xb8: {  	(v2sf) =	vpush @p2 v8, $0xF;
	v8, _, _ =	vpop @p2 (xrf0)  }
0xb9: {  	(v2sf) =	vpush @p2 v8, $0xF;
	_ =	sdelay $0x8  }
0xba: {  	s7 =	sadd.s32 @p2 $0x0, s28;
	v8 =	vlaneseq.u32 @p2  }
0xbb: {  	v10 =	vor.u32 @p2 s7, v8  }
0xbc: {  	s8 =	sadd.s32 @p2 $0x10, s7;
	[tilespmem:s26+$0x5A00] =	vst.msk @p2 vm2, v10;
	s10 =	spop @p2 (v2sf)  }
0xbd: {  	[tilespmem:s26+$0x7300] =	vst.msk @p2 vm2, v9;
	v9 =	vor.u32 @p2 s8, v8;
	s8 =	sadd.s32 @p2 $0x0, s10  }
0xbe: {  	s10 =	sadd.s32 @p2 $0x20, s7;
	s11 =	spop @p2 (v2sf);
	[tilespmem:s8+$0x5A00] =	vst.msk @p2 vm3, v9  }
0xbf: {  	v9 =	vor.u32 @p2 s10, v8;
	s10 =	sadd.s32 @p2 s11, s8;
	[tilespmem:s8+$0x7300] =	vst.msk @p2 vm3, v6;
	s8 =	spop @p2 (v2sf)  }
0xc0: {  	s7 =	sadd.s32 @p2 $0x30, s7;
	[tilespmem:s10+$0x5A00] =	vst.msk @p2 vm1, v9;
	s8 =	sadd.s32 @p2 s8, s10;
	s11 =	spop @p2 (v2sf)  }
0xc1: {  	s30 =	simm.s32 $0x0;
	v6 =	vor.u32 @p2 s7, v8;
	[tilespmem:s10+$0x7300] =	vst.msk @p2 vm1, v7;
	s10 =	sadd.s32 @p2 s11, s8  }
0xc2: {  	s7 =	simm.s32 $0x40;
	[tilespmem:s8+$0x5A00] =	vst.msk @p2 vm0, v6;
	s30 =	smov.u32 @p2 s10  }
.LBB2_15:
0xc3: {  	[tilespmem:s8+$0x7300] =	vst.msk @p2 vm0, v5;
	s0 =	sadd.s32 $0x40, s0;
	s8 =	smov.u32 s7;
	s7 =	sadd.s32 $0x40, s7  }
0xc4: {  	v5 =	vld [tilespmem:s0+$0xFFFFFFE0];
	p1 =	sne.s32 s7, $0x1900  }
0xc5: {  	v6 =	vld [tilespmem:s0+$0xFFFFFFF0]  }
0xc6: {  	v7 =	vld [tilespmem:s0+$0x0]  }
0xc7: {  	v8 =	vld [tilespmem:s0+$0x10];
	_ =	sdelay $0x2  }
0xc8: {  	v9 =	vsub.s32 v5, v0;
	v6 =	vsub.s32 v6, v0  }
0xc9: {  	vm0 =	vlt.u32 v9, $0xA0;
	vm1 =	vlt.u32 v6, $0xA0;
	v7 =	vsub.s32 v7, v0  }
0xca: {  	vm2 =	vlt.u32 v7, $0xA0;
	v5 =	vsub.s32 v8, v0;
	vm0 =	vmor vm0, vm1  }
0xcb: {  	vm1 =	vlt.u32 v5, $0xA0;
	vm0 =	vmor vm0, vm2  }
0xcc: {  	vm0 =	vmor vm0, vm1  }
0xcd: {  	v8 =	vsel vm0, $0x3F800000, v1  }
0xce: {  	(xrf0) =	vmax.scan.msk.f32 $0xffff, v8;
	_ =	sdelay $0x5  }
0xcf: {  	v8, _, _ =	vpop (xrf0)  }
0xd0: {  	(v2sf) =	vpush v8, $0xF;
	_ =	sdelay $0xe  }
0xd1: {  	s10 =	spop (v2sf)  }
0xd2: {  	p2 =	sgt.f32 s10, $0.0e+00;
	_ =	sdelay $0x1  }
0xd3: {  	vm0 =	vlt.u32 @p2 v9, $0xA0;
	s8 =	sadd.s32 @p2 s8, s28;
	v8 =	vlaneseq.u32 @p2;
	v10 =	vimm.s32 @p2 $0x0  }
0xd4: {  	v11 =	vor.u32 @p2 s8, v8;
	v12 =	vsel @p2 vm0, $0x1, v10;
	s10 =	sadd.s32 @p2 $0x10, s8;
	s11 =	sadd.s32 @p2 $0x20, s8;
	s8 =	sadd.s32 @p2 $0x30, s8  }
0xd5: {  	vm2 =	vlt.u32 @p2 v6, $0xA0;
	[tilespmem:s30+$0x5A00] =	vst.msk @p2 vm0, v11;
	v11 =	vor.u32 @p2 s10, v8;
	(xrf0) =	vadd.scan.msk.s32 @p2 $0xffff, v12  }
0xd6: {  	vm1 =	vlt.u32 @p2 v7, $0xA0;
	v12 =	vor.u32 @p2 s11, v8;
	[tilespmem:s30+$0x7300] =	vst.msk @p2 vm0, v9;
	v9 =	vsel @p2 vm2, $0x1, v10  }
0xd7: {  	v13 =	vsel @p2 vm1, $0x1, v10;
	v8 =	vor.u32 @p2 s8, v8;
	vm0 =	vlt.u32 @p2 v5, $0xA0;
	(xrf0) =	vadd.scan.msk.s32 @p2 $0xffff, v9  }
0xd8: {  	v9 =	vsel @p2 vm0, $0x1, v10;
	(xrf0) =	vadd.scan.msk.s32 @p2 $0xffff, v13  }
0xd9: {  	(xrf0) =	vadd.scan.msk.s32 @p2 $0xffff, v9;
	_ =	sdelay $0x1  }
0xda: {  	v9, _, _ =	vpop @p2 (xrf0)  }
0xdb: {  	(v2sf) =	vpush @p2 v9, $0xF  }
0xdc: {  	v9, _, _ =	vpop @p2 (xrf0)  }
0xdd: {  	(v2sf) =	vpush @p2 v9, $0xF;
	v9, _, _ =	vpop @p2 (xrf0)  }
0xde: {  	(v2sf) =	vpush @p2 v9, $0xF;
	v9, _, _ =	vpop @p2 (xrf0)  }
0xdf: {  	(v2sf) =	vpush @p2 v9, $0xF;
	_ =	sdelay $0xa  }
0xe0: {  	s8 =	spop @p2 (v2sf)  }
0xe1: {  	s8 =	sadd.s32 @p2 s30, s8  }
.Ltmp12:
0xe2: {  	[tilespmem:s8+$0x5A00] =	vst.msk @p2 vm2, v11;
	s10 =	spop @p2 (v2sf);
	(pc) =	sbr.rel @p1 .LBB2_15-.Ltmp12, $4  }
0xe3: {  	[tilespmem:s8+$0x7300] =	vst.msk @p2 vm2, v6;
	s10 =	sadd.s32 @p2 s10, s8;
	s8 =	spop @p2 (v2sf)  }
0xe4: {  	[tilespmem:s10+$0x5A00] =	vst.msk @p2 vm1, v12;
	s8 =	sadd.s32 @p2 s8, s10;
	s11 =	spop @p2 (v2sf)  }
0xe5: {  	[tilespmem:s10+$0x7300] =	vst.msk @p2 vm1, v7;
	s10 =	sadd.s32 @p2 s11, s8  }
0xe6: {  	[tilespmem:s8+$0x5A00] =	vst.msk @p2 vm0, v8;
	s30 =	smov.u32 @p2 s10  }
.Ltmp13:
0xe7: {  	(pc) =	sbr.rel .LBB2_17-.Ltmp13, $2  }
0xe8: {  	_ =	sdelay $0x2  }
0xe9: {  	[tilespmem:s8+$0x7300] =	vst.msk @p2 vm0, v5;
	s12 =	simm.s32 $0x0;
	s0 =	smov.u32 s30;
	s24 =	simm.s32 $0x0  }
.LBB2_20:
0xea: {  	[tilespmem:s11+$0xFC60] =	vst v6  }
0xeb: {  	v6 =	vld [tilespmem:s7+$0x30];
	_ =	sdelay $0x4  }
0xec: {  	v5 =	vmax.f32 v5, v6  }
0xed: {  	[tilespmem:s11+$0xFC70] =	vst v5  }
.LBB2_21:
0xee: {  	s24 =	sadd.s32 $0x1, s24  }
0xef: {  	p1 =	sne.s32 s24, $0x64  }
.Ltmp14:
0xf0: {  	_ = 	snop;
	(pc) =	sbr.rel @!p1 .LBB2_22-.Ltmp14, $2  }
0xf1: {  	_ =	sdelay $0x2  }
0xf2: {  	s0 =	sadd.s32 $0xFFFFFFC0, s0;
	s12 =	sadd.s32 $0x40, s12  }
.LBB2_17:
0xf3: {  	s7 =	sshll.u32 s24, $0x6  }
0xf4: {  	p1 =	sle.s32 s30, s7  }
.Ltmp15:
0xf5: {  	_ = 	snop;
	(pc) =	sbr.rel @p1 .LBB2_21-.Ltmp15, $1  }
0xf6: {  	_ =	sdelay $0x3  }
0xf7: {  	s7 =	sadd.s32 $0x5A00, s7;
	s13 =	simm.s32 $0x0  }
0xf8: {  	[tilespmem:s22], [sflag:$0x1] =	stream.indirect.gather [hbm4b:s4+s21], $0x80, s7, s21, $0xb8;
	[tilespmem:$0x1FC00] =	vst v63  }
0xf9: {  	s8 =	sadd.s32 $0x0, s12;
	s7 =	sand.u32 $0xF, s13  }
0xfa: {  	p1 =	seq.s32 s8, $0x0;
	p2 =	sne.s32 s7, $0x0  }
0xfb: {  	p1 =	por !p1, !p2  }
0xfc: {  	s7 =	simm.s32 $0xFFFFFFFF;
	p1 =	por !p1, !p1  }
0xfd: {  	s7 =	simm.s32 @!p1 $0x0  }
0xfe: {  	_ =	swait.ge [sflag:s23], $0x2000;
	s7 =	sshll.u32 s7, $0x4  }
0xff: {  	[sflag:s23] =	ssyncset.done $0x0;
	s10 =	sadd.s32 s7, s8  }
0x100: {  	[sflag:s23] =	ssyncadd.s32 $0xFFFFE000;
	s10 =	sand.u32 $0xFFFFFFF0, s10  }
0x101: {  	s7 =	sadd.s32 s7, s12;
	v5 =	vld [tilespmem:s10+$0x7300]  }
0x102: {  	s7 =	sand.u32 $0xFFFFFFF0, s7  }
0x103: {  	s7 =	ssub.s32 s8, s7  }
0x104: {  	v6 =	vmov s7  }
0x105: {  	vm0 =	veq.s32 v6, v2  }
0x106: {  	v5 =	vnsel vm0, $0x0, v5  }
0x107: {  	(xrf0) =	vadd.scan.msk.s32 $0xffff, v5;
	_ =	sdelay $0x5  }
0x108: {  	v5, _, _ =	vpop (xrf0)  }
0x109: {  	(v2sf) =	vpush v5, $0xF;
	_ =	sdelay $0xe  }
0x10a: {  	s15 =	spop (v2sf)  }
0x10b: {  	s11 =	sshll.u32 s15, $0x7  }
0x10c: {  	v5 =	vld [tilespmem:s11+$0xAC00];
	_ =	sdelay $0x4  }
0x10d: {  	v6 =	vadd.f32 $1.000000000e+00, v5;
	_ =	sdelay $0x1  }
0x10e: {  	s7 =	simm.s32 $0x8C40;
	[tilespmem:s11+$0xAC00] =	vst v6;
	v6 =	vld [tilespmem:s11+$0xFC00]  }
0x10f: {  	v7 =	vld [tilespmem:s7+$0xFFFFFFC0];
	_ =	sdelay $0x4  }
0x110: {  	v6 =	vmax.f32 v6, v7  }
0x111: {  	[tilespmem:s11+$0xFC00] =	vst v6;
	v6 =	vld [tilespmem:s11+$0xFC10]  }
0x112: {  	v7 =	vld [tilespmem:s7+$0xFFFFFFD0];
	_ =	sdelay $0x4  }
0x113: {  	v6 =	vmax.f32 v6, v7  }
0x114: {  	[tilespmem:s11+$0xFC10] =	vst v6;
	v6 =	vld [tilespmem:s11+$0xFC20]  }
0x115: {  	v7 =	vld [tilespmem:s7+$0xFFFFFFE0];
	_ =	sdelay $0x4  }
0x116: {  	v6 =	vmax.f32 v6, v7  }
0x117: {  	[tilespmem:s11+$0xFC20] =	vst v6;
	v6 =	vld [tilespmem:s11+$0xFC30]  }
0x118: {  	v7 =	vld [tilespmem:s7+$0xFFFFFFF0];
	_ =	sdelay $0x4  }
0x119: {  	v6 =	vmax.f32 v6, v7  }
0x11a: {  	[tilespmem:s11+$0xFC30] =	vst v6;
	v6 =	vld [tilespmem:s11+$0xFC40]  }
0x11b: {  	v7 =	vld [tilespmem:s7+$0x0];
	_ =	sdelay $0x4  }
0x11c: {  	v6 =	vmax.f32 v6, v7  }
0x11d: {  	[tilespmem:s11+$0xFC40] =	vst v6;
	v6 =	vld [tilespmem:s11+$0xFC50]  }
0x11e: {  	v7 =	vld [tilespmem:s7+$0x10];
	_ =	sdelay $0x3  }
0x11f: {  	p1 =	sgt.s32 s0, $0x1;
	s8 =	smov.u32 s0  }
0x120: {  	s8 =	simm.s32 @!p1 $0x1;
	v6 =	vmax.f32 v6, v7  }
0x121: {  	s8 =	smin.u32 s8, $0x40;
	[tilespmem:s11+$0xFC50] =	vst v6;
	v6 =	vld [tilespmem:s11+$0xFC60]  }
0x122: {  	p1 =	sne.s32 s8, $0x1;
	v7 =	vld [tilespmem:s7+$0x20]  }
.Ltmp16:
0x123: {  	_ = 	snop;
	(pc) =	sbr.rel @!p1 .LBB2_20-.Ltmp16, $2  }
0x124: {  	_ =	sdelay $0x2  }
0x125: {  	s31 =	smov.u32 s12;
	s10 =	simm.s32 $0x1;
	v5 =	vld [tilespmem:s11+$0xFC70];
	v6 =	vmax.f32 v6, v7  }
.LBB2_19:
0x126: {  	s13 =	sadd.s32 s10, s12;
	s15 =	sand.u32 $0xF, s10;
	s10 =	sadd.s32 $0x1, s10;
	[tilespmem:s11+$0xFC60] =	vst v6  }
0x127: {  	p2 =	seq.s32 s13, $0x0;
	p3 =	sne.s32 s15, $0x0;
	p1 =	sne.s32 s8, s10;
	v6 =	vld [tilespmem:s7+$0x30]  }
0x128: {  	p2 =	por !p2, !p3  }
0x129: {  	s15 =	simm.s32 $0xFFFFFFFF;
	p2 =	por !p2, !p2  }
0x12a: {  	s15 =	simm.s32 @!p2 $0x0  }
0x12b: {  	s15 =	sshll.u32 s15, $0x4  }
0x12c: {  	s6 =	sadd.s32 s15, s13;
	v5 =	vmax.f32 v5, v6  }
0x12d: {  	s31 =	sadd.s32 $0x1, s31;
	s6 =	sand.u32 $0xFFFFFFF0, s6;
	[tilespmem:s11+$0xFC70] =	vst v5  }
0x12e: {  	v5 =	vld [tilespmem:s6+$0x7300];
	s6 =	sadd.s32 s15, s31  }
0x12f: {  	s6 =	sand.u32 $0xFFFFFFF0, s6  }
0x130: {  	s6 =	ssub.s32 s13, s6  }
0x131: {  	v6 =	vmov s6  }
0x132: {  	vm0 =	veq.s32 v6, v2  }
0x133: {  	v5 =	vnsel vm0, $0x0, v5  }
0x134: {  	(xrf0) =	vadd.scan.msk.s32 $0xffff, v5;
	_ =	sdelay $0x5  }
0x135: {  	v5, _, _ =	vpop (xrf0)  }
0x136: {  	(v2sf) =	vpush v5, $0xF;
	_ =	sdelay $0xe  }
0x137: {  	s6 =	spop (v2sf)  }
0x138: {  	s11 =	sshll.u32 s6, $0x7  }
0x139: {  	v6 =	vld [tilespmem:s11+$0xAC00]  }
0x13a: {  	v5 =	vld [tilespmem:s11+$0xFC70];
	_ =	sdelay $0x3  }
0x13b: {  	v6 =	vadd.f32 $1.000000000e+00, v6;
	_ =	sdelay $0x1  }
0x13c: {  	s7 =	sadd.s32 $0x80, s7;
	[tilespmem:s11+$0xAC00] =	vst v6;
	v6 =	vld [tilespmem:s11+$0xFC00]  }
0x13d: {  	v7 =	vld [tilespmem:s7+$0xFFFFFFC0];
	_ =	sdelay $0x4  }
0x13e: {  	v6 =	vmax.f32 v6, v7  }
0x13f: {  	[tilespmem:s11+$0xFC00] =	vst v6;
	v6 =	vld [tilespmem:s11+$0xFC10]  }
0x140: {  	v7 =	vld [tilespmem:s7+$0xFFFFFFD0];
	_ =	sdelay $0x4  }
0x141: {  	v6 =	vmax.f32 v6, v7  }
0x142: {  	[tilespmem:s11+$0xFC10] =	vst v6;
	v6 =	vld [tilespmem:s11+$0xFC20]  }
0x143: {  	v7 =	vld [tilespmem:s7+$0xFFFFFFE0];
	_ =	sdelay $0x4  }
0x144: {  	v6 =	vmax.f32 v6, v7  }
0x145: {  	[tilespmem:s11+$0xFC20] =	vst v6;
	v6 =	vld [tilespmem:s11+$0xFC30]  }
0x146: {  	v7 =	vld [tilespmem:s7+$0xFFFFFFF0];
	_ =	sdelay $0x4  }
0x147: {  	v6 =	vmax.f32 v6, v7  }
0x148: {  	[tilespmem:s11+$0xFC30] =	vst v6;
	v6 =	vld [tilespmem:s11+$0xFC40]  }
0x149: {  	v7 =	vld [tilespmem:s7+$0x0];
	_ =	sdelay $0x4  }
0x14a: {  	v6 =	vmax.f32 v6, v7  }
0x14b: {  	[tilespmem:s11+$0xFC40] =	vst v6;
	v6 =	vld [tilespmem:s11+$0xFC50]  }
0x14c: {  	v7 =	vld [tilespmem:s7+$0x10];
	_ =	sdelay $0x4  }
0x14d: {  	v6 =	vmax.f32 v6, v7  }
0x14e: {  	[tilespmem:s11+$0xFC50] =	vst v6;
	v6 =	vld [tilespmem:s11+$0xFC60]  }
0x14f: {  	v7 =	vld [tilespmem:s7+$0x20]  }
.Ltmp17:
0x150: {  	(pc) =	sbr.rel @p1 .LBB2_19-.Ltmp17, $2  }
0x151: {  	_ =	sdelay $0x2  }
0x152: {  	v6 =	vmax.f32 v6, v7  }
.Ltmp18:
0x153: {  	_ = 	snop;
	(pc) =	sbr.rel .LBB2_20-.Ltmp18, $1  }
0x154: {  	_ =	sdelay $0x3  }
.LBB2_24:
0x155: {  	_ =	sfence.sel $0x180000  }
0x156: {  	[bflag:$0x0] =	sbarrier.arrive $0xFFFF  }
0x157: {  	_ =	strace $0x9000004A  }
0x158: {  	[bflag:$0x2] =	sbarrier.arrive $0xFFFF  }
0x159: {  	p0 =	sne.s32 s2, $0x0;
	s0 =	rddreg [dreg:$0x3]  }
0x15a: {  	s0 =	sadd.s32 @!p0 $0x100000, s0  }
0x15b: {  	[sflag:s0] =	ssyncadd.tile.s32 @!p0 $0x1;
	_ =	shalt  }
.Lfunc_end2:
_tile_overlayer_lowered:
.L_overlay_start_2:
0x15c: {  	(tag) =	ssettag $0x2  }
0x15d: {  	s0 =	rddreg [dreg:$0x0];
	s2 =	stileid.u32  }
0x15e: {  	s1 =	rddreg [dreg:$0x1];
	p0 =	sne.s32 s2, $0x0  }
0x15f: {  	s3 =	rddreg [dreg:$0x2];
	[bflag:$0x3] =	sbarrier.arrive $0xFFFF;
	s2 =	simm.s32 @!p0 $0x1C02  }
0x160: {  	[timem:s3], [sflag:s2] =	dma.local @!p0 [hbm:s0], s1  }
0x161: {  	s0 =	simm.s32 @!p0 $0x2  }
0x162: {  	_ =	swait.ge @!p0 [sflag:s0], s1  }
0x163: {  	s1 =	ssub.s32 @!p0 $0x0, s1;
	[sflag:s0] =	ssyncset.done @!p0 $0x0  }
0x164: {  	[sflag:s0] =	ssyncadd.s32 @!p0 s1  }
0x165: {  	[bflag:$0x3] =	sbarrier.arrive $0xFFFF  }
0x166: {  	_ =	shalt  }

// kernel: kernel.7.cloned.1.call-start
scs
__scs_entry_jumppad:
0x0: {  	(pc) =	sbr.rel $0x88, $3  }
0x1: {  	(tag) =	ssettag $0x0;
	lr =	simm.s32 $0x1  }
0x2: {  	[smem:$0x3F78] =	sst lr;
	_ =	strace $0xD0000000  }
0x3: {  	_ = 	snop  }
0x4: {  	_ = 	snop  }
0x5: {  	_ = 	snop  }
0x6: {  	_ = 	snop  }
0x7: {  	_ = 	snop  }
__scs_overlays_trampoline_lowered:
0x8: {  	[smem:$0x3F87] =	sst s0  }
0x9: {  	[smem:$0x3F88] =	sst s1  }
0xa: {  	[smem:$0x3F89] =	sst s2  }
0xb: {  	[smem:$0x3F8A] =	sst s3  }
0xc: {  	[smem:$0x3F8B] =	sst s4  }
0xd: {  	[smem:$0x3F8C] =	sst s5  }
0xe: {  	[smem:$0x3F8D] =	sst s6  }
0xf: {  	[smem:$0x3F8E] =	sst s7  }
0x10: {  	[smem:$0x3F8F] =	sst s8  }
0x11: {  	[smem:$0x3F90] =	sst s9;
	s0 =	simm.s32 @!p0 $0x0  }
0x12: {  	s1 =	sld [smem:$0x3F76];
	s0 =	simm.s32 @p0 $0x1  }
0x13: {  	[smem:$0x3F91] =	sst s0;
	s0 =	simm.s32 @!p1 $0x0  }
0x14: {  	s2 =	sld [smem:$0x3F75];
	s0 =	simm.s32 @p1 $0x1  }
0x15: {  	[smem:$0x3F92] =	sst s0;
	s0 =	simm.s32 @!p2 $0x0  }
0x16: {  	s3 =	sld [smem:$0x3FDB];
	s0 =	simm.s32 @p2 $0x1  }
0x17: {  	s4 =	simm.s32 $0x1BF5;
	[smem:$0x3F94] =	sst s0  }
0x18: {  	s0 =	sld [smem:$0x3F77];
	_ =	swait.ge [sflag:s4], $0x0  }
0x19: {  	s7 =	sld [smem:$0x3F78]  }
0x1a: {  	s8 =	sadd.s32 $0xFFFFE003, lr  }
0x1b: {  	s9 =	sadd.s32 $0xFFFFFEF7, lr;
	s5 =	simm.s32 $0xFFFFFFFF;
	p2 =	slt.u32 s8, $0xFFFFF086  }
0x1c: {  	p1 =	slt.u32 s9, $0xF7A;
	s5 =	simm.s32 @!p2 $0x0  }
0x1d: {  	s5 =	simm.s32 @p1 $0x1;
	p0 =	seq.s32 s7, s2  }
0x1e: {  	s7 =	smul.u32 @!p0 $0xF7A, s2;
	p2 =	seq.s32 @!p0 s5, $0x0  }
0x1f: {  	s9 =	smul.u32 $0xF7A, s1;
	s8 =	simm.s32 @!p0 $0x1BF5;
	p2 =	por !p2, p0  }
0x20: {  	[sflag:s8] =	ssyncset.s32 @!p0 $0xFFFFF086;
	s6 =	sadd.s32 @!p0 s3, s7;
	s7 =	simm.s32 @!p0 $0x108  }
0x21: {  	s3 =	sadd.s32 s3, s9;
	s6 =	sadd.s32 @!p0 $0x88, s6;
	s7 =	simm.s32 @p2 $0x1082  }
0x22: {  	[simem:s7], [sflag:s8] =	dma.local @!p0 [hbm:s6], $0xF7A  }
0x23: {  	s9 =	sor.u32 $0xD0000000, s2;
	s6 =	simm.s32 $0x108;
	_ =	swait.ge @!p0 [sflag:s8], $0x0  }
0x24: {  	s3 =	sadd.s32 $0x88, s3;
	s6 =	simm.s32 @!p1 $0x1082;
	[sflag:s4] =	ssyncset.s32 $0xFFFFF086  }
0x25: {  	[simem:s6], [sflag:s4] =	dma.local [hbm:s3], $0xF7A  }
0x26: {  	[smem:$0x3F78] =	sst s1;
	(tag) =	ssettag s2;
	_ =	strace s9  }
0x27: {  	s1 =	sld [smem:$0x3F88]  }
0x28: {  	s2 =	sld [smem:$0x3F89]  }
0x29: {  	s4 =	sld [smem:$0x3F8B]  }
0x2a: {  	p0 =	seq.s32 s5, $0x0;
	s5 =	sld [smem:$0x3F8C]  }
0x2b: {  	s6 =	sld [smem:$0x3F8D]  }
0x2c: {  	s7 =	sld [smem:$0x3F8E]  }
0x2d: {  	s3 =	simm.s32 $0x108;
	s8 =	sld [smem:$0x3F8F]  }
0x2e: {  	s3 =	simm.s32 @!p0 $0x1082;
	s9 =	sld [smem:$0x3F90]  }
0x2f: {  	lr =	sadd.s32 s0, s3;
	s0 =	sld [smem:$0x3F87]  }
0x30: {  	s3 =	sld [smem:$0x3F8A]  }
0x31: {  	[smem:$0x3F93] =	sst s10  }
0x32: {  	s10 =	sld [smem:$0x3F91];
	_ =	sdelay $0x3  }
0x33: {  	p0 =	seq.s32 s10, $0x1;
	s10 =	sld [smem:$0x3F93];
	_ =	sdelay $0x3  }
0x34: {  	[smem:$0x3F93] =	sst s10  }
0x35: {  	s10 =	sld [smem:$0x3F92];
	_ =	sdelay $0x3  }
0x36: {  	p1 =	seq.s32 s10, $0x1;
	s10 =	sld [smem:$0x3F93];
	_ =	sdelay $0x3  }
0x37: {  	[smem:$0x3F93] =	sst s10  }
0x38: {  	s10 =	sld [smem:$0x3F94]  }
0x39: {  	_ = 	snop;
	(pc) =	sbr.ind lr, $3  }
0x3a: {  	_ = 	snop  }
0x3b: {  	_ = 	snop  }
0x3c: {  	p2 =	seq.s32 s10, $0x1;
	s10 =	sld [smem:$0x3F93]  }
0x3d: {  	_ =	shalt  }
0x3e: {  	_ =	shalt  }
0x3f: {  	_ =	shalt  }
0x40: {  	_ =	shalt  }
0x41: {  	_ =	shalt  }
0x42: {  	_ =	shalt  }
0x43: {  	_ =	shalt  }
0x44: {  	_ =	shalt  }
0x45: {  	_ =	shalt  }
0x46: {  	_ =	shalt  }
0x47: {  	_ =	shalt  }
0x48: {  	_ =	shalt  }
0x49: {  	_ =	shalt  }
0x4a: {  	_ =	shalt  }
0x4b: {  	_ =	shalt  }
0x4c: {  	_ =	shalt  }
0x4d: {  	_ =	shalt  }
0x4e: {  	_ =	shalt  }
0x4f: {  	_ =	shalt  }
0x50: {  	_ =	shalt  }
0x51: {  	_ =	shalt  }
0x52: {  	_ =	shalt  }
0x53: {  	_ =	shalt  }
0x54: {  	_ =	shalt  }
0x55: {  	_ =	shalt  }
0x56: {  	_ =	shalt  }
0x57: {  	_ =	shalt  }
0x58: {  	_ =	shalt  }
0x59: {  	_ =	shalt  }
0x5a: {  	_ =	shalt  }
0x5b: {  	_ =	shalt  }
0x5c: {  	_ =	shalt  }
0x5d: {  	_ =	shalt  }
0x5e: {  	_ =	shalt  }
0x5f: {  	_ =	shalt  }
0x60: {  	_ =	shalt  }
0x61: {  	_ =	shalt  }
0x62: {  	_ =	shalt  }
0x63: {  	_ =	shalt  }
0x64: {  	_ =	shalt  }
0x65: {  	_ =	shalt  }
0x66: {  	_ =	shalt  }
0x67: {  	_ =	shalt  }
0x68: {  	_ =	shalt  }
0x69: {  	_ =	shalt  }
0x6a: {  	_ =	shalt  }
0x6b: {  	_ =	shalt  }
0x6c: {  	_ =	shalt  }
0x6d: {  	_ =	shalt  }
0x6e: {  	_ =	shalt  }
0x6f: {  	_ =	shalt  }
0x70: {  	_ =	shalt  }
0x71: {  	_ =	shalt  }
0x72: {  	_ =	shalt  }
0x73: {  	_ =	shalt  }
0x74: {  	_ =	shalt  }
0x75: {  	_ =	shalt  }
0x76: {  	_ =	shalt  }
0x77: {  	_ =	shalt  }
0x78: {  	_ =	shalt  }
0x79: {  	_ =	shalt  }
0x7a: {  	_ =	shalt  }
0x7b: {  	_ =	shalt  }
0x7c: {  	_ =	shalt  }
0x7d: {  	_ =	shalt  }
0x7e: {  	_ =	shalt  }
0x7f: {  	_ =	shalt  }
0x80: {  	_ =	shalt  }
0x81: {  	_ =	shalt  }
0x82: {  	_ =	shalt  }
0x83: {  	_ =	shalt  }
0x84: {  	_ =	shalt  }
0x85: {  	_ =	shalt  }
0x86: {  	_ =	shalt  }
0x87: {  	_ =	shalt  }
.Lfunc_end0:
.L_simem_size_0:
called_computation_lowered:
.L_overlay_start_0:
0x88: {  	s2 =	sld [smem:$0x3FD9]  }
0x89: {  	s3 =	sld [smem:$0x3FFE];
	_ =	sdelay $0x1  }
0x8a: {  	s1 =	srdreg.scid  }
0x8b: {  	s0 =	sand.u32 $0x1, s1  }
0x8c: {  	s17 =	sshll.u32 s0, $0xA;
	s2 =	sadd.s32 s3, s2  }
0x8d: {  	s2 =	sadd.s32 s2, s17  }
0x8e: {  	[smem:$0x3F9F] =	sst s2  }
0x8f: {  	_ = 	snop  }
0x90: {  	s2 =	sld [smem:$0x3FC9]  }
0x91: {  	s18 =	sld [smem:$0x3FD0];
	(tm) =	ssettm $0x1  }
0x92: {  	s4 =	sld [smem:$0x3FFB];
	_ =	sdelay $0x3  }
0x93: {  	_ =	strace s4  }
0x94: {  	s4 =	sld [smem:$0x3FFC];
	_ =	sdelay $0x3  }
0x95: {  	_ =	strace s4  }
0x96: {  	s4 =	sld [smem:$0x3FFD];
	_ =	sdelay $0x3  }
0x97: {  	_ =	strace s4  }
0x98: {  	_ =	strace $0x8FFFFFFF  }
0x99: {  	s19 =	sld [smem:$0x3FDB];
	_ =	sdelay $0x1  }
0x9a: {  	s5 =	simm.s32 $_scs_section_size  }
0x9b: {  	s6 =	simm.s32 $_size__tile_overlayer_lowered;
	s7 =	simm.s32 $_tile_overlayer_lowered  }
0x9c: {  	s22 =	simm.s32 $0x1BFF;
	s21 =	sshll.u32 s7, $0x1;
	s4 =	sadd.s32 s5, s19  }
0x9d: {  	s8 =	simm.s32 $0x0;
	s20 =	sshll.u32 s6, $0x1;
	s6 =	sadd.s32 s21, s4  }
0x9e: {  	[timem:s8], [sflag:s22] =	dma.local [hbm:s6], s20  }
0x9f: {  	_ =	swait.ge [sflag:s22], s20  }
0xa0: {  	s5 =	ssub.s32 $0x0, s20;
	[sflag:s22] =	ssyncset.done $0x0  }
0xa1: {  	[sflag:s22] =	ssyncadd.s32 s5;
	_ =	sdelay $0x1  }
0xa2: {  	s23 =	simm.s32 $0x1B8B  }
0xa3: {  	_ =	swait.ge [sflag:s23], $0x1  }
0xa4: {  	[sflag:s23] =	ssyncset.done $0x0  }
0xa5: {  	s25 =	simm.s32 $0x1B8E;
	s24 =	sld [smem:$0x3FFE];
	[sflag:s23] =	ssyncadd.s32 $0xFFFFFFFF  }
0xa6: {  	s26 =	simm.s32 $execute0_lowered;
	[smem:$0x3FD2] =	sst s25  }
0xa7: {  	s6 =	sshll.u32 s26, $0x1;
	_ =	strace $0x80000046;
	[dreg:$0x1] =	wrdreg $0xFFFFFFFF  }
0xa8: {  	s28 =	simm.s32 $_size_execute0_lowered;
	s4 =	sadd.s32 s4, s6;
	[dreg:$0x0] =	wrdreg $0x0  }
0xa9: {  	s6 =	sshll.u32 s28, $0x1;
	[dreg:$0x2] =	wrdreg s4  }
0xaa: {  	[dreg:$0x3] =	wrdreg s6  }
0xab: {  	[dreg:$0x4] =	wrdreg $0xC0  }
0xac: {  	_ =	task [dreg:s8], $0x5FFFF  }
0xad: {  	[dreg:$0x1] =	wrdreg $0xFFFFFFFF  }
0xae: {  	[dreg:$0x0] =	wrdreg $0x60  }
0xaf: {  	[dreg:$0x2] =	wrdreg s2  }
0xb0: {  	[dreg:$0x3] =	wrdreg s18  }
0xb1: {  	[dreg:$0x4] =	wrdreg s24  }
0xb2: {  	[dreg:$0x5] =	wrdreg $0x9  }
0xb3: {  	_ =	task.clear_ibuf [dreg:s8], $0x6FFFF;
	_ =	strace $0x90000046  }
0xb4: {  	s29 =	simm.s32 $0x9;
	_ =	strace $0x80000048  }
0xb5: {  	_ =	swait.ge [sflag:s29], $0x1  }
0xb6: {  	[sflag:s29] =	ssyncadd.s32 $0xFFFFFFFF  }
0xb7: {  	_ =	strace $0x90000048  }
0xb8: {  	_ =	sfence  }
0xb9: {  	s30 =	sld [smem:$0x0];
	_ =	sdelay $0x2  }
0xba: {  	s31 =	sshll.u32 s1, $0xD;
	s1 =	sshrl.u32 s1, $0x2  }
0xbb: {  	s3 =	sand.u32 $0x4000, s31;
	s1 =	sadd.s32 s1, s30  }
0xbc: {  	s0 =	sor.u32 s3, s0;
	s1 =	sshll.u32 s1, $0x11  }
0xbd: {  	s0 =	sor.u32 s1, s0  }
0xbe: {  	s0 =	sadd.s32 $0x8F2B, s0  }
0xbf: {  	[sflag:s0] =	ssyncadd.remote.s32 $0x1  }
0xc0: {  	_ =	sfence.sel $0xFFFF  }
0xc1: {  	[dreg:$0x0] =	wrdreg $0xFFFFFFFF;
	(pc) =	sbr.abs _section_cstart, $3  }
0xc2: {  	[dreg:$0x1] =	wrdreg $0xFFFFFFFF  }
0xc3: {  	_ =	task.clear_ibuf [dreg:s8], $0x2FFFF;
	_ =	strace $0x9FFFFFFF  }
0xc4: {  	(tm) =	ssettm $0x7FFFFFFF  }
0xc5: {  	_ =	shalt  }
tec
execute0_lowered:
.L_overlay_start_1:
0x0: {  	(tag) =	ssettag $0x1  }
0x1: {  	s1 =	rddreg [dreg:$0x0]  }
0x2: {  	s7 =	rddreg [dreg:$0x1]  }
0x3: {  	s4 =	rddreg [dreg:$0x2]  }
0x4: {  	s0 =	rddreg [dreg:$0x3];
	s3 =	simm.s32 $0x0;
	s2 =	stileid.u32  }
0x5: {  	s5 =	srdreg.scid;
	s13 =	simm.s32 $0x100;
	s14 =	simm.s32 $0x180  }
0x6: {  	s15 =	simm.s32 $0x200;
	s16 =	simm.s32 $0x4200;
	s17 =	simm.s32 $0x8200  }
0x7: {  	s18 =	simm.s32 $0xC200;
	s19 =	simm.s32 $0x1;
	s20 =	simm.s32 $0x2  }
0x8: {  	s21 =	simm.s32 $0x0;
	[smem:$0x7FF] =	sst s3;
	s8 =	sshll.u32 s2, $0x6  }
0x9: {  	s9 =	sand.u32 $0x1, s5;
	s6 =	sshll.u32 s2, $0xD;
	_ =	strace $0x80000047  }
0xa: {  	s28 =	sadd.s32 s8, s4;
	s10 =	ssub.s32 $0x2, s9;
	s11 =	sadd.s32 s6, s4  }
.Ltmp0:
0xb: {  	s12 =	sshll.u32 s9, $0x5;
	s4 =	sshll.u32 s2, $0x1;
	(pc) =	sbr.rel .LBB2_1-.Ltmp0, $4  }
0xc: {  	s7 =	sadd.s32 s8, s7;
	s8 =	sshll.u32 s9, $0xC;
	s29 =	sshrl.u32 s10, $0x1  }
0xd: {  	s31 =	sadd.s32 s12, s28;
	s7 =	sadd.s32 s12, s7;
	s9 =	sadd.s32 $0x11400, s11  }
0xe: {  	s12 =	simm.s32 $0x80;
	s30 =	ssub.s32 s10, s29;
	s6 =	sadd.s32 $0x7600, s31  }
0xf: {  	s10 =	sadd.s32 $0x4F3400, s11;
	s11 =	simm.s32 $0x3;
	s5 =	smax.u32 s30, $0x1  }
.LBB2_5:
0x10: {  	s21 =	sadd.s32 $0x1, s21  }
0x11: {  	p0 =	sne.s32 s21, s5  }
.Ltmp1:
0x12: {  	_ = 	snop;
	(pc) =	sbr.rel @!p0 .LBB2_6-.Ltmp1, $1  }
0x13: {  	_ =	sdelay $0x3  }
.LBB2_1:
.Ltmp2:
0x14: {  	(pc) =	sbr.rel .LBB2_2-.Ltmp2, $3  }
0x15: {  	_ =	sdelay $0x1  }
0x16: {  	s22 =	smov.u32 s4  }
0x17: {  	s23 =	smov.u32 s10;
	s24 =	smov.u32 s9;
	s25 =	simm.s32 $0x0  }
.LBB2_4:
0x18: {  	s25 =	sadd.s32 $0x400, s25  }
0x19: {  	p0 =	sne.s32 s25, $0xA000  }
.Ltmp3:
0x1a: {  	_ = 	snop;
	(pc) =	sbr.rel @!p0 .LBB2_5-.Ltmp3, $2  }
0x1b: {  	_ =	sdelay $0x2  }
0x1c: {  	s24 =	sadd.s32 $0x20000, s24;
	s23 =	sadd.s32 $0x20000, s23;
	s22 =	sadd.s32 $0x20, s22  }
.LBB2_2:
0x1d: {  	p0 =	sgt.u32 s22, $0x4E1  }
.Ltmp4:
0x1e: {  	_ = 	snop;
	(pc) =	sbr.rel @p0 .LBB2_4-.Ltmp4, $1  }
0x1f: {  	_ =	sdelay $0x3  }
0x20: {  	s26 =	sadd.s32 s25, s7  }
0x21: {  	[tilespmem:s3], [sflag:$0x3] =	stream.linear.gather [hbm4b:s26+s3], $0x80, $0x38;
	[tilespmem:$0x10200] =	vst v63  }
0x22: {  	_ =	swait.ge [sflag:s11], $0x80  }
0x23: {  	[sflag:s11] =	ssyncset.done $0x0  }
0x24: {  	s26 =	sadd.s32 $0x10, s26;
	[sflag:s11] =	ssyncadd.s32 $0xFFFFFF80  }
0x25: {  	[tilespmem:s12], [sflag:$0x3] =	stream.linear.gather [hbm4b:s26+s3], $0x80, $0x38;
	[tilespmem:$0x10200] =	vst v63  }
0x26: {  	_ =	swait.ge [sflag:s11], $0x80  }
0x27: {  	[sflag:s11] =	ssyncset.done $0x0  }
0x28: {  	s29 =	sadd.s32 s25, s6;
	[sflag:s11] =	ssyncadd.s32 $0xFFFFFF80  }
0x29: {  	[tilespmem:s13], [sflag:$0x3] =	stream.linear.gather [hbm4b:s29+s3], $0x80, $0x38;
	[tilespmem:$0x10200] =	vst v63  }
0x2a: {  	_ =	swait.ge [sflag:s11], $0x80  }
0x2b: {  	[sflag:s11] =	ssyncset.done $0x0  }
0x2c: {  	s26 =	sadd.s32 $0x10, s29;
	[sflag:s11] =	ssyncadd.s32 $0xFFFFFF80  }
0x2d: {  	[tilespmem:s14], [sflag:$0x3] =	stream.linear.gather [hbm4b:s26+s3], $0x80, $0x38;
	[tilespmem:$0x10200] =	vst v63  }
0x2e: {  	_ =	swait.ge [sflag:s11], $0x80  }
0x2f: {  	[sflag:s11] =	ssyncset.done $0x0  }
0x30: {  	[sflag:s11] =	ssyncadd.s32 $0xFFFFFF80  }
0x31: {  	[tilespmem:s15], [sflag:$0x1] =	stream.indirect.gather [hbm4b:s1+s12], $0x80, s3, s12, $0xb8;
	[tilespmem:$0x10200] =	vst v63  }
0x32: {  	_ = 	snop  }
0x33: {  	[tilespmem:s16], [sflag:$0x1] =	stream.indirect.gather [hbm4b:s1+s12], $0x80, s12, s12, $0xb8;
	[tilespmem:$0x10200] =	vst v63  }
0x34: {  	_ = 	snop  }
0x35: {  	[tilespmem:s17], [sflag:$0x1] =	stream.indirect.gather [hbm4b:s1+s12], $0x80, s13, s12, $0xb8;
	[tilespmem:$0x10200] =	vst v63  }
0x36: {  	_ = 	snop  }
0x37: {  	[tilespmem:s18], [sflag:$0x1] =	stream.indirect.gather [hbm4b:s1+s12], $0x80, s14, s12, $0xb8;
	[tilespmem:$0x10200] =	vst v63  }
0x38: {  	_ =	swait.ge [sflag:s19], $0x4000  }
0x39: {  	[sflag:s19] =	ssyncset.done $0x0  }
0x3a: {  	[sflag:s19] =	ssyncadd.s32 $0xFFFFC000  }
0x3b: {  	_ =	swait.ge [sflag:s19], $0x4000  }
0x3c: {  	[sflag:s19] =	ssyncset.done $0x0  }
0x3d: {  	[sflag:s19] =	ssyncadd.s32 $0xFFFFC000  }
0x3e: {  	_ =	swait.ge [sflag:s19], $0x4000  }
0x3f: {  	[sflag:s19] =	ssyncset.done $0x0  }
0x40: {  	[sflag:s19] =	ssyncadd.s32 $0xFFFFC000  }
0x41: {  	_ =	swait.ge [sflag:s19], $0x4000  }
0x42: {  	[sflag:s19] =	ssyncset.done $0x0  }
0x43: {  	s30 =	sadd.s32 s24, s8;
	[sflag:s19] =	ssyncadd.s32 $0xFFFFC000  }
0x44: {  	[hbm4b:s30+s3] =	stream.linear.scatter [tilespmem:s15], [sflag:$0x3], $0x4000, $0x38;
	[tilespmem:$0x10200] =	vst v63  }
0x45: {  	_ =	swait.ge [sflag:s11], $0x4000  }
0x46: {  	[sflag:s11] =	ssyncset.done $0x0  }
0x47: {  	s26 =	sadd.s32 $0x800, s30;
	[sflag:s11] =	ssyncadd.s32 $0xFFFFC000  }
0x48: {  	[hbm4b:s26+s3] =	stream.linear.scatter [tilespmem:s16], [sflag:$0x3], $0x4000, $0x38;
	[tilespmem:$0x10200] =	vst v63  }
0x49: {  	_ =	swait.ge [sflag:s11], $0x4000  }
0x4a: {  	[sflag:s11] =	ssyncset.done $0x0  }
0x4b: {  	s31 =	sadd.s32 s23, s8;
	[sflag:s11] =	ssyncadd.s32 $0xFFFFC000  }
0x4c: {  	[hbm4b:s31+s3] =	stream.linear.scatter [tilespmem:s17], [sflag:$0x3], $0x4000, $0x38;
	[tilespmem:$0x10200] =	vst v63  }
0x4d: {  	_ =	swait.ge [sflag:s11], $0x4000  }
0x4e: {  	[sflag:s11] =	ssyncset.done $0x0  }
.Ltmp5:
0x4f: {  	s26 =	sadd.s32 $0x800, s31;
	[sflag:s11] =	ssyncadd.s32 $0xFFFFC000;
	(pc) =	sbr.rel .LBB2_4-.Ltmp5, $4  }
0x50: {  	[hbm4b:s26+s3] =	stream.linear.scatter [tilespmem:s18], [sflag:$0x2], $0x4000, $0x38;
	[tilespmem:$0x10200] =	vst v63  }
0x51: {  	_ =	swait.ge [sflag:s20], $0x4000  }
0x52: {  	[sflag:s20] =	ssyncset.done $0x0  }
0x53: {  	[sflag:s20] =	ssyncadd.s32 $0xFFFFC000  }
.LBB2_6:
0x54: {  	_ =	sfence.sel $0x180000  }
0x55: {  	[bflag:$0x0] =	sbarrier.arrive $0xFFFF  }
0x56: {  	p0 =	sne.s32 s2, $0x0;
	_ =	strace $0x90000047  }
0x57: {  	s0 =	sadd.s32 @!p0 $0x100000, s0;
	[bflag:$0x2] =	sbarrier.arrive $0xFFFF  }
0x58: {  	[sflag:s0] =	ssyncadd.tile.s32 @!p0 $0x1;
	_ =	shalt  }
.Lfunc_end2:
_tile_overlayer_lowered:
.L_overlay_start_2:
0x59: {  	(tag) =	ssettag $0x2  }
0x5a: {  	s0 =	rddreg [dreg:$0x0];
	s2 =	stileid.u32  }
0x5b: {  	s1 =	rddreg [dreg:$0x1];
	p0 =	sne.s32 s2, $0x0  }
0x5c: {  	s3 =	rddreg [dreg:$0x2];
	[bflag:$0x3] =	sbarrier.arrive $0xFFFF;
	s2 =	simm.s32 @!p0 $0x1C02  }
0x5d: {  	[timem:s3], [sflag:s2] =	dma.local @!p0 [hbm:s0], s1  }
0x5e: {  	s0 =	simm.s32 @!p0 $0x2  }
0x5f: {  	_ =	swait.ge @!p0 [sflag:s0], s1  }
0x60: {  	s1 =	ssub.s32 @!p0 $0x0, s1;
	[sflag:s0] =	ssyncset.done @!p0 $0x0  }
0x61: {  	[sflag:s0] =	ssyncadd.s32 @!p0 s1  }
0x62: {  	[bflag:$0x3] =	sbarrier.arrive $0xFFFF  }
0x63: {  	_ =	shalt  }

</sc_bundles>
